<compile_context>
chip_gen: v7x
topology: tpu7x:2x2x1
jax: 0.10.2.dev20260603
libtpu: 0.0.44.dev20260713+nightly
codegen_flags: <defaults>
</compile_context>

<pallas_src>
import functools

import jax
import jax.numpy as jnp
from jax import lax
from jax.experimental import pallas as pl
from jax.experimental.pallas import tpu as pltpu
from jax.experimental.pallas import tpu_sc as plsc

_N = 10000
_K = 32
_D = 128

_BP = 327680
_CH = 128
_NCH0 = 80
_NCH1 = 80
_BPW0 = _NCH0 * _CH
_BPW1 = _NCH1 * _CH
_BP0 = 16 * _BPW0
_SLOW_C = 1

_BN = 80
_NBLK = _N // _BN
_R = _BN * _K


def _silu(x):
    return x * (1.0 / (1.0 + jnp.exp(-x)))


def _ln_rows(x, g, b):
    m = jnp.mean(x, axis=-1, keepdims=True)
    xc = x - m
    v = jnp.mean(xc * xc, axis=-1, keepdims=True)
    return xc * lax.rsqrt(v + 1e-5) * g + b


def _dot(a, b):
    return jnp.dot(a, b, preferred_element_type=jnp.float32)



_NBUF = 5


def _sc_gather(table, idx_pad):
    mesh = plsc.VectorSubcoreMesh(core_axis_name="c", subcore_axis_name="s")

    @functools.partial(
        pl.kernel,
        mesh=mesh,
        out_type=jax.ShapeDtypeStruct((_BP, _D), jnp.float32),
        scratch_types=(
            [pltpu.VMEM((_BPW1,), jnp.int32),
             pltpu.VMEM((_NBUF, _CH, _D), jnp.float32)]
            + [pltpu.SemaphoreType.DMA] * (2 * _NBUF)
        ),
    )
    def gather_kernel(table_hbm, idx_hbm, out_hbm, idx_v, bufs, *sems):
        gsems, wsems = sems[:_NBUF], sems[_NBUF:]
        c = lax.axis_index("c")
        s = lax.axis_index("s")
        slow = c == _SLOW_C
        base = jnp.where(slow, s * _BPW0, _BP0 + s * _BPW1)
        base = pl.multiple_of(base, _CH)
        ngrp = jnp.where(slow, _NCH0 // _NBUF, _NCH1 // _NBUF)
        nch = jnp.where(slow, _NCH0, _NCH1)
        pltpu.sync_copy(idx_hbm.at[pl.ds(base, _BPW1)], idx_v)

        def group(g, carry):
            @pl.when(g < ngrp)
            def _run():
                c0 = g * _NBUF
                for b in range(_NBUF):
                    o = pl.multiple_of((c0 + b) * _CH, _CH)

                    @pl.when(g > 0)
                    def _wait_prev_write(o=o, b=b):
                        pltpu.make_async_copy(
                            bufs.at[b], out_hbm.at[pl.ds(base + o, _CH)],
                            wsems[b]).wait()

                    pltpu.async_copy(
                        table_hbm.at[idx_v.at[pl.ds(o, _CH)]], bufs.at[b],
                        gsems[b])
                for b in range(_NBUF):
                    o = pl.multiple_of((c0 + b) * _CH, _CH)
                    pltpu.make_async_copy(
                        table_hbm.at[idx_v.at[pl.ds(o, _CH)]], bufs.at[b],
                        gsems[b]).wait()
                    pltpu.async_copy(
                        bufs.at[b], out_hbm.at[pl.ds(base + o, _CH)],
                        wsems[b])
            return carry

        lax.fori_loop(0, _NCH1 // _NBUF, group, 0)
        for b in range(_NBUF):
            o = pl.multiple_of((nch - _NBUF + b) * _CH, _CH)
            pltpu.make_async_copy(
                bufs.at[b], out_hbm.at[pl.ds(base + o, _CH)], wsems[b]).wait()

    return gather_kernel(table, idx_pad)



def _precompute_p(nodes, w1b):
    def body(nodes_ref, w_ref, out_ref):
        out_ref[...] = _dot(nodes_ref[...], w_ref[...])

    return pl.pallas_call(
        body,
        out_shape=jax.ShapeDtypeStruct((_N, _D), jnp.float32),
    )(nodes, w1b)




def _full(shp):
    return pl.BlockSpec(shp, lambda i: tuple(0 for _ in shp))


def _stage1(nodes, pg, edges2d, mask2d, w1a, b1, w1c, w2, b2, w3, b3, w4, b4,
            f1, fb1, f2, fb2, g1, gb1, g2, gb2, e1b):
    def body(nodes_ref, pg_ref, edges_ref, mask_ref, w1a_ref, b1_ref, w1c_ref,
             w2_ref, b2_ref, w3_ref, b3_ref, w4_ref, b4_ref,
             f1_ref, fb1_ref, f2_ref, fb2_ref, g1_ref, gb1_ref, g2_ref,
             gb2_ref, e1b_ref, nodes_out, q_out):
        nb = nodes_ref[...]
        a1 = _dot(nb, w1a_ref[...]) + b1_ref[...]
        x = pg_ref[...].astype(jnp.float32) + _dot(edges_ref[...],
                                                   w1c_ref[...])
        x = x.reshape(_BN, _K, _D) + a1[:, None, :]
        h = _silu(x).reshape(_R, _D)
        h = _silu(_dot(h, w2_ref[...]) + b2_ref[...])
        h = _silu(_dot(h, w3_ref[...]) + b3_ref[...])
        h = _dot(h, w4_ref[...]) + b4_ref[...]
        s = jnp.sum((h * mask_ref[...]).reshape(_BN, _K, _D), axis=1)
        x1 = _ln_rows(nb + s, g1_ref[...], gb1_ref[...])
        hid = _silu(_dot(x1, f1_ref[...]) + fb1_ref[...])
        y = _ln_rows(x1 + _dot(hid, f2_ref[...]) + fb2_ref[...],
                     g2_ref[...], gb2_ref[...])
        nodes_out[...] = y
        q_out[...] = _dot(y, e1b_ref[...])

    return pl.pallas_call(
        body,
        grid=(_NBLK,),
        in_specs=[
            pl.BlockSpec((_BN, _D), lambda i: (i, 0)),
            pl.BlockSpec((_R, _D), lambda i: (i, 0)),
            pl.BlockSpec((_R, _D), lambda i: (i, 0)),
            pl.BlockSpec((_R, 1), lambda i: (i, 0)),
            _full((_D, _D)), _full((1, _D)), _full((_D, _D)),
            _full((_D, _D)), _full((1, _D)),
            _full((_D, _D)), _full((1, _D)),
            _full((_D, _D)), _full((1, _D)),
            _full((_D, 4 * _D)), _full((1, 4 * _D)),
            _full((4 * _D, _D)), _full((1, _D)),
            _full((1, _D)), _full((1, _D)), _full((1, _D)), _full((1, _D)),
            _full((_D, _D)),
        ],
        out_specs=[
            pl.BlockSpec((_BN, _D), lambda i: (i, 0)),
            pl.BlockSpec((_BN, _D), lambda i: (i, 0)),
        ],
        out_shape=[
            jax.ShapeDtypeStruct((_N, _D), jnp.float32),
            jax.ShapeDtypeStruct((_N, _D), jnp.float32),
        ],
    )(nodes, pg, edges2d, mask2d, w1a, b1, w1c, w2, b2, w3, b3, w4, b4,
      f1, fb1, f2, fb2, g1, gb1, g2, gb2, e1b)


def _stage2(nodes1, qg, edges2d, e1a, eb1, e1c, w2, b2, w3, b3, w4, b4,
            ge, gbe):
    def body(nodes_ref, qg_ref, edges_ref, e1a_ref, eb1_ref, e1c_ref,
             w2_ref, b2_ref, w3_ref, b3_ref, w4_ref, b4_ref,
             ge_ref, gbe_ref, edges_out):
        yb = nodes_ref[...]
        a2 = _dot(yb, e1a_ref[...]) + eb1_ref[...]
        eb = edges_ref[...]
        x = qg_ref[...].astype(jnp.float32) + _dot(eb, e1c_ref[...])
        x = x.reshape(_BN, _K, _D) + a2[:, None, :]
        h = _silu(x).reshape(_R, _D)
        h = _silu(_dot(h, w2_ref[...]) + b2_ref[...])
        h = _silu(_dot(h, w3_ref[...]) + b3_ref[...])
        h = _dot(h, w4_ref[...]) + b4_ref[...]
        edges_out[...] = _ln_rows(eb + h, ge_ref[...], gbe_ref[...])

    return pl.pallas_call(
        body,
        grid=(_NBLK,),
        in_specs=[
            pl.BlockSpec((_BN, _D), lambda i: (i, 0)),
            pl.BlockSpec((_R, _D), lambda i: (i, 0)),
            pl.BlockSpec((_R, _D), lambda i: (i, 0)),
            _full((_D, _D)), _full((1, _D)), _full((_D, _D)),
            _full((_D, _D)), _full((1, _D)),
            _full((_D, _D)), _full((1, _D)),
            _full((_D, _D)), _full((1, _D)),
            _full((1, _D)), _full((1, _D)),
        ],
        out_specs=[pl.BlockSpec((_R, _D), lambda i: (i, 0))],
        out_shape=[jax.ShapeDtypeStruct((_N * _K, _D), jnp.float32)],
    )(nodes1, qg, edges2d, e1a, eb1, e1c, w2, b2, w3, b3, w4, b4, ge, gbe)[0]


def kernel(nodes, edges, nbrs, nbr_mask, node_mlp, ffn, edge_mlp, ln1, ln2,
           edge_ln):
    wn, bn = node_mlp
    wf, bf = ffn
    we, be = edge_mlp

    w1a, w1b, w1c = wn[0][:_D], wn[0][_D:2 * _D], wn[0][2 * _D:]
    e1a, e1b, e1c = we[0][:_D], we[0][_D:2 * _D], we[0][2 * _D:]

    def row(v):
        return v.reshape(1, -1)

    idx = nbrs.reshape(-1).astype(jnp.int32)
    pad_idx = jnp.arange(_BP - _N * _K, dtype=jnp.int32) % _N
    idx_pad = jnp.concatenate([idx, pad_idx])
    edges2d = edges.reshape(_N * _K, _D)
    mask2d = nbr_mask.reshape(_N * _K, 1)

    p = _precompute_p(nodes, w1b)
    pg = _sc_gather(p, idx_pad)
    nodes1, q = _stage1(
        nodes, pg, edges2d, mask2d,
        w1a, row(bn[0]), w1c, wn[1], row(bn[1]), wn[2], row(bn[2]),
        wn[3], row(bn[3]),
        wf[0], row(bf[0]), wf[1], row(bf[1]),
        row(ln1[0]), row(ln1[1]), row(ln2[0]), row(ln2[1]), e1b)
    qg = _sc_gather(q, idx_pad)
    edges_out = _stage2(
        nodes1, qg, edges2d,
        e1a, row(be[0]), e1c, we[1], row(be[1]), we[2], row(be[2]),
        we[3], row(be[3]), row(edge_ln[0]), row(edge_ln[1]))
    return nodes1, edges_out.reshape(_N, _K, _D)

# --- scband reference (transcript-rebuilt; emitter-appended) ---
"""Pipeline reference for scband-mpnn-81080392614044 (READ-ONLY COPY).

The authoritative reference and input builder live on the scoring server;
editing this copy changes nothing except your own understanding.
"""

import jax, jax.numpy as jnp
import numpy as np

N = 10000
K = 32
D = 128


def _mlp_params(key, dims):
    Ws, bs = [], []
    for i in range(len(dims) - 1):
        di, do = dims[i], dims[i + 1]
        k1 = jax.random.fold_in(key, i)
        Ws.append(jax.random.normal(k1, (di, do), jnp.float32) / np.sqrt(di))
        bs.append(jnp.zeros((do,), jnp.float32))
    return (Ws, bs)


def _mlp_apply(x, params):
    Ws, bs = params
    n = len(Ws)
    for i in range(n):
        x = x @ Ws[i] + bs[i]
        if i < n - 1:
            x = jax.nn.silu(x)
    return x


def _ln(x, p):
    g, b = p
    m = jnp.mean(x, axis=-1, keepdims=True)
    v = jnp.var(x, axis=-1, keepdims=True)
    return (x - m) / jnp.sqrt(v + 1e-5) * g + b


def _create_msg(nodes, edges, nbrs):
    Nn, Kk, Dd = edges.shape
    nodes_i = jnp.broadcast_to(nodes[:, None, :], (Nn, Kk, Dd))
    nodes_j = jnp.take(nodes, nbrs, axis=0)  # [N, K, D] gather
    return jnp.concatenate([nodes_i, nodes_j, edges], axis=-1)


def setup_inputs(seed: int = 0) -> dict:
    key = jax.random.key(seed)
    nodes = jax.random.normal(jax.random.fold_in(key, 0), (N, D), jnp.float32)
    edges = jax.random.normal(jax.random.fold_in(key, 1), (N, K, D), jnp.float32)
    nbrs = jax.random.randint(jax.random.fold_in(key, 2), (N, K), 0, N).astype(jnp.int64)
    nbr_mask = jnp.ones((N, K), jnp.float32)
    # learned params
    node_mlp = _mlp_params(jax.random.fold_in(key, 3), [3 * D, D, D, D, D])  # hidden_layers=2
    ffn = _mlp_params(jax.random.fold_in(key, 4), [D, 4 * D, D])  # hidden_layers=0
    edge_mlp = _mlp_params(jax.random.fold_in(key, 5), [3 * D, D, D, D, D])
    ln1 = (jnp.ones((D,), jnp.float32), jnp.zeros((D,), jnp.float32))
    ln2 = (jnp.ones((D,), jnp.float32), jnp.zeros((D,), jnp.float32))
    edge_ln = (jnp.ones((D,), jnp.float32), jnp.zeros((D,), jnp.float32))
    return {"nodes": nodes, "edges": edges, "nbrs": nbrs, "nbr_mask": nbr_mask,
            "node_mlp": node_mlp, "ffn": ffn, "edge_mlp": edge_mlp,
            "ln1": ln1, "ln2": ln2, "edge_ln": edge_ln}


def reference(nodes, edges, nbrs, nbr_mask, node_mlp, ffn, edge_mlp, ln1, ln2, edge_ln):
    # node message
    msg = _create_msg(nodes, edges, nbrs)
    nodes1 = jnp.sum(_mlp_apply(msg, node_mlp) * nbr_mask[..., None], axis=1)
    nodes = _ln(nodes + nodes1, ln1)
    nodes = _ln(_mlp_apply(nodes, ffn) + nodes, ln2)
    # edge message (update_edges=True)
    msg2 = _create_msg(nodes, edges, nbrs)
    edges = _ln(edges + _mlp_apply(msg2, edge_mlp), edge_ln)
    return (nodes, edges)

if __name__ == "__main__":
    import jax
    _d = setup_inputs()
    print(jax.jit(kernel)(*tuple(_d.values())))

</pallas_src>

<mosaic_0001>
#map = affine_map<(d0, d1) -> (0, 0)>
#map1 = affine_map<(d0, d1) -> (0)>
module attributes {stable_mosaic.version = 14 : i64} {
  func.func @gather_kernel(%arg0: i32, %arg1: i32, %arg2: memref<10000x128xf32, #tpu.memory_space<hbm>>, %arg3: memref<327680xi32, #tpu.memory_space<hbm>>, %arg4: memref<327680x128xf32, #tpu.memory_space<hbm>>, %arg5: memref<10240xi32, #tpu.memory_space<vmem>>, %arg6: memref<5x128x128xf32, #tpu.memory_space<vmem>>, %arg7: memref<!tpu.dma_semaphore, #tpu.memory_space<semaphore_mem>>, %arg8: memref<!tpu.dma_semaphore, #tpu.memory_space<semaphore_mem>>, %arg9: memref<!tpu.dma_semaphore, #tpu.memory_space<semaphore_mem>>, %arg10: memref<!tpu.dma_semaphore, #tpu.memory_space<semaphore_mem>>, %arg11: memref<!tpu.dma_semaphore, #tpu.memory_space<semaphore_mem>>, %arg12: memref<!tpu.dma_semaphore, #tpu.memory_space<semaphore_mem>>, %arg13: memref<!tpu.dma_semaphore, #tpu.memory_space<semaphore_mem>>, %arg14: memref<!tpu.dma_semaphore, #tpu.memory_space<semaphore_mem>>, %arg15: memref<!tpu.dma_semaphore, #tpu.memory_space<semaphore_mem>>, %arg16: memref<!tpu.dma_semaphore, #tpu.memory_space<semaphore_mem>>) attributes {dimension_semantics = [#tpu.dimension_semantics<core_parallel>, #tpu.dimension_semantics<subcore_parallel>], iteration_bounds = array<i64: 2, 16>, scalar_prefetch = 0 : i64, scratch_operands = 12 : i64, tpu.core_type = #tpu.core_type<sc_vector_subcore>, window_params = [{transform_indices = #map}, {transform_indices = #map1}, {transform_indices = #map}]} {
    %eq3A = arith.constant 1 : i32
    %eq3A_0 = arith.cmpi eq, %arg0, %eq3A : i32
    %mul3A = arith.constant 10240 : i32
    %mul3A_1 = arith.muli %arg1, %mul3A : i32
    %mul3A_2 = arith.constant 10240 : i32
    %mul3A_3 = arith.muli %arg1, %mul3A_2 : i32
    %add3A = arith.constant 163840 : i32
    %add3A_4 = arith.addi %add3A, %mul3A_3 : i32
    %select_n3A = arith.select %eq3A_0, %mul3A_1, %add3A_4 : i32
    %multiple_of3A = tpu.assume_multiple %select_n3A, 128 : i32
    %jit3A = arith.constant 16 : i32
    %jit3A_5 = arith.constant 16 : i32
    %select_n3A_6 = arith.select %eq3A_0, %jit3A, %jit3A_5 : i32
    %jit3A_7 = arith.constant 80 : i32
    %jit3A_8 = arith.constant 80 : i32
    %select_n3A_9 = arith.select %eq3A_0, %jit3A_7, %jit3A_8 : i32
    "tpu.region"() ({
      %run_scoped3A = tpu.sem_alloc : memref<!tpu.dma_semaphore, #tpu.memory_space<semaphore_mem>>
      %dma_start3A = tpu.memref_slice %arg3[%multiple_of3A] : memref<327680xi32, #tpu.memory_space<hbm>> -> memref<10240xi32, #tpu.memory_space<hbm>>
      %dma_start3A_118 = tpu.memref_slice %arg3[%multiple_of3A] : memref<327680xi32, #tpu.memory_space<hbm>> -> memref<10240xi32, #tpu.memory_space<hbm>>
      tpu.enqueue_dma source(%dma_start3A_118 : memref<10240xi32, #tpu.memory_space<hbm>>) target(%arg5 : memref<10240xi32, #tpu.memory_space<vmem>>) target_semaphore(%run_scoped3A : memref<!tpu.dma_semaphore, #tpu.memory_space<semaphore_mem>>)
      %dma_wait3A_119 = tpu.memref_slice %arg3[%multiple_of3A] : memref<327680xi32, #tpu.memory_space<hbm>> -> memref<10240xi32, #tpu.memory_space<hbm>>
      %dma_wait3A_120 = tpu.memref_slice %arg3[%multiple_of3A] : memref<327680xi32, #tpu.memory_space<hbm>> -> memref<10240xi32, #tpu.memory_space<hbm>>
      tpu.wait_dma2 semaphore(%run_scoped3A : memref<!tpu.dma_semaphore, #tpu.memory_space<semaphore_mem>>) src(%dma_wait3A_120 : memref<10240xi32, #tpu.memory_space<hbm>>) dst(%arg5 : memref<10240xi32, #tpu.memory_space<vmem>>)
      tpu.yield
    }) : () -> ()
    %scan3A = arith.constant 0 : i32
    %scan3A_10 = arith.constant 0 : i32
    %scan3A_11 = arith.constant 16 : i32
    %scan3A_12 = arith.addi %scan3A_10, %scan3A_11 : i32
    %scan3A_13 = arith.constant 1 : i32
    scf.for %scan3A_118 = %scan3A_10 to %scan3A_12 step %scan3A_13  : i32 {
      %lt3A = arith.cmpi slt, %scan3A_118, %select_n3A_6 : i32
      %convert_element_type3A = arith.extui %lt3A : i1 to i32
      %cond3A = arith.constant 0 : i32
      %cond3A_119 = arith.cmpi ne, %convert_element_type3A, %cond3A : i32
      scf.if %cond3A_119 {
        %mul3A_120 = arith.constant 5 : i32
        %mul3A_121 = arith.muli %scan3A_118, %mul3A_120 : i32
        %add3A_122 = arith.constant 0 : i32
        %add3A_123 = arith.addi %mul3A_121, %add3A_122 : i32
        %mul3A_124 = arith.constant 128 : i32
        %mul3A_125 = arith.muli %add3A_123, %mul3A_124 : i32
        %multiple_of3A_126 = tpu.assume_multiple %mul3A_125, 128 : i32
        %gt3A = arith.constant 0 : i32
        %gt3A_127 = arith.cmpi sgt, %scan3A_118, %gt3A : i32
        %convert_element_type3A_128 = arith.extui %gt3A_127 : i1 to i32
        %cond3A_129 = arith.constant 0 : i32
        %cond3A_130 = arith.cmpi ne, %convert_element_type3A_128, %cond3A_129 : i32
        scf.if %cond3A_130 {
          %add3A_355 = arith.addi %multiple_of3A, %multiple_of3A_126 : i32
          %dma_wait3A_356 = arith.constant 0 : i32
          %dma_wait3A_357 = arith.constant 0 : i32
          %dma_wait3A_358 = arith.constant 0 : i32
          %dma_wait3A_359 = tpu.memref_slice %arg6[%dma_wait3A_356, %dma_wait3A_357, %dma_wait3A_358] : memref<5x128x128xf32, #tpu.memory_space<vmem>> -> memref<1x128x128xf32, #tpu.memory_space<vmem>>
          %dma_wait3A_360 = tpu.memref_squeeze %dma_wait3A_359 : memref<1x128x128xf32, #tpu.memory_space<vmem>> -> memref<128x128xf32, #tpu.memory_space<vmem>>
          %dma_wait3A_361 = arith.constant 0 : i32
          %dma_wait3A_362 = tpu.memref_slice %arg4[%add3A_355, %dma_wait3A_361] : memref<327680x128xf32, #tpu.memory_space<hbm>> -> memref<128x128xf32, #tpu.memory_space<hbm>>
          %dma_wait3A_363 = arith.constant 0 : i32
          %dma_wait3A_364 = tpu.memref_slice %arg4[%add3A_355, %dma_wait3A_363] : memref<327680x128xf32, #tpu.memory_space<hbm>> -> memref<128x128xf32, #tpu.memory_space<hbm>>
          %dma_wait3A_365 = arith.constant 0 : i32
          %dma_wait3A_366 = arith.constant 0 : i32
          %dma_wait3A_367 = tpu.memref_slice %arg6[%dma_wait3A_356, %dma_wait3A_365, %dma_wait3A_366] : memref<5x128x128xf32, #tpu.memory_space<vmem>> -> memref<1x128x128xf32, #tpu.memory_space<vmem>>
          %dma_wait3A_368 = tpu.memref_squeeze %dma_wait3A_367 : memref<1x128x128xf32, #tpu.memory_space<vmem>> -> memref<128x128xf32, #tpu.memory_space<vmem>>
          tpu.wait_dma2 semaphore(%arg12 : memref<!tpu.dma_semaphore, #tpu.memory_space<semaphore_mem>>) src(%dma_wait3A_368 : memref<128x128xf32, #tpu.memory_space<vmem>>) dst(%dma_wait3A_364 : memref<128x128xf32, #tpu.memory_space<hbm>>)
        } else {
        }
        %dma_start3A = arith.constant 0 : i32
        %dma_start3A_131 = arith.constant 0 : i32
        %dma_start3A_132 = arith.constant 0 : i32
        %dma_start3A_133 = tpu.memref_slice %arg6[%dma_start3A, %dma_start3A_131, %dma_start3A_132] : memref<5x128x128xf32, #tpu.memory_space<vmem>> -> memref<1x128x128xf32, #tpu.memory_space<vmem>>
        %dma_start3A_134 = tpu.memref_squeeze %dma_start3A_133 : memref<1x128x128xf32, #tpu.memory_space<vmem>> -> memref<128x128xf32, #tpu.memory_space<vmem>>
        %dma_start3A_135 = tpu.memref_slice %arg5[%multiple_of3A_126] : memref<10240xi32, #tpu.memory_space<vmem>> -> memref<128xi32, #tpu.memory_space<vmem>>
        %dma_start3A_136 = arith.constant 0 : i32
        %dma_start3A_137 = arith.constant 0 : i32
        %dma_start3A_138 = tpu.memref_slice %arg2[%dma_start3A_136, %dma_start3A_137] : memref<10000x128xf32, #tpu.memory_space<hbm>> -> memref<10000x128xf32, #tpu.memory_space<hbm>>
        tpu.enqueue_indirect_dma source(%dma_start3A_138 : memref<10000x128xf32, #tpu.memory_space<hbm>>) target(%dma_start3A_134 : memref<128x128xf32, #tpu.memory_space<vmem>>) offsets(%dma_start3A_135 : memref<128xi32, #tpu.memory_space<vmem>>) semaphore(%arg7 : memref<!tpu.dma_semaphore, #tpu.memory_space<semaphore_mem>>)
        %add3A_139 = arith.constant 1 : i32
        %add3A_140 = arith.addi %mul3A_121, %add3A_139 : i32
        %mul3A_141 = arith.constant 128 : i32
        %mul3A_142 = arith.muli %add3A_140, %mul3A_141 : i32
        %multiple_of3A_143 = tpu.assume_multiple %mul3A_142, 128 : i32
        %gt3A_144 = arith.constant 0 : i32
        %gt3A_145 = arith.cmpi sgt, %scan3A_118, %gt3A_144 : i32
        %convert_element_type3A_146 = arith.extui %gt3A_145 : i1 to i32
        %cond3A_147 = arith.constant 0 : i32
        %cond3A_148 = arith.cmpi ne, %convert_element_type3A_146, %cond3A_147 : i32
        scf.if %cond3A_148 {
          %add3A_355 = arith.addi %multiple_of3A, %multiple_of3A_143 : i32
          %dma_wait3A_356 = arith.constant 1 : i32
          %dma_wait3A_357 = arith.constant 0 : i32
          %dma_wait3A_358 = arith.constant 0 : i32
          %dma_wait3A_359 = tpu.memref_slice %arg6[%dma_wait3A_356, %dma_wait3A_357, %dma_wait3A_358] : memref<5x128x128xf32, #tpu.memory_space<vmem>> -> memref<1x128x128xf32, #tpu.memory_space<vmem>>
          %dma_wait3A_360 = tpu.memref_squeeze %dma_wait3A_359 : memref<1x128x128xf32, #tpu.memory_space<vmem>> -> memref<128x128xf32, #tpu.memory_space<vmem>>
          %dma_wait3A_361 = arith.constant 0 : i32
          %dma_wait3A_362 = tpu.memref_slice %arg4[%add3A_355, %dma_wait3A_361] : memref<327680x128xf32, #tpu.memory_space<hbm>> -> memref<128x128xf32, #tpu.memory_space<hbm>>
          %dma_wait3A_363 = arith.constant 0 : i32
          %dma_wait3A_364 = tpu.memref_slice %arg4[%add3A_355, %dma_wait3A_363] : memref<327680x128xf32, #tpu.memory_space<hbm>> -> memref<128x128xf32, #tpu.memory_space<hbm>>
          %dma_wait3A_365 = arith.constant 0 : i32
          %dma_wait3A_366 = arith.constant 0 : i32
          %dma_wait3A_367 = tpu.memref_slice %arg6[%dma_wait3A_356, %dma_wait3A_365, %dma_wait3A_366] : memref<5x128x128xf32, #tpu.memory_space<vmem>> -> memref<1x128x128xf32, #tpu.memory_space<vmem>>
          %dma_wait3A_368 = tpu.memref_squeeze %dma_wait3A_367 : memref<1x128x128xf32, #tpu.memory_space<vmem>> -> memref<128x128xf32, #tpu.memory_space<vmem>>
          tpu.wait_dma2 semaphore(%arg13 : memref<!tpu.dma_semaphore, #tpu.memory_space<semaphore_mem>>) src(%dma_wait3A_368 : memref<128x128xf32, #tpu.memory_space<vmem>>) dst(%dma_wait3A_364 : memref<128x128xf32, #tpu.memory_space<hbm>>)
        } else {
        }
        %dma_start3A_149 = arith.constant 1 : i32
        %dma_start3A_150 = arith.constant 0 : i32
        %dma_start3A_151 = arith.constant 0 : i32
        %dma_start3A_152 = tpu.memref_slice %arg6[%dma_start3A_149, %dma_start3A_150, %dma_start3A_151] : memref<5x128x128xf32, #tpu.memory_space<vmem>> -> memref<1x128x128xf32, #tpu.memory_space<vmem>>
        %dma_start3A_153 = tpu.memref_squeeze %dma_start3A_152 : memref<1x128x128xf32, #tpu.memory_space<vmem>> -> memref<128x128xf32, #tpu.memory_space<vmem>>
        %dma_start3A_154 = tpu.memref_slice %arg5[%multiple_of3A_143] : memref<10240xi32, #tpu.memory_space<vmem>> -> memref<128xi32, #tpu.memory_space<vmem>>
        %dma_start3A_155 = arith.constant 0 : i32
        %dma_start3A_156 = arith.constant 0 : i32
        %dma_start3A_157 = tpu.memref_slice %arg2[%dma_start3A_155, %dma_start3A_156] : memref<10000x128xf32, #tpu.memory_space<hbm>> -> memref<10000x128xf32, #tpu.memory_space<hbm>>
        tpu.enqueue_indirect_dma source(%dma_start3A_157 : memref<10000x128xf32, #tpu.memory_space<hbm>>) target(%dma_start3A_153 : memref<128x128xf32, #tpu.memory_space<vmem>>) offsets(%dma_start3A_154 : memref<128xi32, #tpu.memory_space<vmem>>) semaphore(%arg8 : memref<!tpu.dma_semaphore, #tpu.memory_space<semaphore_mem>>)
        %add3A_158 = arith.constant 2 : i32
        %add3A_159 = arith.addi %mul3A_121, %add3A_158 : i32
        %mul3A_160 = arith.constant 128 : i32
        %mul3A_161 = arith.muli %add3A_159, %mul3A_160 : i32
        %multiple_of3A_162 = tpu.assume_multiple %mul3A_161, 128 : i32
        %gt3A_163 = arith.constant 0 : i32
        %gt3A_164 = arith.cmpi sgt, %scan3A_118, %gt3A_163 : i32
        %convert_element_type3A_165 = arith.extui %gt3A_164 : i1 to i32
        %cond3A_166 = arith.constant 0 : i32
        %cond3A_167 = arith.cmpi ne, %convert_element_type3A_165, %cond3A_166 : i32
        scf.if %cond3A_167 {
          %add3A_355 = arith.addi %multiple_of3A, %multiple_of3A_162 : i32
          %dma_wait3A_356 = arith.constant 2 : i32
          %dma_wait3A_357 = arith.constant 0 : i32
          %dma_wait3A_358 = arith.constant 0 : i32
          %dma_wait3A_359 = tpu.memref_slice %arg6[%dma_wait3A_356, %dma_wait3A_357, %dma_wait3A_358] : memref<5x128x128xf32, #tpu.memory_space<vmem>> -> memref<1x128x128xf32, #tpu.memory_space<vmem>>
          %dma_wait3A_360 = tpu.memref_squeeze %dma_wait3A_359 : memref<1x128x128xf32, #tpu.memory_space<vmem>> -> memref<128x128xf32, #tpu.memory_space<vmem>>
          %dma_wait3A_361 = arith.constant 0 : i32
          %dma_wait3A_362 = tpu.memref_slice %arg4[%add3A_355, %dma_wait3A_361] : memref<327680x128xf32, #tpu.memory_space<hbm>> -> memref<128x128xf32, #tpu.memory_space<hbm>>
          %dma_wait3A_363 = arith.constant 0 : i32
          %dma_wait3A_364 = tpu.memref_slice %arg4[%add3A_355, %dma_wait3A_363] : memref<327680x128xf32, #tpu.memory_space<hbm>> -> memref<128x128xf32, #tpu.memory_space<hbm>>
          %dma_wait3A_365 = arith.constant 0 : i32
          %dma_wait3A_366 = arith.constant 0 : i32
          %dma_wait3A_367 = tpu.memref_slice %arg6[%dma_wait3A_356, %dma_wait3A_365, %dma_wait3A_366] : memref<5x128x128xf32, #tpu.memory_space<vmem>> -> memref<1x128x128xf32, #tpu.memory_space<vmem>>
          %dma_wait3A_368 = tpu.memref_squeeze %dma_wait3A_367 : memref<1x128x128xf32, #tpu.memory_space<vmem>> -> memref<128x128xf32, #tpu.memory_space<vmem>>
          tpu.wait_dma2 semaphore(%arg14 : memref<!tpu.dma_semaphore, #tpu.memory_space<semaphore_mem>>) src(%dma_wait3A_368 : memref<128x128xf32, #tpu.memory_space<vmem>>) dst(%dma_wait3A_364 : memref<128x128xf32, #tpu.memory_space<hbm>>)
        } else {
        }
        %dma_start3A_168 = arith.constant 2 : i32
        %dma_start3A_169 = arith.constant 0 : i32
        %dma_start3A_170 = arith.constant 0 : i32
        %dma_start3A_171 = tpu.memref_slice %arg6[%dma_start3A_168, %dma_start3A_169, %dma_start3A_170] : memref<5x128x128xf32, #tpu.memory_space<vmem>> -> memref<1x128x128xf32, #tpu.memory_space<vmem>>
        %dma_start3A_172 = tpu.memref_squeeze %dma_start3A_171 : memref<1x128x128xf32, #tpu.memory_space<vmem>> -> memref<128x128xf32, #tpu.memory_space<vmem>>
        %dma_start3A_173 = tpu.memref_slice %arg5[%multiple_of3A_162] : memref<10240xi32, #tpu.memory_space<vmem>> -> memref<128xi32, #tpu.memory_space<vmem>>
        %dma_start3A_174 = arith.constant 0 : i32
        %dma_start3A_175 = arith.constant 0 : i32
        %dma_start3A_176 = tpu.memref_slice %arg2[%dma_start3A_174, %dma_start3A_175] : memref<10000x128xf32, #tpu.memory_space<hbm>> -> memref<10000x128xf32, #tpu.memory_space<hbm>>
        tpu.enqueue_indirect_dma source(%dma_start3A_176 : memref<10000x128xf32, #tpu.memory_space<hbm>>) target(%dma_start3A_172 : memref<128x128xf32, #tpu.memory_space<vmem>>) offsets(%dma_start3A_173 : memref<128xi32, #tpu.memory_space<vmem>>) semaphore(%arg9 : memref<!tpu.dma_semaphore, #tpu.memory_space<semaphore_mem>>)
        %add3A_177 = arith.constant 3 : i32
        %add3A_178 = arith.addi %mul3A_121, %add3A_177 : i32
        %mul3A_179 = arith.constant 128 : i32
        %mul3A_180 = arith.muli %add3A_178, %mul3A_179 : i32
        %multiple_of3A_181 = tpu.assume_multiple %mul3A_180, 128 : i32
        %gt3A_182 = arith.constant 0 : i32
        %gt3A_183 = arith.cmpi sgt, %scan3A_118, %gt3A_182 : i32
        %convert_element_type3A_184 = arith.extui %gt3A_183 : i1 to i32
        %cond3A_185 = arith.constant 0 : i32
        %cond3A_186 = arith.cmpi ne, %convert_element_type3A_184, %cond3A_185 : i32
        scf.if %cond3A_186 {
          %add3A_355 = arith.addi %multiple_of3A, %multiple_of3A_181 : i32
          %dma_wait3A_356 = arith.constant 3 : i32
          %dma_wait3A_357 = arith.constant 0 : i32
          %dma_wait3A_358 = arith.constant 0 : i32
          %dma_wait3A_359 = tpu.memref_slice %arg6[%dma_wait3A_356, %dma_wait3A_357, %dma_wait3A_358] : memref<5x128x128xf32, #tpu.memory_space<vmem>> -> memref<1x128x128xf32, #tpu.memory_space<vmem>>
          %dma_wait3A_360 = tpu.memref_squeeze %dma_wait3A_359 : memref<1x128x128xf32, #tpu.memory_space<vmem>> -> memref<128x128xf32, #tpu.memory_space<vmem>>
          %dma_wait3A_361 = arith.constant 0 : i32
          %dma_wait3A_362 = tpu.memref_slice %arg4[%add3A_355, %dma_wait3A_361] : memref<327680x128xf32, #tpu.memory_space<hbm>> -> memref<128x128xf32, #tpu.memory_space<hbm>>
          %dma_wait3A_363 = arith.constant 0 : i32
          %dma_wait3A_364 = tpu.memref_slice %arg4[%add3A_355, %dma_wait3A_363] : memref<327680x128xf32, #tpu.memory_space<hbm>> -> memref<128x128xf32, #tpu.memory_space<hbm>>
          %dma_wait3A_365 = arith.constant 0 : i32
          %dma_wait3A_366 = arith.constant 0 : i32
          %dma_wait3A_367 = tpu.memref_slice %arg6[%dma_wait3A_356, %dma_wait3A_365, %dma_wait3A_366] : memref<5x128x128xf32, #tpu.memory_space<vmem>> -> memref<1x128x128xf32, #tpu.memory_space<vmem>>
          %dma_wait3A_368 = tpu.memref_squeeze %dma_wait3A_367 : memref<1x128x128xf32, #tpu.memory_space<vmem>> -> memref<128x128xf32, #tpu.memory_space<vmem>>
          tpu.wait_dma2 semaphore(%arg15 : memref<!tpu.dma_semaphore, #tpu.memory_space<semaphore_mem>>) src(%dma_wait3A_368 : memref<128x128xf32, #tpu.memory_space<vmem>>) dst(%dma_wait3A_364 : memref<128x128xf32, #tpu.memory_space<hbm>>)
        } else {
        }
        %dma_start3A_187 = arith.constant 3 : i32
        %dma_start3A_188 = arith.constant 0 : i32
        %dma_start3A_189 = arith.constant 0 : i32
        %dma_start3A_190 = tpu.memref_slice %arg6[%dma_start3A_187, %dma_start3A_188, %dma_start3A_189] : memref<5x128x128xf32, #tpu.memory_space<vmem>> -> memref<1x128x128xf32, #tpu.memory_space<vmem>>
        %dma_start3A_191 = tpu.memref_squeeze %dma_start3A_190 : memref<1x128x128xf32, #tpu.memory_space<vmem>> -> memref<128x128xf32, #tpu.memory_space<vmem>>
        %dma_start3A_192 = tpu.memref_slice %arg5[%multiple_of3A_181] : memref<10240xi32, #tpu.memory_space<vmem>> -> memref<128xi32, #tpu.memory_space<vmem>>
        %dma_start3A_193 = arith.constant 0 : i32
        %dma_start3A_194 = arith.constant 0 : i32
        %dma_start3A_195 = tpu.memref_slice %arg2[%dma_start3A_193, %dma_start3A_194] : memref<10000x128xf32, #tpu.memory_space<hbm>> -> memref<10000x128xf32, #tpu.memory_space<hbm>>
        tpu.enqueue_indirect_dma source(%dma_start3A_195 : memref<10000x128xf32, #tpu.memory_space<hbm>>) target(%dma_start3A_191 : memref<128x128xf32, #tpu.memory_space<vmem>>) offsets(%dma_start3A_192 : memref<128xi32, #tpu.memory_space<vmem>>) semaphore(%arg10 : memref<!tpu.dma_semaphore, #tpu.memory_space<semaphore_mem>>)
        %add3A_196 = arith.constant 4 : i32
        %add3A_197 = arith.addi %mul3A_121, %add3A_196 : i32
        %mul3A_198 = arith.constant 128 : i32
        %mul3A_199 = arith.muli %add3A_197, %mul3A_198 : i32
        %multiple_of3A_200 = tpu.assume_multiple %mul3A_199, 128 : i32
        %gt3A_201 = arith.constant 0 : i32
        %gt3A_202 = arith.cmpi sgt, %scan3A_118, %gt3A_201 : i32
        %convert_element_type3A_203 = arith.extui %gt3A_202 : i1 to i32
        %cond3A_204 = arith.constant 0 : i32
        %cond3A_205 = arith.cmpi ne, %convert_element_type3A_203, %cond3A_204 : i32
        scf.if %cond3A_205 {
          %add3A_355 = arith.addi %multiple_of3A, %multiple_of3A_200 : i32
          %dma_wait3A_356 = arith.constant 4 : i32
          %dma_wait3A_357 = arith.constant 0 : i32
          %dma_wait3A_358 = arith.constant 0 : i32
          %dma_wait3A_359 = tpu.memref_slice %arg6[%dma_wait3A_356, %dma_wait3A_357, %dma_wait3A_358] : memref<5x128x128xf32, #tpu.memory_space<vmem>> -> memref<1x128x128xf32, #tpu.memory_space<vmem>>
          %dma_wait3A_360 = tpu.memref_squeeze %dma_wait3A_359 : memref<1x128x128xf32, #tpu.memory_space<vmem>> -> memref<128x128xf32, #tpu.memory_space<vmem>>
          %dma_wait3A_361 = arith.constant 0 : i32
          %dma_wait3A_362 = tpu.memref_slice %arg4[%add3A_355, %dma_wait3A_361] : memref<327680x128xf32, #tpu.memory_space<hbm>> -> memref<128x128xf32, #tpu.memory_space<hbm>>
          %dma_wait3A_363 = arith.constant 0 : i32
          %dma_wait3A_364 = tpu.memref_slice %arg4[%add3A_355, %dma_wait3A_363] : memref<327680x128xf32, #tpu.memory_space<hbm>> -> memref<128x128xf32, #tpu.memory_space<hbm>>
          %dma_wait3A_365 = arith.constant 0 : i32
          %dma_wait3A_366 = arith.constant 0 : i32
          %dma_wait3A_367 = tpu.memref_slice %arg6[%dma_wait3A_356, %dma_wait3A_365, %dma_wait3A_366] : memref<5x128x128xf32, #tpu.memory_space<vmem>> -> memref<1x128x128xf32, #tpu.memory_space<vmem>>
          %dma_wait3A_368 = tpu.memref_squeeze %dma_wait3A_367 : memref<1x128x128xf32, #tpu.memory_space<vmem>> -> memref<128x128xf32, #tpu.memory_space<vmem>>
          tpu.wait_dma2 semaphore(%arg16 : memref<!tpu.dma_semaphore, #tpu.memory_space<semaphore_mem>>) src(%dma_wait3A_368 : memref<128x128xf32, #tpu.memory_space<vmem>>) dst(%dma_wait3A_364 : memref<128x128xf32, #tpu.memory_space<hbm>>)
        } else {
        }
        %dma_start3A_206 = arith.constant 4 : i32
        %dma_start3A_207 = arith.constant 0 : i32
        %dma_start3A_208 = arith.constant 0 : i32
        %dma_start3A_209 = tpu.memref_slice %arg6[%dma_start3A_206, %dma_start3A_207, %dma_start3A_208] : memref<5x128x128xf32, #tpu.memory_space<vmem>> -> memref<1x128x128xf32, #tpu.memory_space<vmem>>
        %dma_start3A_210 = tpu.memref_squeeze %dma_start3A_209 : memref<1x128x128xf32, #tpu.memory_space<vmem>> -> memref<128x128xf32, #tpu.memory_space<vmem>>
        %dma_start3A_211 = tpu.memref_slice %arg5[%multiple_of3A_200] : memref<10240xi32, #tpu.memory_space<vmem>> -> memref<128xi32, #tpu.memory_space<vmem>>
        %dma_start3A_212 = arith.constant 0 : i32
        %dma_start3A_213 = arith.constant 0 : i32
        %dma_start3A_214 = tpu.memref_slice %arg2[%dma_start3A_212, %dma_start3A_213] : memref<10000x128xf32, #tpu.memory_space<hbm>> -> memref<10000x128xf32, #tpu.memory_space<hbm>>
        tpu.enqueue_indirect_dma source(%dma_start3A_214 : memref<10000x128xf32, #tpu.memory_space<hbm>>) target(%dma_start3A_210 : memref<128x128xf32, #tpu.memory_space<vmem>>) offsets(%dma_start3A_211 : memref<128xi32, #tpu.memory_space<vmem>>) semaphore(%arg11 : memref<!tpu.dma_semaphore, #tpu.memory_space<semaphore_mem>>)
        %add3A_215 = arith.constant 0 : i32
        %add3A_216 = arith.addi %mul3A_121, %add3A_215 : i32
        %mul3A_217 = arith.constant 128 : i32
        %mul3A_218 = arith.muli %add3A_216, %mul3A_217 : i32
        %multiple_of3A_219 = tpu.assume_multiple %mul3A_218, 128 : i32
        %dma_wait3A_220 = arith.constant 0 : i32
        %dma_wait3A_221 = arith.constant 0 : i32
        %dma_wait3A_222 = arith.constant 0 : i32
        %dma_wait3A_223 = tpu.memref_slice %arg6[%dma_wait3A_220, %dma_wait3A_221, %dma_wait3A_222] : memref<5x128x128xf32, #tpu.memory_space<vmem>> -> memref<1x128x128xf32, #tpu.memory_space<vmem>>
        %dma_wait3A_224 = tpu.memref_squeeze %dma_wait3A_223 : memref<1x128x128xf32, #tpu.memory_space<vmem>> -> memref<128x128xf32, #tpu.memory_space<vmem>>
        %dma_wait3A_225 = tpu.memref_slice %arg5[%multiple_of3A_219] : memref<10240xi32, #tpu.memory_space<vmem>> -> memref<128xi32, #tpu.memory_space<vmem>>
        %dma_wait3A_226 = arith.constant 0 : i32
        %dma_wait3A_227 = arith.constant 0 : i32
        %dma_wait3A_228 = tpu.memref_slice %arg2[%dma_wait3A_226, %dma_wait3A_227] : memref<10000x128xf32, #tpu.memory_space<hbm>> -> memref<10000x128xf32, #tpu.memory_space<hbm>>
        tpu.wait_indirect_dma semaphore(%arg7 : memref<!tpu.dma_semaphore, #tpu.memory_space<semaphore_mem>>) src(%dma_wait3A_228 : memref<10000x128xf32, #tpu.memory_space<hbm>>) dst(%dma_wait3A_224 : memref<128x128xf32, #tpu.memory_space<vmem>>)
        %add3A_229 = arith.addi %multiple_of3A, %multiple_of3A_219 : i32
        %dma_start3A_230 = arith.constant 0 : i32
        %dma_start3A_231 = arith.constant 0 : i32
        %dma_start3A_232 = arith.constant 0 : i32
        %dma_start3A_233 = tpu.memref_slice %arg6[%dma_start3A_230, %dma_start3A_231, %dma_start3A_232] : memref<5x128x128xf32, #tpu.memory_space<vmem>> -> memref<1x128x128xf32, #tpu.memory_space<vmem>>
        %dma_start3A_234 = tpu.memref_squeeze %dma_start3A_233 : memref<1x128x128xf32, #tpu.memory_space<vmem>> -> memref<128x128xf32, #tpu.memory_space<vmem>>
        %dma_start3A_235 = arith.constant 0 : i32
        %dma_start3A_236 = tpu.memref_slice %arg4[%add3A_229, %dma_start3A_235] : memref<327680x128xf32, #tpu.memory_space<hbm>> -> memref<128x128xf32, #tpu.memory_space<hbm>>
        %dma_start3A_237 = arith.constant 0 : i32
        %dma_start3A_238 = tpu.memref_slice %arg4[%add3A_229, %dma_start3A_237] : memref<327680x128xf32, #tpu.memory_space<hbm>> -> memref<128x128xf32, #tpu.memory_space<hbm>>
        %dma_start3A_239 = arith.constant 0 : i32
        %dma_start3A_240 = arith.constant 0 : i32
        %dma_start3A_241 = tpu.memref_slice %arg6[%dma_start3A_230, %dma_start3A_239, %dma_start3A_240] : memref<5x128x128xf32, #tpu.memory_space<vmem>> -> memref<1x128x128xf32, #tpu.memory_space<vmem>>
        %dma_start3A_242 = tpu.memref_squeeze %dma_start3A_241 : memref<1x128x128xf32, #tpu.memory_space<vmem>> -> memref<128x128xf32, #tpu.memory_space<vmem>>
        tpu.enqueue_dma source(%dma_start3A_242 : memref<128x128xf32, #tpu.memory_space<vmem>>) target(%dma_start3A_238 : memref<128x128xf32, #tpu.memory_space<hbm>>) target_semaphore(%arg12 : memref<!tpu.dma_semaphore, #tpu.memory_space<semaphore_mem>>)
        %add3A_243 = arith.constant 1 : i32
        %add3A_244 = arith.addi %mul3A_121, %add3A_243 : i32
        %mul3A_245 = arith.constant 128 : i32
        %mul3A_246 = arith.muli %add3A_244, %mul3A_245 : i32
        %multiple_of3A_247 = tpu.assume_multiple %mul3A_246, 128 : i32
        %dma_wait3A_248 = arith.constant 1 : i32
        %dma_wait3A_249 = arith.constant 0 : i32
        %dma_wait3A_250 = arith.constant 0 : i32
        %dma_wait3A_251 = tpu.memref_slice %arg6[%dma_wait3A_248, %dma_wait3A_249, %dma_wait3A_250] : memref<5x128x128xf32, #tpu.memory_space<vmem>> -> memref<1x128x128xf32, #tpu.memory_space<vmem>>
        %dma_wait3A_252 = tpu.memref_squeeze %dma_wait3A_251 : memref<1x128x128xf32, #tpu.memory_space<vmem>> -> memref<128x128xf32, #tpu.memory_space<vmem>>
        %dma_wait3A_253 = tpu.memref_slice %arg5[%multiple_of3A_247] : memref<10240xi32, #tpu.memory_space<vmem>> -> memref<128xi32, #tpu.memory_space<vmem>>
        %dma_wait3A_254 = arith.constant 0 : i32
        %dma_wait3A_255 = arith.constant 0 : i32
        %dma_wait3A_256 = tpu.memref_slice %arg2[%dma_wait3A_254, %dma_wait3A_255] : memref<10000x128xf32, #tpu.memory_space<hbm>> -> memref<10000x128xf32, #tpu.memory_space<hbm>>
        tpu.wait_indirect_dma semaphore(%arg8 : memref<!tpu.dma_semaphore, #tpu.memory_space<semaphore_mem>>) src(%dma_wait3A_256 : memref<10000x128xf32, #tpu.memory_space<hbm>>) dst(%dma_wait3A_252 : memref<128x128xf32, #tpu.memory_space<vmem>>)
        %add3A_257 = arith.addi %multiple_of3A, %multiple_of3A_247 : i32
        %dma_start3A_258 = arith.constant 1 : i32
        %dma_start3A_259 = arith.constant 0 : i32
        %dma_start3A_260 = arith.constant 0 : i32
        %dma_start3A_261 = tpu.memref_slice %arg6[%dma_start3A_258, %dma_start3A_259, %dma_start3A_260] : memref<5x128x128xf32, #tpu.memory_space<vmem>> -> memref<1x128x128xf32, #tpu.memory_space<vmem>>
        %dma_start3A_262 = tpu.memref_squeeze %dma_start3A_261 : memref<1x128x128xf32, #tpu.memory_space<vmem>> -> memref<128x128xf32, #tpu.memory_space<vmem>>
        %dma_start3A_263 = arith.constant 0 : i32
        %dma_start3A_264 = tpu.memref_slice %arg4[%add3A_257, %dma_start3A_263] : memref<327680x128xf32, #tpu.memory_space<hbm>> -> memref<128x128xf32, #tpu.memory_space<hbm>>
        %dma_start3A_265 = arith.constant 0 : i32
        %dma_start3A_266 = tpu.memref_slice %arg4[%add3A_257, %dma_start3A_265] : memref<327680x128xf32, #tpu.memory_space<hbm>> -> memref<128x128xf32, #tpu.memory_space<hbm>>
        %dma_start3A_267 = arith.constant 0 : i32
        %dma_start3A_268 = arith.constant 0 : i32
        %dma_start3A_269 = tpu.memref_slice %arg6[%dma_start3A_258, %dma_start3A_267, %dma_start3A_268] : memref<5x128x128xf32, #tpu.memory_space<vmem>> -> memref<1x128x128xf32, #tpu.memory_space<vmem>>
        %dma_start3A_270 = tpu.memref_squeeze %dma_start3A_269 : memref<1x128x128xf32, #tpu.memory_space<vmem>> -> memref<128x128xf32, #tpu.memory_space<vmem>>
        tpu.enqueue_dma source(%dma_start3A_270 : memref<128x128xf32, #tpu.memory_space<vmem>>) target(%dma_start3A_266 : memref<128x128xf32, #tpu.memory_space<hbm>>) target_semaphore(%arg13 : memref<!tpu.dma_semaphore, #tpu.memory_space<semaphore_mem>>)
        %add3A_271 = arith.constant 2 : i32
        %add3A_272 = arith.addi %mul3A_121, %add3A_271 : i32
        %mul3A_273 = arith.constant 128 : i32
        %mul3A_274 = arith.muli %add3A_272, %mul3A_273 : i32
        %multiple_of3A_275 = tpu.assume_multiple %mul3A_274, 128 : i32
        %dma_wait3A_276 = arith.constant 2 : i32
        %dma_wait3A_277 = arith.constant 0 : i32
        %dma_wait3A_278 = arith.constant 0 : i32
        %dma_wait3A_279 = tpu.memref_slice %arg6[%dma_wait3A_276, %dma_wait3A_277, %dma_wait3A_278] : memref<5x128x128xf32, #tpu.memory_space<vmem>> -> memref<1x128x128xf32, #tpu.memory_space<vmem>>
        %dma_wait3A_280 = tpu.memref_squeeze %dma_wait3A_279 : memref<1x128x128xf32, #tpu.memory_space<vmem>> -> memref<128x128xf32, #tpu.memory_space<vmem>>
        %dma_wait3A_281 = tpu.memref_slice %arg5[%multiple_of3A_275] : memref<10240xi32, #tpu.memory_space<vmem>> -> memref<128xi32, #tpu.memory_space<vmem>>
        %dma_wait3A_282 = arith.constant 0 : i32
        %dma_wait3A_283 = arith.constant 0 : i32
        %dma_wait3A_284 = tpu.memref_slice %arg2[%dma_wait3A_282, %dma_wait3A_283] : memref<10000x128xf32, #tpu.memory_space<hbm>> -> memref<10000x128xf32, #tpu.memory_space<hbm>>
        tpu.wait_indirect_dma semaphore(%arg9 : memref<!tpu.dma_semaphore, #tpu.memory_space<semaphore_mem>>) src(%dma_wait3A_284 : memref<10000x128xf32, #tpu.memory_space<hbm>>) dst(%dma_wait3A_280 : memref<128x128xf32, #tpu.memory_space<vmem>>)
        %add3A_285 = arith.addi %multiple_of3A, %multiple_of3A_275 : i32
        %dma_start3A_286 = arith.constant 2 : i32
        %dma_start3A_287 = arith.constant 0 : i32
        %dma_start3A_288 = arith.constant 0 : i32
        %dma_start3A_289 = tpu.memref_slice %arg6[%dma_start3A_286, %dma_start3A_287, %dma_start3A_288] : memref<5x128x128xf32, #tpu.memory_space<vmem>> -> memref<1x128x128xf32, #tpu.memory_space<vmem>>
        %dma_start3A_290 = tpu.memref_squeeze %dma_start3A_289 : memref<1x128x128xf32, #tpu.memory_space<vmem>> -> memref<128x128xf32, #tpu.memory_space<vmem>>
        %dma_start3A_291 = arith.constant 0 : i32
        %dma_start3A_292 = tpu.memref_slice %arg4[%add3A_285, %dma_start3A_291] : memref<327680x128xf32, #tpu.memory_space<hbm>> -> memref<128x128xf32, #tpu.memory_space<hbm>>
        %dma_start3A_293 = arith.constant 0 : i32
        %dma_start3A_294 = tpu.memref_slice %arg4[%add3A_285, %dma_start3A_293] : memref<327680x128xf32, #tpu.memory_space<hbm>> -> memref<128x128xf32, #tpu.memory_space<hbm>>
        %dma_start3A_295 = arith.constant 0 : i32
        %dma_start3A_296 = arith.constant 0 : i32
        %dma_start3A_297 = tpu.memref_slice %arg6[%dma_start3A_286, %dma_start3A_295, %dma_start3A_296] : memref<5x128x128xf32, #tpu.memory_space<vmem>> -> memref<1x128x128xf32, #tpu.memory_space<vmem>>
        %dma_start3A_298 = tpu.memref_squeeze %dma_start3A_297 : memref<1x128x128xf32, #tpu.memory_space<vmem>> -> memref<128x128xf32, #tpu.memory_space<vmem>>
        tpu.enqueue_dma source(%dma_start3A_298 : memref<128x128xf32, #tpu.memory_space<vmem>>) target(%dma_start3A_294 : memref<128x128xf32, #tpu.memory_space<hbm>>) target_semaphore(%arg14 : memref<!tpu.dma_semaphore, #tpu.memory_space<semaphore_mem>>)
        %add3A_299 = arith.constant 3 : i32
        %add3A_300 = arith.addi %mul3A_121, %add3A_299 : i32
        %mul3A_301 = arith.constant 128 : i32
        %mul3A_302 = arith.muli %add3A_300, %mul3A_301 : i32
        %multiple_of3A_303 = tpu.assume_multiple %mul3A_302, 128 : i32
        %dma_wait3A_304 = arith.constant 3 : i32
        %dma_wait3A_305 = arith.constant 0 : i32
        %dma_wait3A_306 = arith.constant 0 : i32
        %dma_wait3A_307 = tpu.memref_slice %arg6[%dma_wait3A_304, %dma_wait3A_305, %dma_wait3A_306] : memref<5x128x128xf32, #tpu.memory_space<vmem>> -> memref<1x128x128xf32, #tpu.memory_space<vmem>>
        %dma_wait3A_308 = tpu.memref_squeeze %dma_wait3A_307 : memref<1x128x128xf32, #tpu.memory_space<vmem>> -> memref<128x128xf32, #tpu.memory_space<vmem>>
        %dma_wait3A_309 = tpu.memref_slice %arg5[%multiple_of3A_303] : memref<10240xi32, #tpu.memory_space<vmem>> -> memref<128xi32, #tpu.memory_space<vmem>>
        %dma_wait3A_310 = arith.constant 0 : i32
        %dma_wait3A_311 = arith.constant 0 : i32
        %dma_wait3A_312 = tpu.memref_slice %arg2[%dma_wait3A_310, %dma_wait3A_311] : memref<10000x128xf32, #tpu.memory_space<hbm>> -> memref<10000x128xf32, #tpu.memory_space<hbm>>
        tpu.wait_indirect_dma semaphore(%arg10 : memref<!tpu.dma_semaphore, #tpu.memory_space<semaphore_mem>>) src(%dma_wait3A_312 : memref<10000x128xf32, #tpu.memory_space<hbm>>) dst(%dma_wait3A_308 : memref<128x128xf32, #tpu.memory_space<vmem>>)
        %add3A_313 = arith.addi %multiple_of3A, %multiple_of3A_303 : i32
        %dma_start3A_314 = arith.constant 3 : i32
        %dma_start3A_315 = arith.constant 0 : i32
        %dma_start3A_316 = arith.constant 0 : i32
        %dma_start3A_317 = tpu.memref_slice %arg6[%dma_start3A_314, %dma_start3A_315, %dma_start3A_316] : memref<5x128x128xf32, #tpu.memory_space<vmem>> -> memref<1x128x128xf32, #tpu.memory_space<vmem>>
        %dma_start3A_318 = tpu.memref_squeeze %dma_start3A_317 : memref<1x128x128xf32, #tpu.memory_space<vmem>> -> memref<128x128xf32, #tpu.memory_space<vmem>>
        %dma_start3A_319 = arith.constant 0 : i32
        %dma_start3A_320 = tpu.memref_slice %arg4[%add3A_313, %dma_start3A_319] : memref<327680x128xf32, #tpu.memory_space<hbm>> -> memref<128x128xf32, #tpu.memory_space<hbm>>
        %dma_start3A_321 = arith.constant 0 : i32
        %dma_start3A_322 = tpu.memref_slice %arg4[%add3A_313, %dma_start3A_321] : memref<327680x128xf32, #tpu.memory_space<hbm>> -> memref<128x128xf32, #tpu.memory_space<hbm>>
        %dma_start3A_323 = arith.constant 0 : i32
        %dma_start3A_324 = arith.constant 0 : i32
        %dma_start3A_325 = tpu.memref_slice %arg6[%dma_start3A_314, %dma_start3A_323, %dma_start3A_324] : memref<5x128x128xf32, #tpu.memory_space<vmem>> -> memref<1x128x128xf32, #tpu.memory_space<vmem>>
        %dma_start3A_326 = tpu.memref_squeeze %dma_start3A_325 : memref<1x128x128xf32, #tpu.memory_space<vmem>> -> memref<128x128xf32, #tpu.memory_space<vmem>>
        tpu.enqueue_dma source(%dma_start3A_326 : memref<128x128xf32, #tpu.memory_space<vmem>>) target(%dma_start3A_322 : memref<128x128xf32, #tpu.memory_space<hbm>>) target_semaphore(%arg15 : memref<!tpu.dma_semaphore, #tpu.memory_space<semaphore_mem>>)
        %add3A_327 = arith.constant 4 : i32
        %add3A_328 = arith.addi %mul3A_121, %add3A_327 : i32
        %mul3A_329 = arith.constant 128 : i32
        %mul3A_330 = arith.muli %add3A_328, %mul3A_329 : i32
        %multiple_of3A_331 = tpu.assume_multiple %mul3A_330, 128 : i32
        %dma_wait3A_332 = arith.constant 4 : i32
        %dma_wait3A_333 = arith.constant 0 : i32
        %dma_wait3A_334 = arith.constant 0 : i32
        %dma_wait3A_335 = tpu.memref_slice %arg6[%dma_wait3A_332, %dma_wait3A_333, %dma_wait3A_334] : memref<5x128x128xf32, #tpu.memory_space<vmem>> -> memref<1x128x128xf32, #tpu.memory_space<vmem>>
        %dma_wait3A_336 = tpu.memref_squeeze %dma_wait3A_335 : memref<1x128x128xf32, #tpu.memory_space<vmem>> -> memref<128x128xf32, #tpu.memory_space<vmem>>
        %dma_wait3A_337 = tpu.memref_slice %arg5[%multiple_of3A_331] : memref<10240xi32, #tpu.memory_space<vmem>> -> memref<128xi32, #tpu.memory_space<vmem>>
        %dma_wait3A_338 = arith.constant 0 : i32
        %dma_wait3A_339 = arith.constant 0 : i32
        %dma_wait3A_340 = tpu.memref_slice %arg2[%dma_wait3A_338, %dma_wait3A_339] : memref<10000x128xf32, #tpu.memory_space<hbm>> -> memref<10000x128xf32, #tpu.memory_space<hbm>>
        tpu.wait_indirect_dma semaphore(%arg11 : memref<!tpu.dma_semaphore, #tpu.memory_space<semaphore_mem>>) src(%dma_wait3A_340 : memref<10000x128xf32, #tpu.memory_space<hbm>>) dst(%dma_wait3A_336 : memref<128x128xf32, #tpu.memory_space<vmem>>)
        %add3A_341 = arith.addi %multiple_of3A, %multiple_of3A_331 : i32
        %dma_start3A_342 = arith.constant 4 : i32
        %dma_start3A_343 = arith.constant 0 : i32
        %dma_start3A_344 = arith.constant 0 : i32
        %dma_start3A_345 = tpu.memref_slice %arg6[%dma_start3A_342, %dma_start3A_343, %dma_start3A_344] : memref<5x128x128xf32, #tpu.memory_space<vmem>> -> memref<1x128x128xf32, #tpu.memory_space<vmem>>
        %dma_start3A_346 = tpu.memref_squeeze %dma_start3A_345 : memref<1x128x128xf32, #tpu.memory_space<vmem>> -> memref<128x128xf32, #tpu.memory_space<vmem>>
        %dma_start3A_347 = arith.constant 0 : i32
        %dma_start3A_348 = tpu.memref_slice %arg4[%add3A_341, %dma_start3A_347] : memref<327680x128xf32, #tpu.memory_space<hbm>> -> memref<128x128xf32, #tpu.memory_space<hbm>>
        %dma_start3A_349 = arith.constant 0 : i32
        %dma_start3A_350 = tpu.memref_slice %arg4[%add3A_341, %dma_start3A_349] : memref<327680x128xf32, #tpu.memory_space<hbm>> -> memref<128x128xf32, #tpu.memory_space<hbm>>
        %dma_start3A_351 = arith.constant 0 : i32
        %dma_start3A_352 = arith.constant 0 : i32
        %dma_start3A_353 = tpu.memref_slice %arg6[%dma_start3A_342, %dma_start3A_351, %dma_start3A_352] : memref<5x128x128xf32, #tpu.memory_space<vmem>> -> memref<1x128x128xf32, #tpu.memory_space<vmem>>
        %dma_start3A_354 = tpu.memref_squeeze %dma_start3A_353 : memref<1x128x128xf32, #tpu.memory_space<vmem>> -> memref<128x128xf32, #tpu.memory_space<vmem>>
        tpu.enqueue_dma source(%dma_start3A_354 : memref<128x128xf32, #tpu.memory_space<vmem>>) target(%dma_start3A_350 : memref<128x128xf32, #tpu.memory_space<hbm>>) target_semaphore(%arg16 : memref<!tpu.dma_semaphore, #tpu.memory_space<semaphore_mem>>)
      } else {
      }
    }
    %scan3A_14 = arith.constant 16 : i32
    %sub3A = arith.constant 5 : i32
    %sub3A_15 = arith.subi %select_n3A_9, %sub3A : i32
    %add3A_16 = arith.constant 0 : i32
    %add3A_17 = arith.addi %sub3A_15, %add3A_16 : i32
    %mul3A_18 = arith.constant 128 : i32
    %mul3A_19 = arith.muli %add3A_17, %mul3A_18 : i32
    %multiple_of3A_20 = tpu.assume_multiple %mul3A_19, 128 : i32
    %add3A_21 = arith.addi %multiple_of3A, %multiple_of3A_20 : i32
    %dma_wait3A = arith.constant 0 : i32
    %dma_wait3A_22 = arith.constant 0 : i32
    %dma_wait3A_23 = arith.constant 0 : i32
    %dma_wait3A_24 = tpu.memref_slice %arg6[%dma_wait3A, %dma_wait3A_22, %dma_wait3A_23] : memref<5x128x128xf32, #tpu.memory_space<vmem>> -> memref<1x128x128xf32, #tpu.memory_space<vmem>>
    %dma_wait3A_25 = tpu.memref_squeeze %dma_wait3A_24 : memref<1x128x128xf32, #tpu.memory_space<vmem>> -> memref<128x128xf32, #tpu.memory_space<vmem>>
    %dma_wait3A_26 = arith.constant 0 : i32
    %dma_wait3A_27 = tpu.memref_slice %arg4[%add3A_21, %dma_wait3A_26] : memref<327680x128xf32, #tpu.memory_space<hbm>> -> memref<128x128xf32, #tpu.memory_space<hbm>>
    %dma_wait3A_28 = arith.constant 0 : i32
    %dma_wait3A_29 = tpu.memref_slice %arg4[%add3A_21, %dma_wait3A_28] : memref<327680x128xf32, #tpu.memory_space<hbm>> -> memref<128x128xf32, #tpu.memory_space<hbm>>
    %dma_wait3A_30 = arith.constant 0 : i32
    %dma_wait3A_31 = arith.constant 0 : i32
    %dma_wait3A_32 = tpu.memref_slice %arg6[%dma_wait3A, %dma_wait3A_30, %dma_wait3A_31] : memref<5x128x128xf32, #tpu.memory_space<vmem>> -> memref<1x128x128xf32, #tpu.memory_space<vmem>>
    %dma_wait3A_33 = tpu.memref_squeeze %dma_wait3A_32 : memref<1x128x128xf32, #tpu.memory_space<vmem>> -> memref<128x128xf32, #tpu.memory_space<vmem>>
    tpu.wait_dma2 semaphore(%arg12 : memref<!tpu.dma_semaphore, #tpu.memory_space<semaphore_mem>>) src(%dma_wait3A_33 : memref<128x128xf32, #tpu.memory_space<vmem>>) dst(%dma_wait3A_29 : memref<128x128xf32, #tpu.memory_space<hbm>>)
    %sub3A_34 = arith.constant 5 : i32
    %sub3A_35 = arith.subi %select_n3A_9, %sub3A_34 : i32
    %add3A_36 = arith.constant 1 : i32
    %add3A_37 = arith.addi %sub3A_35, %add3A_36 : i32
    %mul3A_38 = arith.constant 128 : i32
    %mul3A_39 = arith.muli %add3A_37, %mul3A_38 : i32
    %multiple_of3A_40 = tpu.assume_multiple %mul3A_39, 128 : i32
    %add3A_41 = arith.addi %multiple_of3A, %multiple_of3A_40 : i32
    %dma_wait3A_42 = arith.constant 1 : i32
    %dma_wait3A_43 = arith.constant 0 : i32
    %dma_wait3A_44 = arith.constant 0 : i32
    %dma_wait3A_45 = tpu.memref_slice %arg6[%dma_wait3A_42, %dma_wait3A_43, %dma_wait3A_44] : memref<5x128x128xf32, #tpu.memory_space<vmem>> -> memref<1x128x128xf32, #tpu.memory_space<vmem>>
    %dma_wait3A_46 = tpu.memref_squeeze %dma_wait3A_45 : memref<1x128x128xf32, #tpu.memory_space<vmem>> -> memref<128x128xf32, #tpu.memory_space<vmem>>
    %dma_wait3A_47 = arith.constant 0 : i32
    %dma_wait3A_48 = tpu.memref_slice %arg4[%add3A_41, %dma_wait3A_47] : memref<327680x128xf32, #tpu.memory_space<hbm>> -> memref<128x128xf32, #tpu.memory_space<hbm>>
    %dma_wait3A_49 = arith.constant 0 : i32
    %dma_wait3A_50 = tpu.memref_slice %arg4[%add3A_41, %dma_wait3A_49] : memref<327680x128xf32, #tpu.memory_space<hbm>> -> memref<128x128xf32, #tpu.memory_space<hbm>>
    %dma_wait3A_51 = arith.constant 0 : i32
    %dma_wait3A_52 = arith.constant 0 : i32
    %dma_wait3A_53 = tpu.memref_slice %arg6[%dma_wait3A_42, %dma_wait3A_51, %dma_wait3A_52] : memref<5x128x128xf32, #tpu.memory_space<vmem>> -> memref<1x128x128xf32, #tpu.memory_space<vmem>>
    %dma_wait3A_54 = tpu.memref_squeeze %dma_wait3A_53 : memref<1x128x128xf32, #tpu.memory_space<vmem>> -> memref<128x128xf32, #tpu.memory_space<vmem>>
    tpu.wait_dma2 semaphore(%arg13 : memref<!tpu.dma_semaphore, #tpu.memory_space<semaphore_mem>>) src(%dma_wait3A_54 : memref<128x128xf32, #tpu.memory_space<vmem>>) dst(%dma_wait3A_50 : memref<128x128xf32, #tpu.memory_space<hbm>>)
    %sub3A_55 = arith.constant 5 : i32
    %sub3A_56 = arith.subi %select_n3A_9, %sub3A_55 : i32
    %add3A_57 = arith.constant 2 : i32
    %add3A_58 = arith.addi %sub3A_56, %add3A_57 : i32
    %mul3A_59 = arith.constant 128 : i32
    %mul3A_60 = arith.muli %add3A_58, %mul3A_59 : i32
    %multiple_of3A_61 = tpu.assume_multiple %mul3A_60, 128 : i32
    %add3A_62 = arith.addi %multiple_of3A, %multiple_of3A_61 : i32
    %dma_wait3A_63 = arith.constant 2 : i32
    %dma_wait3A_64 = arith.constant 0 : i32
    %dma_wait3A_65 = arith.constant 0 : i32
    %dma_wait3A_66 = tpu.memref_slice %arg6[%dma_wait3A_63, %dma_wait3A_64, %dma_wait3A_65] : memref<5x128x128xf32, #tpu.memory_space<vmem>> -> memref<1x128x128xf32, #tpu.memory_space<vmem>>
    %dma_wait3A_67 = tpu.memref_squeeze %dma_wait3A_66 : memref<1x128x128xf32, #tpu.memory_space<vmem>> -> memref<128x128xf32, #tpu.memory_space<vmem>>
    %dma_wait3A_68 = arith.constant 0 : i32
    %dma_wait3A_69 = tpu.memref_slice %arg4[%add3A_62, %dma_wait3A_68] : memref<327680x128xf32, #tpu.memory_space<hbm>> -> memref<128x128xf32, #tpu.memory_space<hbm>>
    %dma_wait3A_70 = arith.constant 0 : i32
    %dma_wait3A_71 = tpu.memref_slice %arg4[%add3A_62, %dma_wait3A_70] : memref<327680x128xf32, #tpu.memory_space<hbm>> -> memref<128x128xf32, #tpu.memory_space<hbm>>
    %dma_wait3A_72 = arith.constant 0 : i32
    %dma_wait3A_73 = arith.constant 0 : i32
    %dma_wait3A_74 = tpu.memref_slice %arg6[%dma_wait3A_63, %dma_wait3A_72, %dma_wait3A_73] : memref<5x128x128xf32, #tpu.memory_space<vmem>> -> memref<1x128x128xf32, #tpu.memory_space<vmem>>
    %dma_wait3A_75 = tpu.memref_squeeze %dma_wait3A_74 : memref<1x128x128xf32, #tpu.memory_space<vmem>> -> memref<128x128xf32, #tpu.memory_space<vmem>>
    tpu.wait_dma2 semaphore(%arg14 : memref<!tpu.dma_semaphore, #tpu.memory_space<semaphore_mem>>) src(%dma_wait3A_75 : memref<128x128xf32, #tpu.memory_space<vmem>>) dst(%dma_wait3A_71 : memref<128x128xf32, #tpu.memory_space<hbm>>)
    %sub3A_76 = arith.constant 5 : i32
    %sub3A_77 = arith.subi %select_n3A_9, %sub3A_76 : i32
    %add3A_78 = arith.constant 3 : i32
    %add3A_79 = arith.addi %sub3A_77, %add3A_78 : i32
    %mul3A_80 = arith.constant 128 : i32
    %mul3A_81 = arith.muli %add3A_79, %mul3A_80 : i32
    %multiple_of3A_82 = tpu.assume_multiple %mul3A_81, 128 : i32
    %add3A_83 = arith.addi %multiple_of3A, %multiple_of3A_82 : i32
    %dma_wait3A_84 = arith.constant 3 : i32
    %dma_wait3A_85 = arith.constant 0 : i32
    %dma_wait3A_86 = arith.constant 0 : i32
    %dma_wait3A_87 = tpu.memref_slice %arg6[%dma_wait3A_84, %dma_wait3A_85, %dma_wait3A_86] : memref<5x128x128xf32, #tpu.memory_space<vmem>> -> memref<1x128x128xf32, #tpu.memory_space<vmem>>
    %dma_wait3A_88 = tpu.memref_squeeze %dma_wait3A_87 : memref<1x128x128xf32, #tpu.memory_space<vmem>> -> memref<128x128xf32, #tpu.memory_space<vmem>>
    %dma_wait3A_89 = arith.constant 0 : i32
    %dma_wait3A_90 = tpu.memref_slice %arg4[%add3A_83, %dma_wait3A_89] : memref<327680x128xf32, #tpu.memory_space<hbm>> -> memref<128x128xf32, #tpu.memory_space<hbm>>
    %dma_wait3A_91 = arith.constant 0 : i32
    %dma_wait3A_92 = tpu.memref_slice %arg4[%add3A_83, %dma_wait3A_91] : memref<327680x128xf32, #tpu.memory_space<hbm>> -> memref<128x128xf32, #tpu.memory_space<hbm>>
    %dma_wait3A_93 = arith.constant 0 : i32
    %dma_wait3A_94 = arith.constant 0 : i32
    %dma_wait3A_95 = tpu.memref_slice %arg6[%dma_wait3A_84, %dma_wait3A_93, %dma_wait3A_94] : memref<5x128x128xf32, #tpu.memory_space<vmem>> -> memref<1x128x128xf32, #tpu.memory_space<vmem>>
    %dma_wait3A_96 = tpu.memref_squeeze %dma_wait3A_95 : memref<1x128x128xf32, #tpu.memory_space<vmem>> -> memref<128x128xf32, #tpu.memory_space<vmem>>
    tpu.wait_dma2 semaphore(%arg15 : memref<!tpu.dma_semaphore, #tpu.memory_space<semaphore_mem>>) src(%dma_wait3A_96 : memref<128x128xf32, #tpu.memory_space<vmem>>) dst(%dma_wait3A_92 : memref<128x128xf32, #tpu.memory_space<hbm>>)
    %sub3A_97 = arith.constant 5 : i32
    %sub3A_98 = arith.subi %select_n3A_9, %sub3A_97 : i32
    %add3A_99 = arith.constant 4 : i32
    %add3A_100 = arith.addi %sub3A_98, %add3A_99 : i32
    %mul3A_101 = arith.constant 128 : i32
    %mul3A_102 = arith.muli %add3A_100, %mul3A_101 : i32
    %multiple_of3A_103 = tpu.assume_multiple %mul3A_102, 128 : i32
    %add3A_104 = arith.addi %multiple_of3A, %multiple_of3A_103 : i32
    %dma_wait3A_105 = arith.constant 4 : i32
    %dma_wait3A_106 = arith.constant 0 : i32
    %dma_wait3A_107 = arith.constant 0 : i32
    %dma_wait3A_108 = tpu.memref_slice %arg6[%dma_wait3A_105, %dma_wait3A_106, %dma_wait3A_107] : memref<5x128x128xf32, #tpu.memory_space<vmem>> -> memref<1x128x128xf32, #tpu.memory_space<vmem>>
    %dma_wait3A_109 = tpu.memref_squeeze %dma_wait3A_108 : memref<1x128x128xf32, #tpu.memory_space<vmem>> -> memref<128x128xf32, #tpu.memory_space<vmem>>
    %dma_wait3A_110 = arith.constant 0 : i32
    %dma_wait3A_111 = tpu.memref_slice %arg4[%add3A_104, %dma_wait3A_110] : memref<327680x128xf32, #tpu.memory_space<hbm>> -> memref<128x128xf32, #tpu.memory_space<hbm>>
    %dma_wait3A_112 = arith.constant 0 : i32
    %dma_wait3A_113 = tpu.memref_slice %arg4[%add3A_104, %dma_wait3A_112] : memref<327680x128xf32, #tpu.memory_space<hbm>> -> memref<128x128xf32, #tpu.memory_space<hbm>>
    %dma_wait3A_114 = arith.constant 0 : i32
    %dma_wait3A_115 = arith.constant 0 : i32
    %dma_wait3A_116 = tpu.memref_slice %arg6[%dma_wait3A_105, %dma_wait3A_114, %dma_wait3A_115] : memref<5x128x128xf32, #tpu.memory_space<vmem>> -> memref<1x128x128xf32, #tpu.memory_space<vmem>>
    %dma_wait3A_117 = tpu.memref_squeeze %dma_wait3A_116 : memref<1x128x128xf32, #tpu.memory_space<vmem>> -> memref<128x128xf32, #tpu.memory_space<vmem>>
    tpu.wait_dma2 semaphore(%arg16 : memref<!tpu.dma_semaphore, #tpu.memory_space<semaphore_mem>>) src(%dma_wait3A_117 : memref<128x128xf32, #tpu.memory_space<vmem>>) dst(%dma_wait3A_113 : memref<128x128xf32, #tpu.memory_space<hbm>>)
    return
  }
}

#map = affine_map<(d0, d1) -> (0, 0)>
#map1 = affine_map<(d0, d1) -> (0)>
module attributes {stable_mosaic.version = 14 : i64} {
  func.func @gather_kernel(%arg0: i32, %arg1: i32, %arg2: memref<10000x128xf32, #tpu.memory_space<hbm>>, %arg3: memref<327680xi32, #tpu.memory_space<hbm>>, %arg4: memref<327680x128xf32, #tpu.memory_space<hbm>>, %arg5: memref<10240xi32, #tpu.memory_space<vmem>>, %arg6: memref<5x128x128xf32, #tpu.memory_space<vmem>>, %arg7: memref<!tpu.dma_semaphore, #tpu.memory_space<semaphore_mem>>, %arg8: memref<!tpu.dma_semaphore, #tpu.memory_space<semaphore_mem>>, %arg9: memref<!tpu.dma_semaphore, #tpu.memory_space<semaphore_mem>>, %arg10: memref<!tpu.dma_semaphore, #tpu.memory_space<semaphore_mem>>, %arg11: memref<!tpu.dma_semaphore, #tpu.memory_space<semaphore_mem>>, %arg12: memref<!tpu.dma_semaphore, #tpu.memory_space<semaphore_mem>>, %arg13: memref<!tpu.dma_semaphore, #tpu.memory_space<semaphore_mem>>, %arg14: memref<!tpu.dma_semaphore, #tpu.memory_space<semaphore_mem>>, %arg15: memref<!tpu.dma_semaphore, #tpu.memory_space<semaphore_mem>>, %arg16: memref<!tpu.dma_semaphore, #tpu.memory_space<semaphore_mem>>) attributes {dimension_semantics = [#tpu.dimension_semantics<core_parallel>, #tpu.dimension_semantics<subcore_parallel>], iteration_bounds = array<i64: 2, 16>, scalar_prefetch = 0 : i64, scratch_operands = 12 : i64, tpu.core_type = #tpu.core_type<sc_vector_subcore>, window_params = [{transform_indices = #map}, {transform_indices = #map1}, {transform_indices = #map}]} {
    %eq3A = arith.constant 1 : i32
    %eq3A_0 = arith.cmpi eq, %arg0, %eq3A : i32
    %mul3A = arith.constant 10240 : i32
    %mul3A_1 = arith.muli %arg1, %mul3A : i32
    %mul3A_2 = arith.constant 10240 : i32
    %mul3A_3 = arith.muli %arg1, %mul3A_2 : i32
    %add3A = arith.constant 163840 : i32
    %add3A_4 = arith.addi %add3A, %mul3A_3 : i32
    %select_n3A = arith.select %eq3A_0, %mul3A_1, %add3A_4 : i32
    %multiple_of3A = tpu.assume_multiple %select_n3A, 128 : i32
    %jit3A = arith.constant 16 : i32
    %jit3A_5 = arith.constant 16 : i32
    %select_n3A_6 = arith.select %eq3A_0, %jit3A, %jit3A_5 : i32
    %jit3A_7 = arith.constant 80 : i32
    %jit3A_8 = arith.constant 80 : i32
    %select_n3A_9 = arith.select %eq3A_0, %jit3A_7, %jit3A_8 : i32
    "tpu.region"() ({
      %run_scoped3A = tpu.sem_alloc : memref<!tpu.dma_semaphore, #tpu.memory_space<semaphore_mem>>
      %dma_start3A = tpu.memref_slice %arg3[%multiple_of3A] : memref<327680xi32, #tpu.memory_space<hbm>> -> memref<10240xi32, #tpu.memory_space<hbm>>
      %dma_start3A_118 = tpu.memref_slice %arg3[%multiple_of3A] : memref<327680xi32, #tpu.memory_space<hbm>> -> memref<10240xi32, #tpu.memory_space<hbm>>
      tpu.enqueue_dma source(%dma_start3A_118 : memref<10240xi32, #tpu.memory_space<hbm>>) target(%arg5 : memref<10240xi32, #tpu.memory_space<vmem>>) target_semaphore(%run_scoped3A : memref<!tpu.dma_semaphore, #tpu.memory_space<semaphore_mem>>)
      %dma_wait3A_119 = tpu.memref_slice %arg3[%multiple_of3A] : memref<327680xi32, #tpu.memory_space<hbm>> -> memref<10240xi32, #tpu.memory_space<hbm>>
      %dma_wait3A_120 = tpu.memref_slice %arg3[%multiple_of3A] : memref<327680xi32, #tpu.memory_space<hbm>> -> memref<10240xi32, #tpu.memory_space<hbm>>
      tpu.wait_dma2 semaphore(%run_scoped3A : memref<!tpu.dma_semaphore, #tpu.memory_space<semaphore_mem>>) src(%dma_wait3A_120 : memref<10240xi32, #tpu.memory_space<hbm>>) dst(%arg5 : memref<10240xi32, #tpu.memory_space<vmem>>)
      tpu.yield
    }) : () -> ()
    %scan3A = arith.constant 0 : i32
    %scan3A_10 = arith.constant 0 : i32
    %scan3A_11 = arith.constant 16 : i32
    %scan3A_12 = arith.addi %scan3A_10, %scan3A_11 : i32
    %scan3A_13 = arith.constant 1 : i32
    scf.for %scan3A_118 = %scan3A_10 to %scan3A_12 step %scan3A_13  : i32 {
      %lt3A = arith.cmpi slt, %scan3A_118, %select_n3A_6 : i32
      %convert_element_type3A = arith.extui %lt3A : i1 to i32
      %cond3A = arith.constant 0 : i32
      %cond3A_119 = arith.cmpi ne, %convert_element_type3A, %cond3A : i32
      scf.if %cond3A_119 {
        %mul3A_120 = arith.constant 5 : i32
        %mul3A_121 = arith.muli %scan3A_118, %mul3A_120 : i32
        %add3A_122 = arith.constant 0 : i32
        %add3A_123 = arith.addi %mul3A_121, %add3A_122 : i32
        %mul3A_124 = arith.constant 128 : i32
        %mul3A_125 = arith.muli %add3A_123, %mul3A_124 : i32
        %multiple_of3A_126 = tpu.assume_multiple %mul3A_125, 128 : i32
        %gt3A = arith.constant 0 : i32
        %gt3A_127 = arith.cmpi sgt, %scan3A_118, %gt3A : i32
        %convert_element_type3A_128 = arith.extui %gt3A_127 : i1 to i32
        %cond3A_129 = arith.constant 0 : i32
        %cond3A_130 = arith.cmpi ne, %convert_element_type3A_128, %cond3A_129 : i32
        scf.if %cond3A_130 {
          %add3A_355 = arith.addi %multiple_of3A, %multiple_of3A_126 : i32
          %dma_wait3A_356 = arith.constant 0 : i32
          %dma_wait3A_357 = arith.constant 0 : i32
          %dma_wait3A_358 = arith.constant 0 : i32
          %dma_wait3A_359 = tpu.memref_slice %arg6[%dma_wait3A_356, %dma_wait3A_357, %dma_wait3A_358] : memref<5x128x128xf32, #tpu.memory_space<vmem>> -> memref<1x128x128xf32, #tpu.memory_space<vmem>>
          %dma_wait3A_360 = tpu.memref_squeeze %dma_wait3A_359 : memref<1x128x128xf32, #tpu.memory_space<vmem>> -> memref<128x128xf32, #tpu.memory_space<vmem>>
          %dma_wait3A_361 = arith.constant 0 : i32
          %dma_wait3A_362 = tpu.memref_slice %arg4[%add3A_355, %dma_wait3A_361] : memref<327680x128xf32, #tpu.memory_space<hbm>> -> memref<128x128xf32, #tpu.memory_space<hbm>>
          %dma_wait3A_363 = arith.constant 0 : i32
          %dma_wait3A_364 = tpu.memref_slice %arg4[%add3A_355, %dma_wait3A_363] : memref<327680x128xf32, #tpu.memory_space<hbm>> -> memref<128x128xf32, #tpu.memory_space<hbm>>
          %dma_wait3A_365 = arith.constant 0 : i32
          %dma_wait3A_366 = arith.constant 0 : i32
          %dma_wait3A_367 = tpu.memref_slice %arg6[%dma_wait3A_356, %dma_wait3A_365, %dma_wait3A_366] : memref<5x128x128xf32, #tpu.memory_space<vmem>> -> memref<1x128x128xf32, #tpu.memory_space<vmem>>
          %dma_wait3A_368 = tpu.memref_squeeze %dma_wait3A_367 : memref<1x128x128xf32, #tpu.memory_space<vmem>> -> memref<128x128xf32, #tpu.memory_space<vmem>>
          tpu.wait_dma2 semaphore(%arg12 : memref<!tpu.dma_semaphore, #tpu.memory_space<semaphore_mem>>) src(%dma_wait3A_368 : memref<128x128xf32, #tpu.memory_space<vmem>>) dst(%dma_wait3A_364 : memref<128x128xf32, #tpu.memory_space<hbm>>)
        } else {
        }
        %dma_start3A = arith.constant 0 : i32
        %dma_start3A_131 = arith.constant 0 : i32
        %dma_start3A_132 = arith.constant 0 : i32
        %dma_start3A_133 = tpu.memref_slice %arg6[%dma_start3A, %dma_start3A_131, %dma_start3A_132] : memref<5x128x128xf32, #tpu.memory_space<vmem>> -> memref<1x128x128xf32, #tpu.memory_space<vmem>>
        %dma_start3A_134 = tpu.memref_squeeze %dma_start3A_133 : memref<1x128x128xf32, #tpu.memory_space<vmem>> -> memref<128x128xf32, #tpu.memory_space<vmem>>
        %dma_start3A_135 = tpu.memref_slice %arg5[%multiple_of3A_126] : memref<10240xi32, #tpu.memory_space<vmem>> -> memref<128xi32, #tpu.memory_space<vmem>>
        %dma_start3A_136 = arith.constant 0 : i32
        %dma_start3A_137 = arith.constant 0 : i32
        %dma_start3A_138 = tpu.memref_slice %arg2[%dma_start3A_136, %dma_start3A_137] : memref<10000x128xf32, #tpu.memory_space<hbm>> -> memref<10000x128xf32, #tpu.memory_space<hbm>>
        tpu.enqueue_indirect_dma source(%dma_start3A_138 : memref<10000x128xf32, #tpu.memory_space<hbm>>) target(%dma_start3A_134 : memref<128x128xf32, #tpu.memory_space<vmem>>) offsets(%dma_start3A_135 : memref<128xi32, #tpu.memory_space<vmem>>) semaphore(%arg7 : memref<!tpu.dma_semaphore, #tpu.memory_space<semaphore_mem>>)
        %add3A_139 = arith.constant 1 : i32
        %add3A_140 = arith.addi %mul3A_121, %add3A_139 : i32
        %mul3A_141 = arith.constant 128 : i32
        %mul3A_142 = arith.muli %add3A_140, %mul3A_141 : i32
        %multiple_of3A_143 = tpu.assume_multiple %mul3A_142, 128 : i32
        %gt3A_144 = arith.constant 0 : i32
        %gt3A_145 = arith.cmpi sgt, %scan3A_118, %gt3A_144 : i32
        %convert_element_type3A_146 = arith.extui %gt3A_145 : i1 to i32
        %cond3A_147 = arith.constant 0 : i32
        %cond3A_148 = arith.cmpi ne, %convert_element_type3A_146, %cond3A_147 : i32
        scf.if %cond3A_148 {
          %add3A_355 = arith.addi %multiple_of3A, %multiple_of3A_143 : i32
          %dma_wait3A_356 = arith.constant 1 : i32
          %dma_wait3A_357 = arith.constant 0 : i32
          %dma_wait3A_358 = arith.constant 0 : i32
          %dma_wait3A_359 = tpu.memref_slice %arg6[%dma_wait3A_356, %dma_wait3A_357, %dma_wait3A_358] : memref<5x128x128xf32, #tpu.memory_space<vmem>> -> memref<1x128x128xf32, #tpu.memory_space<vmem>>
          %dma_wait3A_360 = tpu.memref_squeeze %dma_wait3A_359 : memref<1x128x128xf32, #tpu.memory_space<vmem>> -> memref<128x128xf32, #tpu.memory_space<vmem>>
          %dma_wait3A_361 = arith.constant 0 : i32
          %dma_wait3A_362 = tpu.memref_slice %arg4[%add3A_355, %dma_wait3A_361] : memref<327680x128xf32, #tpu.memory_space<hbm>> -> memref<128x128xf32, #tpu.memory_space<hbm>>
          %dma_wait3A_363 = arith.constant 0 : i32
          %dma_wait3A_364 = tpu.memref_slice %arg4[%add3A_355, %dma_wait3A_363] : memref<327680x128xf32, #tpu.memory_space<hbm>> -> memref<128x128xf32, #tpu.memory_space<hbm>>
          %dma_wait3A_365 = arith.constant 0 : i32
          %dma_wait3A_366 = arith.constant 0 : i32
          %dma_wait3A_367 = tpu.memref_slice %arg6[%dma_wait3A_356, %dma_wait3A_365, %dma_wait3A_366] : memref<5x128x128xf32, #tpu.memory_space<vmem>> -> memref<1x128x128xf32, #tpu.memory_space<vmem>>
          %dma_wait3A_368 = tpu.memref_squeeze %dma_wait3A_367 : memref<1x128x128xf32, #tpu.memory_space<vmem>> -> memref<128x128xf32, #tpu.memory_space<vmem>>
          tpu.wait_dma2 semaphore(%arg13 : memref<!tpu.dma_semaphore, #tpu.memory_space<semaphore_mem>>) src(%dma_wait3A_368 : memref<128x128xf32, #tpu.memory_space<vmem>>) dst(%dma_wait3A_364 : memref<128x128xf32, #tpu.memory_space<hbm>>)
        } else {
        }
        %dma_start3A_149 = arith.constant 1 : i32
        %dma_start3A_150 = arith.constant 0 : i32
        %dma_start3A_151 = arith.constant 0 : i32
        %dma_start3A_152 = tpu.memref_slice %arg6[%dma_start3A_149, %dma_start3A_150, %dma_start3A_151] : memref<5x128x128xf32, #tpu.memory_space<vmem>> -> memref<1x128x128xf32, #tpu.memory_space<vmem>>
        %dma_start3A_153 = tpu.memref_squeeze %dma_start3A_152 : memref<1x128x128xf32, #tpu.memory_space<vmem>> -> memref<128x128xf32, #tpu.memory_space<vmem>>
        %dma_start3A_154 = tpu.memref_slice %arg5[%multiple_of3A_143] : memref<10240xi32, #tpu.memory_space<vmem>> -> memref<128xi32, #tpu.memory_space<vmem>>
        %dma_start3A_155 = arith.constant 0 : i32
        %dma_start3A_156 = arith.constant 0 : i32
        %dma_start3A_157 = tpu.memref_slice %arg2[%dma_start3A_155, %dma_start3A_156] : memref<10000x128xf32, #tpu.memory_space<hbm>> -> memref<10000x128xf32, #tpu.memory_space<hbm>>
        tpu.enqueue_indirect_dma source(%dma_start3A_157 : memref<10000x128xf32, #tpu.memory_space<hbm>>) target(%dma_start3A_153 : memref<128x128xf32, #tpu.memory_space<vmem>>) offsets(%dma_start3A_154 : memref<128xi32, #tpu.memory_space<vmem>>) semaphore(%arg8 : memref<!tpu.dma_semaphore, #tpu.memory_space<semaphore_mem>>)
        %add3A_158 = arith.constant 2 : i32
        %add3A_159 = arith.addi %mul3A_121, %add3A_158 : i32
        %mul3A_160 = arith.constant 128 : i32
        %mul3A_161 = arith.muli %add3A_159, %mul3A_160 : i32
        %multiple_of3A_162 = tpu.assume_multiple %mul3A_161, 128 : i32
        %gt3A_163 = arith.constant 0 : i32
        %gt3A_164 = arith.cmpi sgt, %scan3A_118, %gt3A_163 : i32
        %convert_element_type3A_165 = arith.extui %gt3A_164 : i1 to i32
        %cond3A_166 = arith.constant 0 : i32
        %cond3A_167 = arith.cmpi ne, %convert_element_type3A_165, %cond3A_166 : i32
        scf.if %cond3A_167 {
          %add3A_355 = arith.addi %multiple_of3A, %multiple_of3A_162 : i32
          %dma_wait3A_356 = arith.constant 2 : i32
          %dma_wait3A_357 = arith.constant 0 : i32
          %dma_wait3A_358 = arith.constant 0 : i32
          %dma_wait3A_359 = tpu.memref_slice %arg6[%dma_wait3A_356, %dma_wait3A_357, %dma_wait3A_358] : memref<5x128x128xf32, #tpu.memory_space<vmem>> -> memref<1x128x128xf32, #tpu.memory_space<vmem>>
          %dma_wait3A_360 = tpu.memref_squeeze %dma_wait3A_359 : memref<1x128x128xf32, #tpu.memory_space<vmem>> -> memref<128x128xf32, #tpu.memory_space<vmem>>
          %dma_wait3A_361 = arith.constant 0 : i32
          %dma_wait3A_362 = tpu.memref_slice %arg4[%add3A_355, %dma_wait3A_361] : memref<327680x128xf32, #tpu.memory_space<hbm>> -> memref<128x128xf32, #tpu.memory_space<hbm>>
          %dma_wait3A_363 = arith.constant 0 : i32
          %dma_wait3A_364 = tpu.memref_slice %arg4[%add3A_355, %dma_wait3A_363] : memref<327680x128xf32, #tpu.memory_space<hbm>> -> memref<128x128xf32, #tpu.memory_space<hbm>>
          %dma_wait3A_365 = arith.constant 0 : i32
          %dma_wait3A_366 = arith.constant 0 : i32
          %dma_wait3A_367 = tpu.memref_slice %arg6[%dma_wait3A_356, %dma_wait3A_365, %dma_wait3A_366] : memref<5x128x128xf32, #tpu.memory_space<vmem>> -> memref<1x128x128xf32, #tpu.memory_space<vmem>>
          %dma_wait3A_368 = tpu.memref_squeeze %dma_wait3A_367 : memref<1x128x128xf32, #tpu.memory_space<vmem>> -> memref<128x128xf32, #tpu.memory_space<vmem>>
          tpu.wait_dma2 semaphore(%arg14 : memref<!tpu.dma_semaphore, #tpu.memory_space<semaphore_mem>>) src(%dma_wait3A_368 : memref<128x128xf32, #tpu.memory_space<vmem>>) dst(%dma_wait3A_364 : memref<128x128xf32, #tpu.memory_space<hbm>>)
        } else {
        }
        %dma_start3A_168 = arith.constant 2 : i32
        %dma_start3A_169 = arith.constant 0 : i32
        %dma_start3A_170 = arith.constant 0 : i32
        %dma_start3A_171 = tpu.memref_slice %arg6[%dma_start3A_168, %dma_start3A_169, %dma_start3A_170] : memref<5x128x128xf32, #tpu.memory_space<vmem>> -> memref<1x128x128xf32, #tpu.memory_space<vmem>>
        %dma_start3A_172 = tpu.memref_squeeze %dma_start3A_171 : memref<1x128x128xf32, #tpu.memory_space<vmem>> -> memref<128x128xf32, #tpu.memory_space<vmem>>
        %dma_start3A_173 = tpu.memref_slice %arg5[%multiple_of3A_162] : memref<10240xi32, #tpu.memory_space<vmem>> -> memref<128xi32, #tpu.memory_space<vmem>>
        %dma_start3A_174 = arith.constant 0 : i32
        %dma_start3A_175 = arith.constant 0 : i32
        %dma_start3A_176 = tpu.memref_slice %arg2[%dma_start3A_174, %dma_start3A_175] : memref<10000x128xf32, #tpu.memory_space<hbm>> -> memref<10000x128xf32, #tpu.memory_space<hbm>>
        tpu.enqueue_indirect_dma source(%dma_start3A_176 : memref<10000x128xf32, #tpu.memory_space<hbm>>) target(%dma_start3A_172 : memref<128x128xf32, #tpu.memory_space<vmem>>) offsets(%dma_start3A_173 : memref<128xi32, #tpu.memory_space<vmem>>) semaphore(%arg9 : memref<!tpu.dma_semaphore, #tpu.memory_space<semaphore_mem>>)
        %add3A_177 = arith.constant 3 : i32
        %add3A_178 = arith.addi %mul3A_121, %add3A_177 : i32
        %mul3A_179 = arith.constant 128 : i32
        %mul3A_180 = arith.muli %add3A_178, %mul3A_179 : i32
        %multiple_of3A_181 = tpu.assume_multiple %mul3A_180, 128 : i32
        %gt3A_182 = arith.constant 0 : i32
        %gt3A_183 = arith.cmpi sgt, %scan3A_118, %gt3A_182 : i32
        %convert_element_type3A_184 = arith.extui %gt3A_183 : i1 to i32
        %cond3A_185 = arith.constant 0 : i32
        %cond3A_186 = arith.cmpi ne, %convert_element_type3A_184, %cond3A_185 : i32
        scf.if %cond3A_186 {
          %add3A_355 = arith.addi %multiple_of3A, %multiple_of3A_181 : i32
          %dma_wait3A_356 = arith.constant 3 : i32
          %dma_wait3A_357 = arith.constant 0 : i32
          %dma_wait3A_358 = arith.constant 0 : i32
          %dma_wait3A_359 = tpu.memref_slice %arg6[%dma_wait3A_356, %dma_wait3A_357, %dma_wait3A_358] : memref<5x128x128xf32, #tpu.memory_space<vmem>> -> memref<1x128x128xf32, #tpu.memory_space<vmem>>
          %dma_wait3A_360 = tpu.memref_squeeze %dma_wait3A_359 : memref<1x128x128xf32, #tpu.memory_space<vmem>> -> memref<128x128xf32, #tpu.memory_space<vmem>>
          %dma_wait3A_361 = arith.constant 0 : i32
          %dma_wait3A_362 = tpu.memref_slice %arg4[%add3A_355, %dma_wait3A_361] : memref<327680x128xf32, #tpu.memory_space<hbm>> -> memref<128x128xf32, #tpu.memory_space<hbm>>
          %dma_wait3A_363 = arith.constant 0 : i32
          %dma_wait3A_364 = tpu.memref_slice %arg4[%add3A_355, %dma_wait3A_363] : memref<327680x128xf32, #tpu.memory_space<hbm>> -> memref<128x128xf32, #tpu.memory_space<hbm>>
          %dma_wait3A_365 = arith.constant 0 : i32
          %dma_wait3A_366 = arith.constant 0 : i32
          %dma_wait3A_367 = tpu.memref_slice %arg6[%dma_wait3A_356, %dma_wait3A_365, %dma_wait3A_366] : memref<5x128x128xf32, #tpu.memory_space<vmem>> -> memref<1x128x128xf32, #tpu.memory_space<vmem>>
          %dma_wait3A_368 = tpu.memref_squeeze %dma_wait3A_367 : memref<1x128x128xf32, #tpu.memory_space<vmem>> -> memref<128x128xf32, #tpu.memory_space<vmem>>
          tpu.wait_dma2 semaphore(%arg15 : memref<!tpu.dma_semaphore, #tpu.memory_space<semaphore_mem>>) src(%dma_wait3A_368 : memref<128x128xf32, #tpu.memory_space<vmem>>) dst(%dma_wait3A_364 : memref<128x128xf32, #tpu.memory_space<hbm>>)
        } else {
        }
        %dma_start3A_187 = arith.constant 3 : i32
        %dma_start3A_188 = arith.constant 0 : i32
        %dma_start3A_189 = arith.constant 0 : i32
        %dma_start3A_190 = tpu.memref_slice %arg6[%dma_start3A_187, %dma_start3A_188, %dma_start3A_189] : memref<5x128x128xf32, #tpu.memory_space<vmem>> -> memref<1x128x128xf32, #tpu.memory_space<vmem>>
        %dma_start3A_191 = tpu.memref_squeeze %dma_start3A_190 : memref<1x128x128xf32, #tpu.memory_space<vmem>> -> memref<128x128xf32, #tpu.memory_space<vmem>>
        %dma_start3A_192 = tpu.memref_slice %arg5[%multiple_of3A_181] : memref<10240xi32, #tpu.memory_space<vmem>> -> memref<128xi32, #tpu.memory_space<vmem>>
        %dma_start3A_193 = arith.constant 0 : i32
        %dma_start3A_194 = arith.constant 0 : i32
        %dma_start3A_195 = tpu.memref_slice %arg2[%dma_start3A_193, %dma_start3A_194] : memref<10000x128xf32, #tpu.memory_space<hbm>> -> memref<10000x128xf32, #tpu.memory_space<hbm>>
        tpu.enqueue_indirect_dma source(%dma_start3A_195 : memref<10000x128xf32, #tpu.memory_space<hbm>>) target(%dma_start3A_191 : memref<128x128xf32, #tpu.memory_space<vmem>>) offsets(%dma_start3A_192 : memref<128xi32, #tpu.memory_space<vmem>>) semaphore(%arg10 : memref<!tpu.dma_semaphore, #tpu.memory_space<semaphore_mem>>)
        %add3A_196 = arith.constant 4 : i32
        %add3A_197 = arith.addi %mul3A_121, %add3A_196 : i32
        %mul3A_198 = arith.constant 128 : i32
        %mul3A_199 = arith.muli %add3A_197, %mul3A_198 : i32
        %multiple_of3A_200 = tpu.assume_multiple %mul3A_199, 128 : i32
        %gt3A_201 = arith.constant 0 : i32
        %gt3A_202 = arith.cmpi sgt, %scan3A_118, %gt3A_201 : i32
        %convert_element_type3A_203 = arith.extui %gt3A_202 : i1 to i32
        %cond3A_204 = arith.constant 0 : i32
        %cond3A_205 = arith.cmpi ne, %convert_element_type3A_203, %cond3A_204 : i32
        scf.if %cond3A_205 {
          %add3A_355 = arith.addi %multiple_of3A, %multiple_of3A_200 : i32
          %dma_wait3A_356 = arith.constant 4 : i32
          %dma_wait3A_357 = arith.constant 0 : i32
          %dma_wait3A_358 = arith.constant 0 : i32
          %dma_wait3A_359 = tpu.memref_slice %arg6[%dma_wait3A_356, %dma_wait3A_357, %dma_wait3A_358] : memref<5x128x128xf32, #tpu.memory_space<vmem>> -> memref<1x128x128xf32, #tpu.memory_space<vmem>>
          %dma_wait3A_360 = tpu.memref_squeeze %dma_wait3A_359 : memref<1x128x128xf32, #tpu.memory_space<vmem>> -> memref<128x128xf32, #tpu.memory_space<vmem>>
          %dma_wait3A_361 = arith.constant 0 : i32
          %dma_wait3A_362 = tpu.memref_slice %arg4[%add3A_355, %dma_wait3A_361] : memref<327680x128xf32, #tpu.memory_space<hbm>> -> memref<128x128xf32, #tpu.memory_space<hbm>>
          %dma_wait3A_363 = arith.constant 0 : i32
          %dma_wait3A_364 = tpu.memref_slice %arg4[%add3A_355, %dma_wait3A_363] : memref<327680x128xf32, #tpu.memory_space<hbm>> -> memref<128x128xf32, #tpu.memory_space<hbm>>
          %dma_wait3A_365 = arith.constant 0 : i32
          %dma_wait3A_366 = arith.constant 0 : i32
          %dma_wait3A_367 = tpu.memref_slice %arg6[%dma_wait3A_356, %dma_wait3A_365, %dma_wait3A_366] : memref<5x128x128xf32, #tpu.memory_space<vmem>> -> memref<1x128x128xf32, #tpu.memory_space<vmem>>
          %dma_wait3A_368 = tpu.memref_squeeze %dma_wait3A_367 : memref<1x128x128xf32, #tpu.memory_space<vmem>> -> memref<128x128xf32, #tpu.memory_space<vmem>>
          tpu.wait_dma2 semaphore(%arg16 : memref<!tpu.dma_semaphore, #tpu.memory_space<semaphore_mem>>) src(%dma_wait3A_368 : memref<128x128xf32, #tpu.memory_space<vmem>>) dst(%dma_wait3A_364 : memref<128x128xf32, #tpu.memory_space<hbm>>)
        } else {
        }
        %dma_start3A_206 = arith.constant 4 : i32
        %dma_start3A_207 = arith.constant 0 : i32
        %dma_start3A_208 = arith.constant 0 : i32
        %dma_start3A_209 = tpu.memref_slice %arg6[%dma_start3A_206, %dma_start3A_207, %dma_start3A_208] : memref<5x128x128xf32, #tpu.memory_space<vmem>> -> memref<1x128x128xf32, #tpu.memory_space<vmem>>
        %dma_start3A_210 = tpu.memref_squeeze %dma_start3A_209 : memref<1x128x128xf32, #tpu.memory_space<vmem>> -> memref<128x128xf32, #tpu.memory_space<vmem>>
        %dma_start3A_211 = tpu.memref_slice %arg5[%multiple_of3A_200] : memref<10240xi32, #tpu.memory_space<vmem>> -> memref<128xi32, #tpu.memory_space<vmem>>
        %dma_start3A_212 = arith.constant 0 : i32
        %dma_start3A_213 = arith.constant 0 : i32
        %dma_start3A_214 = tpu.memref_slice %arg2[%dma_start3A_212, %dma_start3A_213] : memref<10000x128xf32, #tpu.memory_space<hbm>> -> memref<10000x128xf32, #tpu.memory_space<hbm>>
        tpu.enqueue_indirect_dma source(%dma_start3A_214 : memref<10000x128xf32, #tpu.memory_space<hbm>>) target(%dma_start3A_210 : memref<128x128xf32, #tpu.memory_space<vmem>>) offsets(%dma_start3A_211 : memref<128xi32, #tpu.memory_space<vmem>>) semaphore(%arg11 : memref<!tpu.dma_semaphore, #tpu.memory_space<semaphore_mem>>)
        %add3A_215 = arith.constant 0 : i32
        %add3A_216 = arith.addi %mul3A_121, %add3A_215 : i32
        %mul3A_217 = arith.constant 128 : i32
        %mul3A_218 = arith.muli %add3A_216, %mul3A_217 : i32
        %multiple_of3A_219 = tpu.assume_multiple %mul3A_218, 128 : i32
        %dma_wait3A_220 = arith.constant 0 : i32
        %dma_wait3A_221 = arith.constant 0 : i32
        %dma_wait3A_222 = arith.constant 0 : i32
        %dma_wait3A_223 = tpu.memref_slice %arg6[%dma_wait3A_220, %dma_wait3A_221, %dma_wait3A_222] : memref<5x128x128xf32, #tpu.memory_space<vmem>> -> memref<1x128x128xf32, #tpu.memory_space<vmem>>
        %dma_wait3A_224 = tpu.memref_squeeze %dma_wait3A_223 : memref<1x128x128xf32, #tpu.memory_space<vmem>> -> memref<128x128xf32, #tpu.memory_space<vmem>>
        %dma_wait3A_225 = tpu.memref_slice %arg5[%multiple_of3A_219] : memref<10240xi32, #tpu.memory_space<vmem>> -> memref<128xi32, #tpu.memory_space<vmem>>
        %dma_wait3A_226 = arith.constant 0 : i32
        %dma_wait3A_227 = arith.constant 0 : i32
        %dma_wait3A_228 = tpu.memref_slice %arg2[%dma_wait3A_226, %dma_wait3A_227] : memref<10000x128xf32, #tpu.memory_space<hbm>> -> memref<10000x128xf32, #tpu.memory_space<hbm>>
        tpu.wait_indirect_dma semaphore(%arg7 : memref<!tpu.dma_semaphore, #tpu.memory_space<semaphore_mem>>) src(%dma_wait3A_228 : memref<10000x128xf32, #tpu.memory_space<hbm>>) dst(%dma_wait3A_224 : memref<128x128xf32, #tpu.memory_space<vmem>>)
        %add3A_229 = arith.addi %multiple_of3A, %multiple_of3A_219 : i32
        %dma_start3A_230 = arith.constant 0 : i32
        %dma_start3A_231 = arith.constant 0 : i32
        %dma_start3A_232 = arith.constant 0 : i32
        %dma_start3A_233 = tpu.memref_slice %arg6[%dma_start3A_230, %dma_start3A_231, %dma_start3A_232] : memref<5x128x128xf32, #tpu.memory_space<vmem>> -> memref<1x128x128xf32, #tpu.memory_space<vmem>>
        %dma_start3A_234 = tpu.memref_squeeze %dma_start3A_233 : memref<1x128x128xf32, #tpu.memory_space<vmem>> -> memref<128x128xf32, #tpu.memory_space<vmem>>
        %dma_start3A_235 = arith.constant 0 : i32
        %dma_start3A_236 = tpu.memref_slice %arg4[%add3A_229, %dma_start3A_235] : memref<327680x128xf32, #tpu.memory_space<hbm>> -> memref<128x128xf32, #tpu.memory_space<hbm>>
        %dma_start3A_237 = arith.constant 0 : i32
        %dma_start3A_238 = tpu.memref_slice %arg4[%add3A_229, %dma_start3A_237] : memref<327680x128xf32, #tpu.memory_space<hbm>> -> memref<128x128xf32, #tpu.memory_space<hbm>>
        %dma_start3A_239 = arith.constant 0 : i32
        %dma_start3A_240 = arith.constant 0 : i32
        %dma_start3A_241 = tpu.memref_slice %arg6[%dma_start3A_230, %dma_start3A_239, %dma_start3A_240] : memref<5x128x128xf32, #tpu.memory_space<vmem>> -> memref<1x128x128xf32, #tpu.memory_space<vmem>>
        %dma_start3A_242 = tpu.memref_squeeze %dma_start3A_241 : memref<1x128x128xf32, #tpu.memory_space<vmem>> -> memref<128x128xf32, #tpu.memory_space<vmem>>
        tpu.enqueue_dma source(%dma_start3A_242 : memref<128x128xf32, #tpu.memory_space<vmem>>) target(%dma_start3A_238 : memref<128x128xf32, #tpu.memory_space<hbm>>) target_semaphore(%arg12 : memref<!tpu.dma_semaphore, #tpu.memory_space<semaphore_mem>>)
        %add3A_243 = arith.constant 1 : i32
        %add3A_244 = arith.addi %mul3A_121, %add3A_243 : i32
        %mul3A_245 = arith.constant 128 : i32
        %mul3A_246 = arith.muli %add3A_244, %mul3A_245 : i32
        %multiple_of3A_247 = tpu.assume_multiple %mul3A_246, 128 : i32
        %dma_wait3A_248 = arith.constant 1 : i32
        %dma_wait3A_249 = arith.constant 0 : i32
        %dma_wait3A_250 = arith.constant 0 : i32
        %dma_wait3A_251 = tpu.memref_slice %arg6[%dma_wait3A_248, %dma_wait3A_249, %dma_wait3A_250] : memref<5x128x128xf32, #tpu.memory_space<vmem>> -> memref<1x128x128xf32, #tpu.memory_space<vmem>>
        %dma_wait3A_252 = tpu.memref_squeeze %dma_wait3A_251 : memref<1x128x128xf32, #tpu.memory_space<vmem>> -> memref<128x128xf32, #tpu.memory_space<vmem>>
        %dma_wait3A_253 = tpu.memref_slice %arg5[%multiple_of3A_247] : memref<10240xi32, #tpu.memory_space<vmem>> -> memref<128xi32, #tpu.memory_space<vmem>>
        %dma_wait3A_254 = arith.constant 0 : i32
        %dma_wait3A_255 = arith.constant 0 : i32
        %dma_wait3A_256 = tpu.memref_slice %arg2[%dma_wait3A_254, %dma_wait3A_255] : memref<10000x128xf32, #tpu.memory_space<hbm>> -> memref<10000x128xf32, #tpu.memory_space<hbm>>
        tpu.wait_indirect_dma semaphore(%arg8 : memref<!tpu.dma_semaphore, #tpu.memory_space<semaphore_mem>>) src(%dma_wait3A_256 : memref<10000x128xf32, #tpu.memory_space<hbm>>) dst(%dma_wait3A_252 : memref<128x128xf32, #tpu.memory_space<vmem>>)
        %add3A_257 = arith.addi %multiple_of3A, %multiple_of3A_247 : i32
        %dma_start3A_258 = arith.constant 1 : i32
        %dma_start3A_259 = arith.constant 0 : i32
        %dma_start3A_260 = arith.constant 0 : i32
        %dma_start3A_261 = tpu.memref_slice %arg6[%dma_start3A_258, %dma_start3A_259, %dma_start3A_260] : memref<5x128x128xf32, #tpu.memory_space<vmem>> -> memref<1x128x128xf32, #tpu.memory_space<vmem>>
        %dma_start3A_262 = tpu.memref_squeeze %dma_start3A_261 : memref<1x128x128xf32, #tpu.memory_space<vmem>> -> memref<128x128xf32, #tpu.memory_space<vmem>>
        %dma_start3A_263 = arith.constant 0 : i32
        %dma_start3A_264 = tpu.memref_slice %arg4[%add3A_257, %dma_start3A_263] : memref<327680x128xf32, #tpu.memory_space<hbm>> -> memref<128x128xf32, #tpu.memory_space<hbm>>
        %dma_start3A_265 = arith.constant 0 : i32
        %dma_start3A_266 = tpu.memref_slice %arg4[%add3A_257, %dma_start3A_265] : memref<327680x128xf32, #tpu.memory_space<hbm>> -> memref<128x128xf32, #tpu.memory_space<hbm>>
        %dma_start3A_267 = arith.constant 0 : i32
        %dma_start3A_268 = arith.constant 0 : i32
        %dma_start3A_269 = tpu.memref_slice %arg6[%dma_start3A_258, %dma_start3A_267, %dma_start3A_268] : memref<5x128x128xf32, #tpu.memory_space<vmem>> -> memref<1x128x128xf32, #tpu.memory_space<vmem>>
        %dma_start3A_270 = tpu.memref_squeeze %dma_start3A_269 : memref<1x128x128xf32, #tpu.memory_space<vmem>> -> memref<128x128xf32, #tpu.memory_space<vmem>>
        tpu.enqueue_dma source(%dma_start3A_270 : memref<128x128xf32, #tpu.memory_space<vmem>>) target(%dma_start3A_266 : memref<128x128xf32, #tpu.memory_space<hbm>>) target_semaphore(%arg13 : memref<!tpu.dma_semaphore, #tpu.memory_space<semaphore_mem>>)
        %add3A_271 = arith.constant 2 : i32
        %add3A_272 = arith.addi %mul3A_121, %add3A_271 : i32
        %mul3A_273 = arith.constant 128 : i32
        %mul3A_274 = arith.muli %add3A_272, %mul3A_273 : i32
        %multiple_of3A_275 = tpu.assume_multiple %mul3A_274, 128 : i32
        %dma_wait3A_276 = arith.constant 2 : i32
        %dma_wait3A_277 = arith.constant 0 : i32
        %dma_wait3A_278 = arith.constant 0 : i32
        %dma_wait3A_279 = tpu.memref_slice %arg6[%dma_wait3A_276, %dma_wait3A_277, %dma_wait3A_278] : memref<5x128x128xf32, #tpu.memory_space<vmem>> -> memref<1x128x128xf32, #tpu.memory_space<vmem>>
        %dma_wait3A_280 = tpu.memref_squeeze %dma_wait3A_279 : memref<1x128x128xf32, #tpu.memory_space<vmem>> -> memref<128x128xf32, #tpu.memory_space<vmem>>
        %dma_wait3A_281 = tpu.memref_slice %arg5[%multiple_of3A_275] : memref<10240xi32, #tpu.memory_space<vmem>> -> memref<128xi32, #tpu.memory_space<vmem>>
        %dma_wait3A_282 = arith.constant 0 : i32
        %dma_wait3A_283 = arith.constant 0 : i32
        %dma_wait3A_284 = tpu.memref_slice %arg2[%dma_wait3A_282, %dma_wait3A_283] : memref<10000x128xf32, #tpu.memory_space<hbm>> -> memref<10000x128xf32, #tpu.memory_space<hbm>>
        tpu.wait_indirect_dma semaphore(%arg9 : memref<!tpu.dma_semaphore, #tpu.memory_space<semaphore_mem>>) src(%dma_wait3A_284 : memref<10000x128xf32, #tpu.memory_space<hbm>>) dst(%dma_wait3A_280 : memref<128x128xf32, #tpu.memory_space<vmem>>)
        %add3A_285 = arith.addi %multiple_of3A, %multiple_of3A_275 : i32
        %dma_start3A_286 = arith.constant 2 : i32
        %dma_start3A_287 = arith.constant 0 : i32
        %dma_start3A_288 = arith.constant 0 : i32
        %dma_start3A_289 = tpu.memref_slice %arg6[%dma_start3A_286, %dma_start3A_287, %dma_start3A_288] : memref<5x128x128xf32, #tpu.memory_space<vmem>> -> memref<1x128x128xf32, #tpu.memory_space<vmem>>
        %dma_start3A_290 = tpu.memref_squeeze %dma_start3A_289 : memref<1x128x128xf32, #tpu.memory_space<vmem>> -> memref<128x128xf32, #tpu.memory_space<vmem>>
        %dma_start3A_291 = arith.constant 0 : i32
        %dma_start3A_292 = tpu.memref_slice %arg4[%add3A_285, %dma_start3A_291] : memref<327680x128xf32, #tpu.memory_space<hbm>> -> memref<128x128xf32, #tpu.memory_space<hbm>>
        %dma_start3A_293 = arith.constant 0 : i32
        %dma_start3A_294 = tpu.memref_slice %arg4[%add3A_285, %dma_start3A_293] : memref<327680x128xf32, #tpu.memory_space<hbm>> -> memref<128x128xf32, #tpu.memory_space<hbm>>
        %dma_start3A_295 = arith.constant 0 : i32
        %dma_start3A_296 = arith.constant 0 : i32
        %dma_start3A_297 = tpu.memref_slice %arg6[%dma_start3A_286, %dma_start3A_295, %dma_start3A_296] : memref<5x128x128xf32, #tpu.memory_space<vmem>> -> memref<1x128x128xf32, #tpu.memory_space<vmem>>
        %dma_start3A_298 = tpu.memref_squeeze %dma_start3A_297 : memref<1x128x128xf32, #tpu.memory_space<vmem>> -> memref<128x128xf32, #tpu.memory_space<vmem>>
        tpu.enqueue_dma source(%dma_start3A_298 : memref<128x128xf32, #tpu.memory_space<vmem>>) target(%dma_start3A_294 : memref<128x128xf32, #tpu.memory_space<hbm>>) target_semaphore(%arg14 : memref<!tpu.dma_semaphore, #tpu.memory_space<semaphore_mem>>)
        %add3A_299 = arith.constant 3 : i32
        %add3A_300 = arith.addi %mul3A_121, %add3A_299 : i32
        %mul3A_301 = arith.constant 128 : i32
        %mul3A_302 = arith.muli %add3A_300, %mul3A_301 : i32
        %multiple_of3A_303 = tpu.assume_multiple %mul3A_302, 128 : i32
        %dma_wait3A_304 = arith.constant 3 : i32
        %dma_wait3A_305 = arith.constant 0 : i32
        %dma_wait3A_306 = arith.constant 0 : i32
        %dma_wait3A_307 = tpu.memref_slice %arg6[%dma_wait3A_304, %dma_wait3A_305, %dma_wait3A_306] : memref<5x128x128xf32, #tpu.memory_space<vmem>> -> memref<1x128x128xf32, #tpu.memory_space<vmem>>
        %dma_wait3A_308 = tpu.memref_squeeze %dma_wait3A_307 : memref<1x128x128xf32, #tpu.memory_space<vmem>> -> memref<128x128xf32, #tpu.memory_space<vmem>>
        %dma_wait3A_309 = tpu.memref_slice %arg5[%multiple_of3A_303] : memref<10240xi32, #tpu.memory_space<vmem>> -> memref<128xi32, #tpu.memory_space<vmem>>
        %dma_wait3A_310 = arith.constant 0 : i32
        %dma_wait3A_311 = arith.constant 0 : i32
        %dma_wait3A_312 = tpu.memref_slice %arg2[%dma_wait3A_310, %dma_wait3A_311] : memref<10000x128xf32, #tpu.memory_space<hbm>> -> memref<10000x128xf32, #tpu.memory_space<hbm>>
        tpu.wait_indirect_dma semaphore(%arg10 : memref<!tpu.dma_semaphore, #tpu.memory_space<semaphore_mem>>) src(%dma_wait3A_312 : memref<10000x128xf32, #tpu.memory_space<hbm>>) dst(%dma_wait3A_308 : memref<128x128xf32, #tpu.memory_space<vmem>>)
        %add3A_313 = arith.addi %multiple_of3A, %multiple_of3A_303 : i32
        %dma_start3A_314 = arith.constant 3 : i32
        %dma_start3A_315 = arith.constant 0 : i32
        %dma_start3A_316 = arith.constant 0 : i32
        %dma_start3A_317 = tpu.memref_slice %arg6[%dma_start3A_314, %dma_start3A_315, %dma_start3A_316] : memref<5x128x128xf32, #tpu.memory_space<vmem>> -> memref<1x128x128xf32, #tpu.memory_space<vmem>>
        %dma_start3A_318 = tpu.memref_squeeze %dma_start3A_317 : memref<1x128x128xf32, #tpu.memory_space<vmem>> -> memref<128x128xf32, #tpu.memory_space<vmem>>
        %dma_start3A_319 = arith.constant 0 : i32
        %dma_start3A_320 = tpu.memref_slice %arg4[%add3A_313, %dma_start3A_319] : memref<327680x128xf32, #tpu.memory_space<hbm>> -> memref<128x128xf32, #tpu.memory_space<hbm>>
        %dma_start3A_321 = arith.constant 0 : i32
        %dma_start3A_322 = tpu.memref_slice %arg4[%add3A_313, %dma_start3A_321] : memref<327680x128xf32, #tpu.memory_space<hbm>> -> memref<128x128xf32, #tpu.memory_space<hbm>>
        %dma_start3A_323 = arith.constant 0 : i32
        %dma_start3A_324 = arith.constant 0 : i32
        %dma_start3A_325 = tpu.memref_slice %arg6[%dma_start3A_314, %dma_start3A_323, %dma_start3A_324] : memref<5x128x128xf32, #tpu.memory_space<vmem>> -> memref<1x128x128xf32, #tpu.memory_space<vmem>>
        %dma_start3A_326 = tpu.memref_squeeze %dma_start3A_325 : memref<1x128x128xf32, #tpu.memory_space<vmem>> -> memref<128x128xf32, #tpu.memory_space<vmem>>
        tpu.enqueue_dma source(%dma_start3A_326 : memref<128x128xf32, #tpu.memory_space<vmem>>) target(%dma_start3A_322 : memref<128x128xf32, #tpu.memory_space<hbm>>) target_semaphore(%arg15 : memref<!tpu.dma_semaphore, #tpu.memory_space<semaphore_mem>>)
        %add3A_327 = arith.constant 4 : i32
        %add3A_328 = arith.addi %mul3A_121, %add3A_327 : i32
        %mul3A_329 = arith.constant 128 : i32
        %mul3A_330 = arith.muli %add3A_328, %mul3A_329 : i32
        %multiple_of3A_331 = tpu.assume_multiple %mul3A_330, 128 : i32
        %dma_wait3A_332 = arith.constant 4 : i32
        %dma_wait3A_333 = arith.constant 0 : i32
        %dma_wait3A_334 = arith.constant 0 : i32
        %dma_wait3A_335 = tpu.memref_slice %arg6[%dma_wait3A_332, %dma_wait3A_333, %dma_wait3A_334] : memref<5x128x128xf32, #tpu.memory_space<vmem>> -> memref<1x128x128xf32, #tpu.memory_space<vmem>>
        %dma_wait3A_336 = tpu.memref_squeeze %dma_wait3A_335 : memref<1x128x128xf32, #tpu.memory_space<vmem>> -> memref<128x128xf32, #tpu.memory_space<vmem>>
        %dma_wait3A_337 = tpu.memref_slice %arg5[%multiple_of3A_331] : memref<10240xi32, #tpu.memory_space<vmem>> -> memref<128xi32, #tpu.memory_space<vmem>>
        %dma_wait3A_338 = arith.constant 0 : i32
        %dma_wait3A_339 = arith.constant 0 : i32
        %dma_wait3A_340 = tpu.memref_slice %arg2[%dma_wait3A_338, %dma_wait3A_339] : memref<10000x128xf32, #tpu.memory_space<hbm>> -> memref<10000x128xf32, #tpu.memory_space<hbm>>
        tpu.wait_indirect_dma semaphore(%arg11 : memref<!tpu.dma_semaphore, #tpu.memory_space<semaphore_mem>>) src(%dma_wait3A_340 : memref<10000x128xf32, #tpu.memory_space<hbm>>) dst(%dma_wait3A_336 : memref<128x128xf32, #tpu.memory_space<vmem>>)
        %add3A_341 = arith.addi %multiple_of3A, %multiple_of3A_331 : i32
        %dma_start3A_342 = arith.constant 4 : i32
        %dma_start3A_343 = arith.constant 0 : i32
        %dma_start3A_344 = arith.constant 0 : i32
        %dma_start3A_345 = tpu.memref_slice %arg6[%dma_start3A_342, %dma_start3A_343, %dma_start3A_344] : memref<5x128x128xf32, #tpu.memory_space<vmem>> -> memref<1x128x128xf32, #tpu.memory_space<vmem>>
        %dma_start3A_346 = tpu.memref_squeeze %dma_start3A_345 : memref<1x128x128xf32, #tpu.memory_space<vmem>> -> memref<128x128xf32, #tpu.memory_space<vmem>>
        %dma_start3A_347 = arith.constant 0 : i32
        %dma_start3A_348 = tpu.memref_slice %arg4[%add3A_341, %dma_start3A_347] : memref<327680x128xf32, #tpu.memory_space<hbm>> -> memref<128x128xf32, #tpu.memory_space<hbm>>
        %dma_start3A_349 = arith.constant 0 : i32
        %dma_start3A_350 = tpu.memref_slice %arg4[%add3A_341, %dma_start3A_349] : memref<327680x128xf32, #tpu.memory_space<hbm>> -> memref<128x128xf32, #tpu.memory_space<hbm>>
        %dma_start3A_351 = arith.constant 0 : i32
        %dma_start3A_352 = arith.constant 0 : i32
        %dma_start3A_353 = tpu.memref_slice %arg6[%dma_start3A_342, %dma_start3A_351, %dma_start3A_352] : memref<5x128x128xf32, #tpu.memory_space<vmem>> -> memref<1x128x128xf32, #tpu.memory_space<vmem>>
        %dma_start3A_354 = tpu.memref_squeeze %dma_start3A_353 : memref<1x128x128xf32, #tpu.memory_space<vmem>> -> memref<128x128xf32, #tpu.memory_space<vmem>>
        tpu.enqueue_dma source(%dma_start3A_354 : memref<128x128xf32, #tpu.memory_space<vmem>>) target(%dma_start3A_350 : memref<128x128xf32, #tpu.memory_space<hbm>>) target_semaphore(%arg16 : memref<!tpu.dma_semaphore, #tpu.memory_space<semaphore_mem>>)
      } else {
      }
    }
    %scan3A_14 = arith.constant 16 : i32
    %sub3A = arith.constant 5 : i32
    %sub3A_15 = arith.subi %select_n3A_9, %sub3A : i32
    %add3A_16 = arith.constant 0 : i32
    %add3A_17 = arith.addi %sub3A_15, %add3A_16 : i32
    %mul3A_18 = arith.constant 128 : i32
    %mul3A_19 = arith.muli %add3A_17, %mul3A_18 : i32
    %multiple_of3A_20 = tpu.assume_multiple %mul3A_19, 128 : i32
    %add3A_21 = arith.addi %multiple_of3A, %multiple_of3A_20 : i32
    %dma_wait3A = arith.constant 0 : i32
    %dma_wait3A_22 = arith.constant 0 : i32
    %dma_wait3A_23 = arith.constant 0 : i32
    %dma_wait3A_24 = tpu.memref_slice %arg6[%dma_wait3A, %dma_wait3A_22, %dma_wait3A_23] : memref<5x128x128xf32, #tpu.memory_space<vmem>> -> memref<1x128x128xf32, #tpu.memory_space<vmem>>
    %dma_wait3A_25 = tpu.memref_squeeze %dma_wait3A_24 : memref<1x128x128xf32, #tpu.memory_space<vmem>> -> memref<128x128xf32, #tpu.memory_space<vmem>>
    %dma_wait3A_26 = arith.constant 0 : i32
    %dma_wait3A_27 = tpu.memref_slice %arg4[%add3A_21, %dma_wait3A_26] : memref<327680x128xf32, #tpu.memory_space<hbm>> -> memref<128x128xf32, #tpu.memory_space<hbm>>
    %dma_wait3A_28 = arith.constant 0 : i32
    %dma_wait3A_29 = tpu.memref_slice %arg4[%add3A_21, %dma_wait3A_28] : memref<327680x128xf32, #tpu.memory_space<hbm>> -> memref<128x128xf32, #tpu.memory_space<hbm>>
    %dma_wait3A_30 = arith.constant 0 : i32
    %dma_wait3A_31 = arith.constant 0 : i32
    %dma_wait3A_32 = tpu.memref_slice %arg6[%dma_wait3A, %dma_wait3A_30, %dma_wait3A_31] : memref<5x128x128xf32, #tpu.memory_space<vmem>> -> memref<1x128x128xf32, #tpu.memory_space<vmem>>
    %dma_wait3A_33 = tpu.memref_squeeze %dma_wait3A_32 : memref<1x128x128xf32, #tpu.memory_space<vmem>> -> memref<128x128xf32, #tpu.memory_space<vmem>>
    tpu.wait_dma2 semaphore(%arg12 : memref<!tpu.dma_semaphore, #tpu.memory_space<semaphore_mem>>) src(%dma_wait3A_33 : memref<128x128xf32, #tpu.memory_space<vmem>>) dst(%dma_wait3A_29 : memref<128x128xf32, #tpu.memory_space<hbm>>)
    %sub3A_34 = arith.constant 5 : i32
    %sub3A_35 = arith.subi %select_n3A_9, %sub3A_34 : i32
    %add3A_36 = arith.constant 1 : i32
    %add3A_37 = arith.addi %sub3A_35, %add3A_36 : i32
    %mul3A_38 = arith.constant 128 : i32
    %mul3A_39 = arith.muli %add3A_37, %mul3A_38 : i32
    %multiple_of3A_40 = tpu.assume_multiple %mul3A_39, 128 : i32
    %add3A_41 = arith.addi %multiple_of3A, %multiple_of3A_40 : i32
    %dma_wait3A_42 = arith.constant 1 : i32
    %dma_wait3A_43 = arith.constant 0 : i32
    %dma_wait3A_44 = arith.constant 0 : i32
    %dma_wait3A_45 = tpu.memref_slice %arg6[%dma_wait3A_42, %dma_wait3A_43, %dma_wait3A_44] : memref<5x128x128xf32, #tpu.memory_space<vmem>> -> memref<1x128x128xf32, #tpu.memory_space<vmem>>
    %dma_wait3A_46 = tpu.memref_squeeze %dma_wait3A_45 : memref<1x128x128xf32, #tpu.memory_space<vmem>> -> memref<128x128xf32, #tpu.memory_space<vmem>>
    %dma_wait3A_47 = arith.constant 0 : i32
    %dma_wait3A_48 = tpu.memref_slice %arg4[%add3A_41, %dma_wait3A_47] : memref<327680x128xf32, #tpu.memory_space<hbm>> -> memref<128x128xf32, #tpu.memory_space<hbm>>
    %dma_wait3A_49 = arith.constant 0 : i32
    %dma_wait3A_50 = tpu.memref_slice %arg4[%add3A_41, %dma_wait3A_49] : memref<327680x128xf32, #tpu.memory_space<hbm>> -> memref<128x128xf32, #tpu.memory_space<hbm>>
    %dma_wait3A_51 = arith.constant 0 : i32
    %dma_wait3A_52 = arith.constant 0 : i32
    %dma_wait3A_53 = tpu.memref_slice %arg6[%dma_wait3A_42, %dma_wait3A_51, %dma_wait3A_52] : memref<5x128x128xf32, #tpu.memory_space<vmem>> -> memref<1x128x128xf32, #tpu.memory_space<vmem>>
    %dma_wait3A_54 = tpu.memref_squeeze %dma_wait3A_53 : memref<1x128x128xf32, #tpu.memory_space<vmem>> -> memref<128x128xf32, #tpu.memory_space<vmem>>
    tpu.wait_dma2 semaphore(%arg13 : memref<!tpu.dma_semaphore, #tpu.memory_space<semaphore_mem>>) src(%dma_wait3A_54 : memref<128x128xf32, #tpu.memory_space<vmem>>) dst(%dma_wait3A_50 : memref<128x128xf32, #tpu.memory_space<hbm>>)
    %sub3A_55 = arith.constant 5 : i32
    %sub3A_56 = arith.subi %select_n3A_9, %sub3A_55 : i32
    %add3A_57 = arith.constant 2 : i32
    %add3A_58 = arith.addi %sub3A_56, %add3A_57 : i32
    %mul3A_59 = arith.constant 128 : i32
    %mul3A_60 = arith.muli %add3A_58, %mul3A_59 : i32
    %multiple_of3A_61 = tpu.assume_multiple %mul3A_60, 128 : i32
    %add3A_62 = arith.addi %multiple_of3A, %multiple_of3A_61 : i32
    %dma_wait3A_63 = arith.constant 2 : i32
    %dma_wait3A_64 = arith.constant 0 : i32
    %dma_wait3A_65 = arith.constant 0 : i32
    %dma_wait3A_66 = tpu.memref_slice %arg6[%dma_wait3A_63, %dma_wait3A_64, %dma_wait3A_65] : memref<5x128x128xf32, #tpu.memory_space<vmem>> -> memref<1x128x128xf32, #tpu.memory_space<vmem>>
    %dma_wait3A_67 = tpu.memref_squeeze %dma_wait3A_66 : memref<1x128x128xf32, #tpu.memory_space<vmem>> -> memref<128x128xf32, #tpu.memory_space<vmem>>
    %dma_wait3A_68 = arith.constant 0 : i32
    %dma_wait3A_69 = tpu.memref_slice %arg4[%add3A_62, %dma_wait3A_68] : memref<327680x128xf32, #tpu.memory_space<hbm>> -> memref<128x128xf32, #tpu.memory_space<hbm>>
    %dma_wait3A_70 = arith.constant 0 : i32
    %dma_wait3A_71 = tpu.memref_slice %arg4[%add3A_62, %dma_wait3A_70] : memref<327680x128xf32, #tpu.memory_space<hbm>> -> memref<128x128xf32, #tpu.memory_space<hbm>>
    %dma_wait3A_72 = arith.constant 0 : i32
    %dma_wait3A_73 = arith.constant 0 : i32
    %dma_wait3A_74 = tpu.memref_slice %arg6[%dma_wait3A_63, %dma_wait3A_72, %dma_wait3A_73] : memref<5x128x128xf32, #tpu.memory_space<vmem>> -> memref<1x128x128xf32, #tpu.memory_space<vmem>>
    %dma_wait3A_75 = tpu.memref_squeeze %dma_wait3A_74 : memref<1x128x128xf32, #tpu.memory_space<vmem>> -> memref<128x128xf32, #tpu.memory_space<vmem>>
    tpu.wait_dma2 semaphore(%arg14 : memref<!tpu.dma_semaphore, #tpu.memory_space<semaphore_mem>>) src(%dma_wait3A_75 : memref<128x128xf32, #tpu.memory_space<vmem>>) dst(%dma_wait3A_71 : memref<128x128xf32, #tpu.memory_space<hbm>>)
    %sub3A_76 = arith.constant 5 : i32
    %sub3A_77 = arith.subi %select_n3A_9, %sub3A_76 : i32
    %add3A_78 = arith.constant 3 : i32
    %add3A_79 = arith.addi %sub3A_77, %add3A_78 : i32
    %mul3A_80 = arith.constant 128 : i32
    %mul3A_81 = arith.muli %add3A_79, %mul3A_80 : i32
    %multiple_of3A_82 = tpu.assume_multiple %mul3A_81, 128 : i32
    %add3A_83 = arith.addi %multiple_of3A, %multiple_of3A_82 : i32
    %dma_wait3A_84 = arith.constant 3 : i32
    %dma_wait3A_85 = arith.constant 0 : i32
    %dma_wait3A_86 = arith.constant 0 : i32
    %dma_wait3A_87 = tpu.memref_slice %arg6[%dma_wait3A_84, %dma_wait3A_85, %dma_wait3A_86] : memref<5x128x128xf32, #tpu.memory_space<vmem>> -> memref<1x128x128xf32, #tpu.memory_space<vmem>>
    %dma_wait3A_88 = tpu.memref_squeeze %dma_wait3A_87 : memref<1x128x128xf32, #tpu.memory_space<vmem>> -> memref<128x128xf32, #tpu.memory_space<vmem>>
    %dma_wait3A_89 = arith.constant 0 : i32
    %dma_wait3A_90 = tpu.memref_slice %arg4[%add3A_83, %dma_wait3A_89] : memref<327680x128xf32, #tpu.memory_space<hbm>> -> memref<128x128xf32, #tpu.memory_space<hbm>>
    %dma_wait3A_91 = arith.constant 0 : i32
    %dma_wait3A_92 = tpu.memref_slice %arg4[%add3A_83, %dma_wait3A_91] : memref<327680x128xf32, #tpu.memory_space<hbm>> -> memref<128x128xf32, #tpu.memory_space<hbm>>
    %dma_wait3A_93 = arith.constant 0 : i32
    %dma_wait3A_94 = arith.constant 0 : i32
    %dma_wait3A_95 = tpu.memref_slice %arg6[%dma_wait3A_84, %dma_wait3A_93, %dma_wait3A_94] : memref<5x128x128xf32, #tpu.memory_space<vmem>> -> memref<1x128x128xf32, #tpu.memory_space<vmem>>
    %dma_wait3A_96 = tpu.memref_squeeze %dma_wait3A_95 : memref<1x128x128xf32, #tpu.memory_space<vmem>> -> memref<128x128xf32, #tpu.memory_space<vmem>>
    tpu.wait_dma2 semaphore(%arg15 : memref<!tpu.dma_semaphore, #tpu.memory_space<semaphore_mem>>) src(%dma_wait3A_96 : memref<128x128xf32, #tpu.memory_space<vmem>>) dst(%dma_wait3A_92 : memref<128x128xf32, #tpu.memory_space<hbm>>)
    %sub3A_97 = arith.constant 5 : i32
    %sub3A_98 = arith.subi %select_n3A_9, %sub3A_97 : i32
    %add3A_99 = arith.constant 4 : i32
    %add3A_100 = arith.addi %sub3A_98, %add3A_99 : i32
    %mul3A_101 = arith.constant 128 : i32
    %mul3A_102 = arith.muli %add3A_100, %mul3A_101 : i32
    %multiple_of3A_103 = tpu.assume_multiple %mul3A_102, 128 : i32
    %add3A_104 = arith.addi %multiple_of3A, %multiple_of3A_103 : i32
    %dma_wait3A_105 = arith.constant 4 : i32
    %dma_wait3A_106 = arith.constant 0 : i32
    %dma_wait3A_107 = arith.constant 0 : i32
    %dma_wait3A_108 = tpu.memref_slice %arg6[%dma_wait3A_105, %dma_wait3A_106, %dma_wait3A_107] : memref<5x128x128xf32, #tpu.memory_space<vmem>> -> memref<1x128x128xf32, #tpu.memory_space<vmem>>
    %dma_wait3A_109 = tpu.memref_squeeze %dma_wait3A_108 : memref<1x128x128xf32, #tpu.memory_space<vmem>> -> memref<128x128xf32, #tpu.memory_space<vmem>>
    %dma_wait3A_110 = arith.constant 0 : i32
    %dma_wait3A_111 = tpu.memref_slice %arg4[%add3A_104, %dma_wait3A_110] : memref<327680x128xf32, #tpu.memory_space<hbm>> -> memref<128x128xf32, #tpu.memory_space<hbm>>
    %dma_wait3A_112 = arith.constant 0 : i32
    %dma_wait3A_113 = tpu.memref_slice %arg4[%add3A_104, %dma_wait3A_112] : memref<327680x128xf32, #tpu.memory_space<hbm>> -> memref<128x128xf32, #tpu.memory_space<hbm>>
    %dma_wait3A_114 = arith.constant 0 : i32
    %dma_wait3A_115 = arith.constant 0 : i32
    %dma_wait3A_116 = tpu.memref_slice %arg6[%dma_wait3A_105, %dma_wait3A_114, %dma_wait3A_115] : memref<5x128x128xf32, #tpu.memory_space<vmem>> -> memref<1x128x128xf32, #tpu.memory_space<vmem>>
    %dma_wait3A_117 = tpu.memref_squeeze %dma_wait3A_116 : memref<1x128x128xf32, #tpu.memory_space<vmem>> -> memref<128x128xf32, #tpu.memory_space<vmem>>
    tpu.wait_dma2 semaphore(%arg16 : memref<!tpu.dma_semaphore, #tpu.memory_space<semaphore_mem>>) src(%dma_wait3A_117 : memref<128x128xf32, #tpu.memory_space<vmem>>) dst(%dma_wait3A_113 : memref<128x128xf32, #tpu.memory_space<hbm>>)
    return
  }
}

module attributes {stable_mosaic.version = 14 : i64} {
  func.func @body(%arg0: memref<10000x128xf32, #tpu.memory_space<vmem>>, %arg1: memref<128x128xf32, #tpu.memory_space<vmem>>, %arg2: memref<10000x128xf32, #tpu.memory_space<vmem>>) attributes {dimension_semantics = [], scalar_prefetch = 0 : i64, scratch_operands = 0 : i64, tpu.core_type = #tpu.core_type<tc>} {
    %get3A = arith.constant 0 : index
    %get3A_0 = arith.constant 0 : index
    %get3A_1 = vector.load %arg0[%get3A, %get3A_0] : memref<10000x128xf32, #tpu.memory_space<vmem>>, vector<10000x128xf32>
    %get3A_2 = arith.constant 0 : index
    %get3A_3 = arith.constant 0 : index
    %get3A_4 = vector.load %arg1[%get3A_2, %get3A_3] : memref<128x128xf32, #tpu.memory_space<vmem>>, vector<128x128xf32>
    %dot_general3A = arith.constant dense<0.000000e+00> : vector<10000x128xf32>
    %dot_general3A_5 = tpu.matmul %get3A_1, %get3A_4, %dot_general3A {dimension_numbers = #tpu.dot_dimension_numbers<[1], [0], [0], [1], [0, 0, 1, 1], [], []>, transpose_lhs_hint = false} : vector<10000x128xf32>, vector<128x128xf32>, vector<10000x128xf32> -> vector<10000x128xf32>
    %swap3A = arith.constant 0 : index
    %swap3A_6 = arith.constant 0 : index
    %swap3A_7 = vector.load %arg2[%swap3A, %swap3A_6] : memref<10000x128xf32, #tpu.memory_space<vmem>>, vector<10000x128xf32>
    tpu.vector_store %arg2[%swap3A, %swap3A_6], %dot_general3A_5 {strides = array<i32>} : memref<10000x128xf32, #tpu.memory_space<vmem>>, vector<10000x128xf32>,
    return
  }
}

module attributes {stable_mosaic.version = 14 : i64} {
  func.func @body(%arg0: i32, %arg1: memref<80x128xf32, #tpu.memory_space<vmem>>, %arg2: memref<2560x128xf32, #tpu.memory_space<vmem>>, %arg3: memref<2560x128xf32, #tpu.memory_space<vmem>>, %arg4: memref<2560x1xf32, #tpu.memory_space<vmem>>, %arg5: memref<128x128xf32, #tpu.memory_space<vmem>>, %arg6: memref<1x128xf32, #tpu.memory_space<vmem>>, %arg7: memref<128x128xf32, #tpu.memory_space<vmem>>, %arg8: memref<128x128xf32, #tpu.memory_space<vmem>>, %arg9: memref<1x128xf32, #tpu.memory_space<vmem>>, %arg10: memref<128x128xf32, #tpu.memory_space<vmem>>, %arg11: memref<1x128xf32, #tpu.memory_space<vmem>>, %arg12: memref<128x128xf32, #tpu.memory_space<vmem>>, %arg13: memref<1x128xf32, #tpu.memory_space<vmem>>, %arg14: memref<128x512xf32, #tpu.memory_space<vmem>>, %arg15: memref<1x512xf32, #tpu.memory_space<vmem>>, %arg16: memref<512x128xf32, #tpu.memory_space<vmem>>, %arg17: memref<1x128xf32, #tpu.memory_space<vmem>>, %arg18: memref<1x128xf32, #tpu.memory_space<vmem>>, %arg19: memref<1x128xf32, #tpu.memory_space<vmem>>, %arg20: memref<1x128xf32, #tpu.memory_space<vmem>>, %arg21: memref<1x128xf32, #tpu.memory_space<vmem>>, %arg22: memref<128x128xf32, #tpu.memory_space<vmem>>, %arg23: memref<80x128xf32, #tpu.memory_space<vmem>>, %arg24: memref<80x128xf32, #tpu.memory_space<vmem>>) attributes {dimension_semantics = [#tpu.dimension_semantics<arbitrary>], iteration_bounds = array<i64: 125>, scalar_prefetch = 0 : i64, scratch_operands = 0 : i64, tpu.core_type = #tpu.core_type<tc>, window_params = [{transform_indices = @transform_0, window_bounds = array<i64: 80, 128>}, {transform_indices = @transform_1, window_bounds = array<i64: 2560, 128>}, {transform_indices = @transform_2, window_bounds = array<i64: 2560, 128>}, {transform_indices = @transform_3, window_bounds = array<i64: 2560, 1>}, {pipeline_mode = #tpu.pipeline_mode<synchronous>, transform_indices = @transform_4, window_bounds = array<i64: 128, 128>}, {pipeline_mode = #tpu.pipeline_mode<synchronous>, transform_indices = @transform_5, window_bounds = array<i64: 1, 128>}, {pipeline_mode = #tpu.pipeline_mode<synchronous>, transform_indices = @transform_6, window_bounds = array<i64: 128, 128>}, {pipeline_mode = #tpu.pipeline_mode<synchronous>, transform_indices = @transform_7, window_bounds = array<i64: 128, 128>}, {pipeline_mode = #tpu.pipeline_mode<synchronous>, transform_indices = @transform_8, window_bounds = array<i64: 1, 128>}, {pipeline_mode = #tpu.pipeline_mode<synchronous>, transform_indices = @transform_9, window_bounds = array<i64: 128, 128>}, {pipeline_mode = #tpu.pipeline_mode<synchronous>, transform_indices = @transform_10, window_bounds = array<i64: 1, 128>}, {pipeline_mode = #tpu.pipeline_mode<synchronous>, transform_indices = @transform_11, window_bounds = array<i64: 128, 128>}, {pipeline_mode = #tpu.pipeline_mode<synchronous>, transform_indices = @transform_12, window_bounds = array<i64: 1, 128>}, {pipeline_mode = #tpu.pipeline_mode<synchronous>, transform_indices = @transform_13, window_bounds = array<i64: 128, 512>}, {pipeline_mode = #tpu.pipeline_mode<synchronous>, transform_indices = @transform_14, window_bounds = array<i64: 1, 512>}, {pipeline_mode = #tpu.pipeline_mode<synchronous>, transform_indices = @transform_15, window_bounds = array<i64: 512, 128>}, {pipeline_mode = #tpu.pipeline_mode<synchronous>, transform_indices = @transform_16, window_bounds = array<i64: 1, 128>}, {pipeline_mode = #tpu.pipeline_mode<synchronous>, transform_indices = @transform_17, window_bounds = array<i64: 1, 128>}, {pipeline_mode = #tpu.pipeline_mode<synchronous>, transform_indices = @transform_18, window_bounds = array<i64: 1, 128>}, {pipeline_mode = #tpu.pipeline_mode<synchronous>, transform_indices = @transform_19, window_bounds = array<i64: 1, 128>}, {pipeline_mode = #tpu.pipeline_mode<synchronous>, transform_indices = @transform_20, window_bounds = array<i64: 1, 128>}, {pipeline_mode = #tpu.pipeline_mode<synchronous>, transform_indices = @transform_21, window_bounds = array<i64: 128, 128>}, {transform_indices = @transform_22, window_bounds = array<i64: 80, 128>}, {transform_indices = @transform_23, window_bounds = array<i64: 80, 128>}]} {
    %get3A = arith.constant 0 : index
    %get3A_0 = arith.constant 0 : index
    %get3A_1 = vector.load %arg1[%get3A, %get3A_0] : memref<80x128xf32, #tpu.memory_space<vmem>>, vector<80x128xf32>
    %get3A_2 = arith.constant 0 : index
    %get3A_3 = arith.constant 0 : index
    %get3A_4 = vector.load %arg5[%get3A_2, %get3A_3] : memref<128x128xf32, #tpu.memory_space<vmem>>, vector<128x128xf32>
    %dot_general3A = arith.constant dense<0.000000e+00> : vector<80x128xf32>
    %dot_general3A_5 = tpu.matmul %get3A_1, %get3A_4, %dot_general3A {dimension_numbers = #tpu.dot_dimension_numbers<[1], [0], [0], [1], [0, 0, 1, 1], [], []>, transpose_lhs_hint = false} : vector<80x128xf32>, vector<128x128xf32>, vector<80x128xf32> -> vector<80x128xf32>
    %get3A_6 = arith.constant 0 : index
    %get3A_7 = arith.constant 0 : index
    %get3A_8 = vector.load %arg6[%get3A_6, %get3A_7] : memref<1x128xf32, #tpu.memory_space<vmem>>, vector<1x128xf32>
    %add3A = vector.broadcast %get3A_8 : vector<1x128xf32> to vector<80x128xf32>
    %add3A_9 = arith.addf %dot_general3A_5, %add3A : vector<80x128xf32>
    %get3A_10 = arith.constant 0 : index
    %get3A_11 = arith.constant 0 : index
    %get3A_12 = vector.load %arg2[%get3A_10, %get3A_11] : memref<2560x128xf32, #tpu.memory_space<vmem>>, vector<2560x128xf32>
    %get3A_13 = arith.constant 0 : index
    %get3A_14 = arith.constant 0 : index
    %get3A_15 = vector.load %arg3[%get3A_13, %get3A_14] : memref<2560x128xf32, #tpu.memory_space<vmem>>, vector<2560x128xf32>
    %get3A_16 = arith.constant 0 : index
    %get3A_17 = arith.constant 0 : index
    %get3A_18 = vector.load %arg7[%get3A_16, %get3A_17] : memref<128x128xf32, #tpu.memory_space<vmem>>, vector<128x128xf32>
    %dot_general3A_19 = arith.constant dense<0.000000e+00> : vector<2560x128xf32>
    %dot_general3A_20 = tpu.matmul %get3A_15, %get3A_18, %dot_general3A_19 {dimension_numbers = #tpu.dot_dimension_numbers<[1], [0], [0], [1], [0, 0, 1, 1], [], []>, transpose_lhs_hint = false} : vector<2560x128xf32>, vector<128x128xf32>, vector<2560x128xf32> -> vector<2560x128xf32>
    %add3A_21 = arith.addf %get3A_12, %dot_general3A_20 : vector<2560x128xf32>
    %reshape3A = vector.shape_cast %add3A_21 : vector<2560x128xf32> to vector<80x32x128xf32>
    %broadcast_in_dim3A = vector.shape_cast %add3A_9 : vector<80x128xf32> to vector<80x1x128xf32>
    %add3A_22 = vector.broadcast %broadcast_in_dim3A : vector<80x1x128xf32> to vector<80x32x128xf32>
    %add3A_23 = arith.addf %reshape3A, %add3A_22 : vector<80x32x128xf32>
    %neg3A = arith.constant 0.000000e+00 : f32
    %neg3A_24 = vector.broadcast %neg3A : f32 to vector<80x32x128xf32>
    %neg3A_25 = arith.subf %neg3A_24, %add3A_23 : vector<80x32x128xf32>
    %exp3A = math.exp %neg3A_25 : vector<80x32x128xf32>
    %add3A_26 = arith.constant 1.000000e+00 : f32
    %add3A_27 = vector.broadcast %add3A_26 : f32 to vector<80x32x128xf32>
    %add3A_28 = arith.addf %add3A_27, %exp3A : vector<80x32x128xf32>
    %div3A = arith.constant 1.000000e+00 : f32
    %div3A_29 = vector.broadcast %div3A : f32 to vector<80x32x128xf32>
    %div3A_30 = arith.divf %div3A_29, %add3A_28 : vector<80x32x128xf32>
    %mul3A = arith.mulf %add3A_23, %div3A_30 : vector<80x32x128xf32>
    %reshape3A_31 = vector.shape_cast %mul3A : vector<80x32x128xf32> to vector<2560x128xf32>
    %get3A_32 = arith.constant 0 : index
    %get3A_33 = arith.constant 0 : index
    %get3A_34 = vector.load %arg8[%get3A_32, %get3A_33] : memref<128x128xf32, #tpu.memory_space<vmem>>, vector<128x128xf32>
    %dot_general3A_35 = arith.constant dense<0.000000e+00> : vector<2560x128xf32>
    %dot_general3A_36 = tpu.matmul %reshape3A_31, %get3A_34, %dot_general3A_35 {dimension_numbers = #tpu.dot_dimension_numbers<[1], [0], [0], [1], [0, 0, 1, 1], [], []>, transpose_lhs_hint = false} : vector<2560x128xf32>, vector<128x128xf32>, vector<2560x128xf32> -> vector<2560x128xf32>
    %get3A_37 = arith.constant 0 : index
    %get3A_38 = arith.constant 0 : index
    %get3A_39 = vector.load %arg9[%get3A_37, %get3A_38] : memref<1x128xf32, #tpu.memory_space<vmem>>, vector<1x128xf32>
    %add3A_40 = vector.broadcast %get3A_39 : vector<1x128xf32> to vector<2560x128xf32>
    %add3A_41 = arith.addf %dot_general3A_36, %add3A_40 : vector<2560x128xf32>
    %neg3A_42 = arith.constant 0.000000e+00 : f32
    %neg3A_43 = vector.broadcast %neg3A_42 : f32 to vector<2560x128xf32>
    %neg3A_44 = arith.subf %neg3A_43, %add3A_41 : vector<2560x128xf32>
    %exp3A_45 = math.exp %neg3A_44 : vector<2560x128xf32>
    %add3A_46 = arith.constant 1.000000e+00 : f32
    %add3A_47 = vector.broadcast %add3A_46 : f32 to vector<2560x128xf32>
    %add3A_48 = arith.addf %add3A_47, %exp3A_45 : vector<2560x128xf32>
    %div3A_49 = arith.constant 1.000000e+00 : f32
    %div3A_50 = vector.broadcast %div3A_49 : f32 to vector<2560x128xf32>
    %div3A_51 = arith.divf %div3A_50, %add3A_48 : vector<2560x128xf32>
    %mul3A_52 = arith.mulf %add3A_41, %div3A_51 : vector<2560x128xf32>
    %get3A_53 = arith.constant 0 : index
    %get3A_54 = arith.constant 0 : index
    %get3A_55 = vector.load %arg10[%get3A_53, %get3A_54] : memref<128x128xf32, #tpu.memory_space<vmem>>, vector<128x128xf32>
    %dot_general3A_56 = arith.constant dense<0.000000e+00> : vector<2560x128xf32>
    %dot_general3A_57 = tpu.matmul %mul3A_52, %get3A_55, %dot_general3A_56 {dimension_numbers = #tpu.dot_dimension_numbers<[1], [0], [0], [1], [0, 0, 1, 1], [], []>, transpose_lhs_hint = false} : vector<2560x128xf32>, vector<128x128xf32>, vector<2560x128xf32> -> vector<2560x128xf32>
    %get3A_58 = arith.constant 0 : index
    %get3A_59 = arith.constant 0 : index
    %get3A_60 = vector.load %arg11[%get3A_58, %get3A_59] : memref<1x128xf32, #tpu.memory_space<vmem>>, vector<1x128xf32>
    %add3A_61 = vector.broadcast %get3A_60 : vector<1x128xf32> to vector<2560x128xf32>
    %add3A_62 = arith.addf %dot_general3A_57, %add3A_61 : vector<2560x128xf32>
    %neg3A_63 = arith.constant 0.000000e+00 : f32
    %neg3A_64 = vector.broadcast %neg3A_63 : f32 to vector<2560x128xf32>
    %neg3A_65 = arith.subf %neg3A_64, %add3A_62 : vector<2560x128xf32>
    %exp3A_66 = math.exp %neg3A_65 : vector<2560x128xf32>
    %add3A_67 = arith.constant 1.000000e+00 : f32
    %add3A_68 = vector.broadcast %add3A_67 : f32 to vector<2560x128xf32>
    %add3A_69 = arith.addf %add3A_68, %exp3A_66 : vector<2560x128xf32>
    %div3A_70 = arith.constant 1.000000e+00 : f32
    %div3A_71 = vector.broadcast %div3A_70 : f32 to vector<2560x128xf32>
    %div3A_72 = arith.divf %div3A_71, %add3A_69 : vector<2560x128xf32>
    %mul3A_73 = arith.mulf %add3A_62, %div3A_72 : vector<2560x128xf32>
    %get3A_74 = arith.constant 0 : index
    %get3A_75 = arith.constant 0 : index
    %get3A_76 = vector.load %arg12[%get3A_74, %get3A_75] : memref<128x128xf32, #tpu.memory_space<vmem>>, vector<128x128xf32>
    %dot_general3A_77 = arith.constant dense<0.000000e+00> : vector<2560x128xf32>
    %dot_general3A_78 = tpu.matmul %mul3A_73, %get3A_76, %dot_general3A_77 {dimension_numbers = #tpu.dot_dimension_numbers<[1], [0], [0], [1], [0, 0, 1, 1], [], []>, transpose_lhs_hint = false} : vector<2560x128xf32>, vector<128x128xf32>, vector<2560x128xf32> -> vector<2560x128xf32>
    %get3A_79 = arith.constant 0 : index
    %get3A_80 = arith.constant 0 : index
    %get3A_81 = vector.load %arg13[%get3A_79, %get3A_80] : memref<1x128xf32, #tpu.memory_space<vmem>>, vector<1x128xf32>
    %add3A_82 = vector.broadcast %get3A_81 : vector<1x128xf32> to vector<2560x128xf32>
    %add3A_83 = arith.addf %dot_general3A_78, %add3A_82 : vector<2560x128xf32>
    %get3A_84 = arith.constant 0 : index
    %get3A_85 = arith.constant 0 : index
    %get3A_86 = vector.load %arg4[%get3A_84, %get3A_85] : memref<2560x1xf32, #tpu.memory_space<vmem>>, vector<2560x1xf32>
    %mul3A_87 = vector.broadcast %get3A_86 : vector<2560x1xf32> to vector<2560x128xf32>
    %mul3A_88 = arith.mulf %add3A_83, %mul3A_87 : vector<2560x128xf32>
    %reshape3A_89 = vector.shape_cast %mul3A_88 : vector<2560x128xf32> to vector<80x32x128xf32>
    %reduce_sum3A = arith.constant dense<0.000000e+00> : vector<80x128xf32>
    %reduce_sum3A_90 = vector.multi_reduction <add>, %reshape3A_89, %reduce_sum3A [1] : vector<80x32x128xf32> to vector<80x128xf32>
    %add3A_91 = arith.addf %get3A_1, %reduce_sum3A_90 : vector<80x128xf32>
    %get3A_92 = arith.constant 0 : index
    %get3A_93 = arith.constant 0 : index
    %get3A_94 = vector.load %arg18[%get3A_92, %get3A_93] : memref<1x128xf32, #tpu.memory_space<vmem>>, vector<1x128xf32>
    %get3A_95 = arith.constant 0 : index
    %get3A_96 = arith.constant 0 : index
    %get3A_97 = vector.load %arg19[%get3A_95, %get3A_96] : memref<1x128xf32, #tpu.memory_space<vmem>>, vector<1x128xf32>
    %reduce_sum3A_98 = arith.constant dense<0.000000e+00> : vector<80xf32>
    %reduce_sum3A_99 = vector.multi_reduction <add>, %add3A_91, %reduce_sum3A_98 [1] : vector<80x128xf32> to vector<80xf32>
    %broadcast_in_dim3A_100 = vector.shape_cast %reduce_sum3A_99 : vector<80xf32> to vector<80x1xf32>
    %div3A_101 = arith.constant 1.280000e+02 : f32
    %div3A_102 = vector.broadcast %div3A_101 : f32 to vector<80x1xf32>
    %div3A_103 = arith.divf %broadcast_in_dim3A_100, %div3A_102 : vector<80x1xf32>
    %sub3A = vector.broadcast %div3A_103 : vector<80x1xf32> to vector<80x128xf32>
    %sub3A_104 = arith.subf %add3A_91, %sub3A : vector<80x128xf32>
    %mul3A_105 = arith.mulf %sub3A_104, %sub3A_104 : vector<80x128xf32>
    %reduce_sum3A_106 = arith.constant dense<0.000000e+00> : vector<80xf32>
    %reduce_sum3A_107 = vector.multi_reduction <add>, %mul3A_105, %reduce_sum3A_106 [1] : vector<80x128xf32> to vector<80xf32>
    %broadcast_in_dim3A_108 = vector.shape_cast %reduce_sum3A_107 : vector<80xf32> to vector<80x1xf32>
    %div3A_109 = arith.constant 1.280000e+02 : f32
    %div3A_110 = vector.broadcast %div3A_109 : f32 to vector<80x1xf32>
    %div3A_111 = arith.divf %broadcast_in_dim3A_108, %div3A_110 : vector<80x1xf32>
    %add3A_112 = arith.constant 9.99999974E-6 : f32
    %add3A_113 = vector.broadcast %add3A_112 : f32 to vector<80x1xf32>
    %add3A_114 = arith.addf %div3A_111, %add3A_113 : vector<80x1xf32>
    %rsqrt3A = math.rsqrt %add3A_114 : vector<80x1xf32>
    %mul3A_115 = vector.broadcast %rsqrt3A : vector<80x1xf32> to vector<80x128xf32>
    %mul3A_116 = arith.mulf %sub3A_104, %mul3A_115 : vector<80x128xf32>
    %mul3A_117 = vector.broadcast %get3A_94 : vector<1x128xf32> to vector<80x128xf32>
    %mul3A_118 = arith.mulf %mul3A_116, %mul3A_117 : vector<80x128xf32>
    %add3A_119 = vector.broadcast %get3A_97 : vector<1x128xf32> to vector<80x128xf32>
    %add3A_120 = arith.addf %mul3A_118, %add3A_119 : vector<80x128xf32>
    %get3A_121 = arith.constant 0 : index
    %get3A_122 = arith.constant 0 : index
    %get3A_123 = vector.load %arg14[%get3A_121, %get3A_122] : memref<128x512xf32, #tpu.memory_space<vmem>>, vector<128x512xf32>
    %dot_general3A_124 = arith.constant dense<0.000000e+00> : vector<80x512xf32>
    %dot_general3A_125 = tpu.matmul %add3A_120, %get3A_123, %dot_general3A_124 {dimension_numbers = #tpu.dot_dimension_numbers<[1], [0], [0], [1], [0, 0, 1, 1], [], []>, transpose_lhs_hint = false} : vector<80x128xf32>, vector<128x512xf32>, vector<80x512xf32> -> vector<80x512xf32>
    %get3A_126 = arith.constant 0 : index
    %get3A_127 = arith.constant 0 : index
    %get3A_128 = vector.load %arg15[%get3A_126, %get3A_127] : memref<1x512xf32, #tpu.memory_space<vmem>>, vector<1x512xf32>
    %add3A_129 = vector.broadcast %get3A_128 : vector<1x512xf32> to vector<80x512xf32>
    %add3A_130 = arith.addf %dot_general3A_125, %add3A_129 : vector<80x512xf32>
    %neg3A_131 = arith.constant 0.000000e+00 : f32
    %neg3A_132 = vector.broadcast %neg3A_131 : f32 to vector<80x512xf32>
    %neg3A_133 = arith.subf %neg3A_132, %add3A_130 : vector<80x512xf32>
    %exp3A_134 = math.exp %neg3A_133 : vector<80x512xf32>
    %add3A_135 = arith.constant 1.000000e+00 : f32
    %add3A_136 = vector.broadcast %add3A_135 : f32 to vector<80x512xf32>
    %add3A_137 = arith.addf %add3A_136, %exp3A_134 : vector<80x512xf32>
    %div3A_138 = arith.constant 1.000000e+00 : f32
    %div3A_139 = vector.broadcast %div3A_138 : f32 to vector<80x512xf32>
    %div3A_140 = arith.divf %div3A_139, %add3A_137 : vector<80x512xf32>
    %mul3A_141 = arith.mulf %add3A_130, %div3A_140 : vector<80x512xf32>
    %get3A_142 = arith.constant 0 : index
    %get3A_143 = arith.constant 0 : index
    %get3A_144 = vector.load %arg16[%get3A_142, %get3A_143] : memref<512x128xf32, #tpu.memory_space<vmem>>, vector<512x128xf32>
    %dot_general3A_145 = arith.constant dense<0.000000e+00> : vector<80x128xf32>
    %dot_general3A_146 = tpu.matmul %mul3A_141, %get3A_144, %dot_general3A_145 {dimension_numbers = #tpu.dot_dimension_numbers<[1], [0], [0], [1], [0, 0, 1, 1], [], []>, transpose_lhs_hint = false} : vector<80x512xf32>, vector<512x128xf32>, vector<80x128xf32> -> vector<80x128xf32>
    %add3A_147 = arith.addf %add3A_120, %dot_general3A_146 : vector<80x128xf32>
    %get3A_148 = arith.constant 0 : index
    %get3A_149 = arith.constant 0 : index
    %get3A_150 = vector.load %arg17[%get3A_148, %get3A_149] : memref<1x128xf32, #tpu.memory_space<vmem>>, vector<1x128xf32>
    %add3A_151 = vector.broadcast %get3A_150 : vector<1x128xf32> to vector<80x128xf32>
    %add3A_152 = arith.addf %add3A_147, %add3A_151 : vector<80x128xf32>
    %get3A_153 = arith.constant 0 : index
    %get3A_154 = arith.constant 0 : index
    %get3A_155 = vector.load %arg20[%get3A_153, %get3A_154] : memref<1x128xf32, #tpu.memory_space<vmem>>, vector<1x128xf32>
    %get3A_156 = arith.constant 0 : index
    %get3A_157 = arith.constant 0 : index
    %get3A_158 = vector.load %arg21[%get3A_156, %get3A_157] : memref<1x128xf32, #tpu.memory_space<vmem>>, vector<1x128xf32>
    %reduce_sum3A_159 = arith.constant dense<0.000000e+00> : vector<80xf32>
    %reduce_sum3A_160 = vector.multi_reduction <add>, %add3A_152, %reduce_sum3A_159 [1] : vector<80x128xf32> to vector<80xf32>
    %broadcast_in_dim3A_161 = vector.shape_cast %reduce_sum3A_160 : vector<80xf32> to vector<80x1xf32>
    %div3A_162 = arith.constant 1.280000e+02 : f32
    %div3A_163 = vector.broadcast %div3A_162 : f32 to vector<80x1xf32>
    %div3A_164 = arith.divf %broadcast_in_dim3A_161, %div3A_163 : vector<80x1xf32>
    %sub3A_165 = vector.broadcast %div3A_164 : vector<80x1xf32> to vector<80x128xf32>
    %sub3A_166 = arith.subf %add3A_152, %sub3A_165 : vector<80x128xf32>
    %mul3A_167 = arith.mulf %sub3A_166, %sub3A_166 : vector<80x128xf32>
    %reduce_sum3A_168 = arith.constant dense<0.000000e+00> : vector<80xf32>
    %reduce_sum3A_169 = vector.multi_reduction <add>, %mul3A_167, %reduce_sum3A_168 [1] : vector<80x128xf32> to vector<80xf32>
    %broadcast_in_dim3A_170 = vector.shape_cast %reduce_sum3A_169 : vector<80xf32> to vector<80x1xf32>
    %div3A_171 = arith.constant 1.280000e+02 : f32
    %div3A_172 = vector.broadcast %div3A_171 : f32 to vector<80x1xf32>
    %div3A_173 = arith.divf %broadcast_in_dim3A_170, %div3A_172 : vector<80x1xf32>
    %add3A_174 = arith.constant 9.99999974E-6 : f32
    %add3A_175 = vector.broadcast %add3A_174 : f32 to vector<80x1xf32>
    %add3A_176 = arith.addf %div3A_173, %add3A_175 : vector<80x1xf32>
    %rsqrt3A_177 = math.rsqrt %add3A_176 : vector<80x1xf32>
    %mul3A_178 = vector.broadcast %rsqrt3A_177 : vector<80x1xf32> to vector<80x128xf32>
    %mul3A_179 = arith.mulf %sub3A_166, %mul3A_178 : vector<80x128xf32>
    %mul3A_180 = vector.broadcast %get3A_155 : vector<1x128xf32> to vector<80x128xf32>
    %mul3A_181 = arith.mulf %mul3A_179, %mul3A_180 : vector<80x128xf32>
    %add3A_182 = vector.broadcast %get3A_158 : vector<1x128xf32> to vector<80x128xf32>
    %add3A_183 = arith.addf %mul3A_181, %add3A_182 : vector<80x128xf32>
    %swap3A = arith.constant 0 : index
    %swap3A_184 = arith.constant 0 : index
    %swap3A_185 = vector.load %arg23[%swap3A, %swap3A_184] : memref<80x128xf32, #tpu.memory_space<vmem>>, vector<80x128xf32>
    tpu.vector_store %arg23[%swap3A, %swap3A_184], %add3A_183 {strides = array<i32>} : memref<80x128xf32, #tpu.memory_space<vmem>>, vector<80x128xf32>,
    %get3A_186 = arith.constant 0 : index
    %get3A_187 = arith.constant 0 : index
    %get3A_188 = vector.load %arg22[%get3A_186, %get3A_187] : memref<128x128xf32, #tpu.memory_space<vmem>>, vector<128x128xf32>
    %dot_general3A_189 = arith.constant dense<0.000000e+00> : vector<80x128xf32>
    %dot_general3A_190 = tpu.matmul %add3A_183, %get3A_188, %dot_general3A_189 {dimension_numbers = #tpu.dot_dimension_numbers<[1], [0], [0], [1], [0, 0, 1, 1], [], []>, transpose_lhs_hint = false} : vector<80x128xf32>, vector<128x128xf32>, vector<80x128xf32> -> vector<80x128xf32>
    %swap3A_191 = arith.constant 0 : index
    %swap3A_192 = arith.constant 0 : index
    %swap3A_193 = vector.load %arg24[%swap3A_191, %swap3A_192] : memref<80x128xf32, #tpu.memory_space<vmem>>, vector<80x128xf32>
    tpu.vector_store %arg24[%swap3A_191, %swap3A_192], %dot_general3A_190 {strides = array<i32>} : memref<80x128xf32, #tpu.memory_space<vmem>>, vector<80x128xf32>,
    return
  }
  func.func @transform_0(%arg0: i32) -> (i32, i32) {
    %c0_i32 = arith.constant 0 : i32
    %c0_i32_0 = arith.constant 0 : i32
    return %arg0, %c0_i32 : i32, i32
  }
  func.func @transform_1(%arg0: i32) -> (i32, i32) {
    %c0_i32 = arith.constant 0 : i32
    %c0_i32_0 = arith.constant 0 : i32
    return %arg0, %c0_i32 : i32, i32
  }
  func.func @transform_2(%arg0: i32) -> (i32, i32) {
    %c0_i32 = arith.constant 0 : i32
    %c0_i32_0 = arith.constant 0 : i32
    return %arg0, %c0_i32 : i32, i32
  }
  func.func @transform_3(%arg0: i32) -> (i32, i32) {
    %c0_i32 = arith.constant 0 : i32
    %c0_i32_0 = arith.constant 0 : i32
    return %arg0, %c0_i32 : i32, i32
  }
  func.func @transform_4(%arg0: i32) -> (i32, i32) {
    %c0_i32 = arith.constant 0 : i32
    %c0_i32_0 = arith.constant 0 : i32
    %c0_i32_1 = arith.constant 0 : i32
    return %c0_i32, %c0_i32_0 : i32, i32
  }
  func.func @transform_5(%arg0: i32) -> (i32, i32) {
    %c0_i32 = arith.constant 0 : i32
    %c0_i32_0 = arith.constant 0 : i32
    %c0_i32_1 = arith.constant 0 : i32
    return %c0_i32, %c0_i32_0 : i32, i32
  }
  func.func @transform_6(%arg0: i32) -> (i32, i32) {
    %c0_i32 = arith.constant 0 : i32
    %c0_i32_0 = arith.constant 0 : i32
    %c0_i32_1 = arith.constant 0 : i32
    return %c0_i32, %c0_i32_0 : i32, i32
  }
  func.func @transform_7(%arg0: i32) -> (i32, i32) {
    %c0_i32 = arith.constant 0 : i32
    %c0_i32_0 = arith.constant 0 : i32
    %c0_i32_1 = arith.constant 0 : i32
    return %c0_i32, %c0_i32_0 : i32, i32
  }
  func.func @transform_8(%arg0: i32) -> (i32, i32) {
    %c0_i32 = arith.constant 0 : i32
    %c0_i32_0 = arith.constant 0 : i32
    %c0_i32_1 = arith.constant 0 : i32
    return %c0_i32, %c0_i32_0 : i32, i32
  }
  func.func @transform_9(%arg0: i32) -> (i32, i32) {
    %c0_i32 = arith.constant 0 : i32
    %c0_i32_0 = arith.constant 0 : i32
    %c0_i32_1 = arith.constant 0 : i32
    return %c0_i32, %c0_i32_0 : i32, i32
  }
  func.func @transform_10(%arg0: i32) -> (i32, i32) {
    %c0_i32 = arith.constant 0 : i32
    %c0_i32_0 = arith.constant 0 : i32
    %c0_i32_1 = arith.constant 0 : i32
    return %c0_i32, %c0_i32_0 : i32, i32
  }
  func.func @transform_11(%arg0: i32) -> (i32, i32) {
    %c0_i32 = arith.constant 0 : i32
    %c0_i32_0 = arith.constant 0 : i32
    %c0_i32_1 = arith.constant 0 : i32
    return %c0_i32, %c0_i32_0 : i32, i32
  }
  func.func @transform_12(%arg0: i32) -> (i32, i32) {
    %c0_i32 = arith.constant 0 : i32
    %c0_i32_0 = arith.constant 0 : i32
    %c0_i32_1 = arith.constant 0 : i32
    return %c0_i32, %c0_i32_0 : i32, i32
  }
  func.func @transform_13(%arg0: i32) -> (i32, i32) {
    %c0_i32 = arith.constant 0 : i32
    %c0_i32_0 = arith.constant 0 : i32
    %c0_i32_1 = arith.constant 0 : i32
    return %c0_i32, %c0_i32_0 : i32, i32
  }
  func.func @transform_14(%arg0: i32) -> (i32, i32) {
    %c0_i32 = arith.constant 0 : i32
    %c0_i32_0 = arith.constant 0 : i32
    %c0_i32_1 = arith.constant 0 : i32
    return %c0_i32, %c0_i32_0 : i32, i32
  }
  func.func @transform_15(%arg0: i32) -> (i32, i32) {
    %c0_i32 = arith.constant 0 : i32
    %c0_i32_0 = arith.constant 0 : i32
    %c0_i32_1 = arith.constant 0 : i32
    return %c0_i32, %c0_i32_0 : i32, i32
  }
  func.func @transform_16(%arg0: i32) -> (i32, i32) {
    %c0_i32 = arith.constant 0 : i32
    %c0_i32_0 = arith.constant 0 : i32
    %c0_i32_1 = arith.constant 0 : i32
    return %c0_i32, %c0_i32_0 : i32, i32
  }
  func.func @transform_17(%arg0: i32) -> (i32, i32) {
    %c0_i32 = arith.constant 0 : i32
    %c0_i32_0 = arith.constant 0 : i32
    %c0_i32_1 = arith.constant 0 : i32
    return %c0_i32, %c0_i32_0 : i32, i32
  }
  func.func @transform_18(%arg0: i32) -> (i32, i32) {
    %c0_i32 = arith.constant 0 : i32
    %c0_i32_0 = arith.constant 0 : i32
    %c0_i32_1 = arith.constant 0 : i32
    return %c0_i32, %c0_i32_0 : i32, i32
  }
  func.func @transform_19(%arg0: i32) -> (i32, i32) {
    %c0_i32 = arith.constant 0 : i32
    %c0_i32_0 = arith.constant 0 : i32
    %c0_i32_1 = arith.constant 0 : i32
    return %c0_i32, %c0_i32_0 : i32, i32
  }
  func.func @transform_20(%arg0: i32) -> (i32, i32) {
    %c0_i32 = arith.constant 0 : i32
    %c0_i32_0 = arith.constant 0 : i32
    %c0_i32_1 = arith.constant 0 : i32
    return %c0_i32, %c0_i32_0 : i32, i32
  }
  func.func @transform_21(%arg0: i32) -> (i32, i32) {
    %c0_i32 = arith.constant 0 : i32
    %c0_i32_0 = arith.constant 0 : i32
    %c0_i32_1 = arith.constant 0 : i32
    return %c0_i32, %c0_i32_0 : i32, i32
  }
  func.func @transform_22(%arg0: i32) -> (i32, i32) {
    %c0_i32 = arith.constant 0 : i32
    %c0_i32_0 = arith.constant 0 : i32
    return %arg0, %c0_i32 : i32, i32
  }
  func.func @transform_23(%arg0: i32) -> (i32, i32) {
    %c0_i32 = arith.constant 0 : i32
    %c0_i32_0 = arith.constant 0 : i32
    return %arg0, %c0_i32 : i32, i32
  }
}

module attributes {stable_mosaic.version = 14 : i64} {
  func.func @body(%arg0: i32, %arg1: memref<80x128xf32, #tpu.memory_space<vmem>>, %arg2: memref<2560x128xf32, #tpu.memory_space<vmem>>, %arg3: memref<2560x128xf32, #tpu.memory_space<vmem>>, %arg4: memref<128x128xf32, #tpu.memory_space<vmem>>, %arg5: memref<1x128xf32, #tpu.memory_space<vmem>>, %arg6: memref<128x128xf32, #tpu.memory_space<vmem>>, %arg7: memref<128x128xf32, #tpu.memory_space<vmem>>, %arg8: memref<1x128xf32, #tpu.memory_space<vmem>>, %arg9: memref<128x128xf32, #tpu.memory_space<vmem>>, %arg10: memref<1x128xf32, #tpu.memory_space<vmem>>, %arg11: memref<128x128xf32, #tpu.memory_space<vmem>>, %arg12: memref<1x128xf32, #tpu.memory_space<vmem>>, %arg13: memref<1x128xf32, #tpu.memory_space<vmem>>, %arg14: memref<1x128xf32, #tpu.memory_space<vmem>>, %arg15: memref<2560x128xf32, #tpu.memory_space<vmem>>) attributes {dimension_semantics = [#tpu.dimension_semantics<arbitrary>], iteration_bounds = array<i64: 125>, scalar_prefetch = 0 : i64, scratch_operands = 0 : i64, tpu.core_type = #tpu.core_type<tc>, window_params = [{transform_indices = @transform_0, window_bounds = array<i64: 80, 128>}, {transform_indices = @transform_1, window_bounds = array<i64: 2560, 128>}, {transform_indices = @transform_2, window_bounds = array<i64: 2560, 128>}, {pipeline_mode = #tpu.pipeline_mode<synchronous>, transform_indices = @transform_3, window_bounds = array<i64: 128, 128>}, {pipeline_mode = #tpu.pipeline_mode<synchronous>, transform_indices = @transform_4, window_bounds = array<i64: 1, 128>}, {pipeline_mode = #tpu.pipeline_mode<synchronous>, transform_indices = @transform_5, window_bounds = array<i64: 128, 128>}, {pipeline_mode = #tpu.pipeline_mode<synchronous>, transform_indices = @transform_6, window_bounds = array<i64: 128, 128>}, {pipeline_mode = #tpu.pipeline_mode<synchronous>, transform_indices = @transform_7, window_bounds = array<i64: 1, 128>}, {pipeline_mode = #tpu.pipeline_mode<synchronous>, transform_indices = @transform_8, window_bounds = array<i64: 128, 128>}, {pipeline_mode = #tpu.pipeline_mode<synchronous>, transform_indices = @transform_9, window_bounds = array<i64: 1, 128>}, {pipeline_mode = #tpu.pipeline_mode<synchronous>, transform_indices = @transform_10, window_bounds = array<i64: 128, 128>}, {pipeline_mode = #tpu.pipeline_mode<synchronous>, transform_indices = @transform_11, window_bounds = array<i64: 1, 128>}, {pipeline_mode = #tpu.pipeline_mode<synchronous>, transform_indices = @transform_12, window_bounds = array<i64: 1, 128>}, {pipeline_mode = #tpu.pipeline_mode<synchronous>, transform_indices = @transform_13, window_bounds = array<i64: 1, 128>}, {transform_indices = @transform_14, window_bounds = array<i64: 2560, 128>}]} {
    %get3A = arith.constant 0 : index
    %get3A_0 = arith.constant 0 : index
    %get3A_1 = vector.load %arg1[%get3A, %get3A_0] : memref<80x128xf32, #tpu.memory_space<vmem>>, vector<80x128xf32>
    %get3A_2 = arith.constant 0 : index
    %get3A_3 = arith.constant 0 : index
    %get3A_4 = vector.load %arg4[%get3A_2, %get3A_3] : memref<128x128xf32, #tpu.memory_space<vmem>>, vector<128x128xf32>
    %dot_general3A = arith.constant dense<0.000000e+00> : vector<80x128xf32>
    %dot_general3A_5 = tpu.matmul %get3A_1, %get3A_4, %dot_general3A {dimension_numbers = #tpu.dot_dimension_numbers<[1], [0], [0], [1], [0, 0, 1, 1], [], []>, transpose_lhs_hint = false} : vector<80x128xf32>, vector<128x128xf32>, vector<80x128xf32> -> vector<80x128xf32>
    %get3A_6 = arith.constant 0 : index
    %get3A_7 = arith.constant 0 : index
    %get3A_8 = vector.load %arg5[%get3A_6, %get3A_7] : memref<1x128xf32, #tpu.memory_space<vmem>>, vector<1x128xf32>
    %add3A = vector.broadcast %get3A_8 : vector<1x128xf32> to vector<80x128xf32>
    %add3A_9 = arith.addf %dot_general3A_5, %add3A : vector<80x128xf32>
    %get3A_10 = arith.constant 0 : index
    %get3A_11 = arith.constant 0 : index
    %get3A_12 = vector.load %arg3[%get3A_10, %get3A_11] : memref<2560x128xf32, #tpu.memory_space<vmem>>, vector<2560x128xf32>
    %get3A_13 = arith.constant 0 : index
    %get3A_14 = arith.constant 0 : index
    %get3A_15 = vector.load %arg2[%get3A_13, %get3A_14] : memref<2560x128xf32, #tpu.memory_space<vmem>>, vector<2560x128xf32>
    %get3A_16 = arith.constant 0 : index
    %get3A_17 = arith.constant 0 : index
    %get3A_18 = vector.load %arg6[%get3A_16, %get3A_17] : memref<128x128xf32, #tpu.memory_space<vmem>>, vector<128x128xf32>
    %dot_general3A_19 = arith.constant dense<0.000000e+00> : vector<2560x128xf32>
    %dot_general3A_20 = tpu.matmul %get3A_12, %get3A_18, %dot_general3A_19 {dimension_numbers = #tpu.dot_dimension_numbers<[1], [0], [0], [1], [0, 0, 1, 1], [], []>, transpose_lhs_hint = false} : vector<2560x128xf32>, vector<128x128xf32>, vector<2560x128xf32> -> vector<2560x128xf32>
    %add3A_21 = arith.addf %get3A_15, %dot_general3A_20 : vector<2560x128xf32>
    %reshape3A = vector.shape_cast %add3A_21 : vector<2560x128xf32> to vector<80x32x128xf32>
    %broadcast_in_dim3A = vector.shape_cast %add3A_9 : vector<80x128xf32> to vector<80x1x128xf32>
    %add3A_22 = vector.broadcast %broadcast_in_dim3A : vector<80x1x128xf32> to vector<80x32x128xf32>
    %add3A_23 = arith.addf %reshape3A, %add3A_22 : vector<80x32x128xf32>
    %neg3A = arith.constant 0.000000e+00 : f32
    %neg3A_24 = vector.broadcast %neg3A : f32 to vector<80x32x128xf32>
    %neg3A_25 = arith.subf %neg3A_24, %add3A_23 : vector<80x32x128xf32>
    %exp3A = math.exp %neg3A_25 : vector<80x32x128xf32>
    %add3A_26 = arith.constant 1.000000e+00 : f32
    %add3A_27 = vector.broadcast %add3A_26 : f32 to vector<80x32x128xf32>
    %add3A_28 = arith.addf %add3A_27, %exp3A : vector<80x32x128xf32>
    %div3A = arith.constant 1.000000e+00 : f32
    %div3A_29 = vector.broadcast %div3A : f32 to vector<80x32x128xf32>
    %div3A_30 = arith.divf %div3A_29, %add3A_28 : vector<80x32x128xf32>
    %mul3A = arith.mulf %add3A_23, %div3A_30 : vector<80x32x128xf32>
    %reshape3A_31 = vector.shape_cast %mul3A : vector<80x32x128xf32> to vector<2560x128xf32>
    %get3A_32 = arith.constant 0 : index
    %get3A_33 = arith.constant 0 : index
    %get3A_34 = vector.load %arg7[%get3A_32, %get3A_33] : memref<128x128xf32, #tpu.memory_space<vmem>>, vector<128x128xf32>
    %dot_general3A_35 = arith.constant dense<0.000000e+00> : vector<2560x128xf32>
    %dot_general3A_36 = tpu.matmul %reshape3A_31, %get3A_34, %dot_general3A_35 {dimension_numbers = #tpu.dot_dimension_numbers<[1], [0], [0], [1], [0, 0, 1, 1], [], []>, transpose_lhs_hint = false} : vector<2560x128xf32>, vector<128x128xf32>, vector<2560x128xf32> -> vector<2560x128xf32>
    %get3A_37 = arith.constant 0 : index
    %get3A_38 = arith.constant 0 : index
    %get3A_39 = vector.load %arg8[%get3A_37, %get3A_38] : memref<1x128xf32, #tpu.memory_space<vmem>>, vector<1x128xf32>
    %add3A_40 = vector.broadcast %get3A_39 : vector<1x128xf32> to vector<2560x128xf32>
    %add3A_41 = arith.addf %dot_general3A_36, %add3A_40 : vector<2560x128xf32>
    %neg3A_42 = arith.constant 0.000000e+00 : f32
    %neg3A_43 = vector.broadcast %neg3A_42 : f32 to vector<2560x128xf32>
    %neg3A_44 = arith.subf %neg3A_43, %add3A_41 : vector<2560x128xf32>
    %exp3A_45 = math.exp %neg3A_44 : vector<2560x128xf32>
    %add3A_46 = arith.constant 1.000000e+00 : f32
    %add3A_47 = vector.broadcast %add3A_46 : f32 to vector<2560x128xf32>
    %add3A_48 = arith.addf %add3A_47, %exp3A_45 : vector<2560x128xf32>
    %div3A_49 = arith.constant 1.000000e+00 : f32
    %div3A_50 = vector.broadcast %div3A_49 : f32 to vector<2560x128xf32>
    %div3A_51 = arith.divf %div3A_50, %add3A_48 : vector<2560x128xf32>
    %mul3A_52 = arith.mulf %add3A_41, %div3A_51 : vector<2560x128xf32>
    %get3A_53 = arith.constant 0 : index
    %get3A_54 = arith.constant 0 : index
    %get3A_55 = vector.load %arg9[%get3A_53, %get3A_54] : memref<128x128xf32, #tpu.memory_space<vmem>>, vector<128x128xf32>
    %dot_general3A_56 = arith.constant dense<0.000000e+00> : vector<2560x128xf32>
    %dot_general3A_57 = tpu.matmul %mul3A_52, %get3A_55, %dot_general3A_56 {dimension_numbers = #tpu.dot_dimension_numbers<[1], [0], [0], [1], [0, 0, 1, 1], [], []>, transpose_lhs_hint = false} : vector<2560x128xf32>, vector<128x128xf32>, vector<2560x128xf32> -> vector<2560x128xf32>
    %get3A_58 = arith.constant 0 : index
    %get3A_59 = arith.constant 0 : index
    %get3A_60 = vector.load %arg10[%get3A_58, %get3A_59] : memref<1x128xf32, #tpu.memory_space<vmem>>, vector<1x128xf32>
    %add3A_61 = vector.broadcast %get3A_60 : vector<1x128xf32> to vector<2560x128xf32>
    %add3A_62 = arith.addf %dot_general3A_57, %add3A_61 : vector<2560x128xf32>
    %neg3A_63 = arith.constant 0.000000e+00 : f32
    %neg3A_64 = vector.broadcast %neg3A_63 : f32 to vector<2560x128xf32>
    %neg3A_65 = arith.subf %neg3A_64, %add3A_62 : vector<2560x128xf32>
    %exp3A_66 = math.exp %neg3A_65 : vector<2560x128xf32>
    %add3A_67 = arith.constant 1.000000e+00 : f32
    %add3A_68 = vector.broadcast %add3A_67 : f32 to vector<2560x128xf32>
    %add3A_69 = arith.addf %add3A_68, %exp3A_66 : vector<2560x128xf32>
    %div3A_70 = arith.constant 1.000000e+00 : f32
    %div3A_71 = vector.broadcast %div3A_70 : f32 to vector<2560x128xf32>
    %div3A_72 = arith.divf %div3A_71, %add3A_69 : vector<2560x128xf32>
    %mul3A_73 = arith.mulf %add3A_62, %div3A_72 : vector<2560x128xf32>
    %get3A_74 = arith.constant 0 : index
    %get3A_75 = arith.constant 0 : index
    %get3A_76 = vector.load %arg11[%get3A_74, %get3A_75] : memref<128x128xf32, #tpu.memory_space<vmem>>, vector<128x128xf32>
    %dot_general3A_77 = arith.constant dense<0.000000e+00> : vector<2560x128xf32>
    %dot_general3A_78 = tpu.matmul %mul3A_73, %get3A_76, %dot_general3A_77 {dimension_numbers = #tpu.dot_dimension_numbers<[1], [0], [0], [1], [0, 0, 1, 1], [], []>, transpose_lhs_hint = false} : vector<2560x128xf32>, vector<128x128xf32>, vector<2560x128xf32> -> vector<2560x128xf32>
    %get3A_79 = arith.constant 0 : index
    %get3A_80 = arith.constant 0 : index
    %get3A_81 = vector.load %arg12[%get3A_79, %get3A_80] : memref<1x128xf32, #tpu.memory_space<vmem>>, vector<1x128xf32>
    %add3A_82 = vector.broadcast %get3A_81 : vector<1x128xf32> to vector<2560x128xf32>
    %add3A_83 = arith.addf %dot_general3A_78, %add3A_82 : vector<2560x128xf32>
    %add3A_84 = arith.addf %get3A_12, %add3A_83 : vector<2560x128xf32>
    %get3A_85 = arith.constant 0 : index
    %get3A_86 = arith.constant 0 : index
    %get3A_87 = vector.load %arg13[%get3A_85, %get3A_86] : memref<1x128xf32, #tpu.memory_space<vmem>>, vector<1x128xf32>
    %get3A_88 = arith.constant 0 : index
    %get3A_89 = arith.constant 0 : index
    %get3A_90 = vector.load %arg14[%get3A_88, %get3A_89] : memref<1x128xf32, #tpu.memory_space<vmem>>, vector<1x128xf32>
    %reduce_sum3A = arith.constant dense<0.000000e+00> : vector<2560xf32>
    %reduce_sum3A_91 = vector.multi_reduction <add>, %add3A_84, %reduce_sum3A [1] : vector<2560x128xf32> to vector<2560xf32>
    %broadcast_in_dim3A_92 = vector.shape_cast %reduce_sum3A_91 : vector<2560xf32> to vector<2560x1xf32>
    %div3A_93 = arith.constant 1.280000e+02 : f32
    %div3A_94 = vector.broadcast %div3A_93 : f32 to vector<2560x1xf32>
    %div3A_95 = arith.divf %broadcast_in_dim3A_92, %div3A_94 : vector<2560x1xf32>
    %sub3A = vector.broadcast %div3A_95 : vector<2560x1xf32> to vector<2560x128xf32>
    %sub3A_96 = arith.subf %add3A_84, %sub3A : vector<2560x128xf32>
    %mul3A_97 = arith.mulf %sub3A_96, %sub3A_96 : vector<2560x128xf32>
    %reduce_sum3A_98 = arith.constant dense<0.000000e+00> : vector<2560xf32>
    %reduce_sum3A_99 = vector.multi_reduction <add>, %mul3A_97, %reduce_sum3A_98 [1] : vector<2560x128xf32> to vector<2560xf32>
    %broadcast_in_dim3A_100 = vector.shape_cast %reduce_sum3A_99 : vector<2560xf32> to vector<2560x1xf32>
    %div3A_101 = arith.constant 1.280000e+02 : f32
    %div3A_102 = vector.broadcast %div3A_101 : f32 to vector<2560x1xf32>
    %div3A_103 = arith.divf %broadcast_in_dim3A_100, %div3A_102 : vector<2560x1xf32>
    %add3A_104 = arith.constant 9.99999974E-6 : f32
    %add3A_105 = vector.broadcast %add3A_104 : f32 to vector<2560x1xf32>
    %add3A_106 = arith.addf %div3A_103, %add3A_105 : vector<2560x1xf32>
    %rsqrt3A = math.rsqrt %add3A_106 : vector<2560x1xf32>
    %mul3A_107 = vector.broadcast %rsqrt3A : vector<2560x1xf32> to vector<2560x128xf32>
    %mul3A_108 = arith.mulf %sub3A_96, %mul3A_107 : vector<2560x128xf32>
    %mul3A_109 = vector.broadcast %get3A_87 : vector<1x128xf32> to vector<2560x128xf32>
    %mul3A_110 = arith.mulf %mul3A_108, %mul3A_109 : vector<2560x128xf32>
    %add3A_111 = vector.broadcast %get3A_90 : vector<1x128xf32> to vector<2560x128xf32>
    %add3A_112 = arith.addf %mul3A_110, %add3A_111 : vector<2560x128xf32>
    %swap3A = arith.constant 0 : index
    %swap3A_113 = arith.constant 0 : index
    %swap3A_114 = vector.load %arg15[%swap3A, %swap3A_113] : memref<2560x128xf32, #tpu.memory_space<vmem>>, vector<2560x128xf32>
    tpu.vector_store %arg15[%swap3A, %swap3A_113], %add3A_112 {strides = array<i32>} : memref<2560x128xf32, #tpu.memory_space<vmem>>, vector<2560x128xf32>,
    return
  }
  func.func @transform_0(%arg0: i32) -> (i32, i32) {
    %c0_i32 = arith.constant 0 : i32
    %c0_i32_0 = arith.constant 0 : i32
    return %arg0, %c0_i32 : i32, i32
  }
  func.func @transform_1(%arg0: i32) -> (i32, i32) {
    %c0_i32 = arith.constant 0 : i32
    %c0_i32_0 = arith.constant 0 : i32
    return %arg0, %c0_i32 : i32, i32
  }
  func.func @transform_2(%arg0: i32) -> (i32, i32) {
    %c0_i32 = arith.constant 0 : i32
    %c0_i32_0 = arith.constant 0 : i32
    return %arg0, %c0_i32 : i32, i32
  }
  func.func @transform_3(%arg0: i32) -> (i32, i32) {
    %c0_i32 = arith.constant 0 : i32
    %c0_i32_0 = arith.constant 0 : i32
    %c0_i32_1 = arith.constant 0 : i32
    return %c0_i32, %c0_i32_0 : i32, i32
  }
  func.func @transform_4(%arg0: i32) -> (i32, i32) {
    %c0_i32 = arith.constant 0 : i32
    %c0_i32_0 = arith.constant 0 : i32
    %c0_i32_1 = arith.constant 0 : i32
    return %c0_i32, %c0_i32_0 : i32, i32
  }
  func.func @transform_5(%arg0: i32) -> (i32, i32) {
    %c0_i32 = arith.constant 0 : i32
    %c0_i32_0 = arith.constant 0 : i32
    %c0_i32_1 = arith.constant 0 : i32
    return %c0_i32, %c0_i32_0 : i32, i32
  }
  func.func @transform_6(%arg0: i32) -> (i32, i32) {
    %c0_i32 = arith.constant 0 : i32
    %c0_i32_0 = arith.constant 0 : i32
    %c0_i32_1 = arith.constant 0 : i32
    return %c0_i32, %c0_i32_0 : i32, i32
  }
  func.func @transform_7(%arg0: i32) -> (i32, i32) {
    %c0_i32 = arith.constant 0 : i32
    %c0_i32_0 = arith.constant 0 : i32
    %c0_i32_1 = arith.constant 0 : i32
    return %c0_i32, %c0_i32_0 : i32, i32
  }
  func.func @transform_8(%arg0: i32) -> (i32, i32) {
    %c0_i32 = arith.constant 0 : i32
    %c0_i32_0 = arith.constant 0 : i32
    %c0_i32_1 = arith.constant 0 : i32
    return %c0_i32, %c0_i32_0 : i32, i32
  }
  func.func @transform_9(%arg0: i32) -> (i32, i32) {
    %c0_i32 = arith.constant 0 : i32
    %c0_i32_0 = arith.constant 0 : i32
    %c0_i32_1 = arith.constant 0 : i32
    return %c0_i32, %c0_i32_0 : i32, i32
  }
  func.func @transform_10(%arg0: i32) -> (i32, i32) {
    %c0_i32 = arith.constant 0 : i32
    %c0_i32_0 = arith.constant 0 : i32
    %c0_i32_1 = arith.constant 0 : i32
    return %c0_i32, %c0_i32_0 : i32, i32
  }
  func.func @transform_11(%arg0: i32) -> (i32, i32) {
    %c0_i32 = arith.constant 0 : i32
    %c0_i32_0 = arith.constant 0 : i32
    %c0_i32_1 = arith.constant 0 : i32
    return %c0_i32, %c0_i32_0 : i32, i32
  }
  func.func @transform_12(%arg0: i32) -> (i32, i32) {
    %c0_i32 = arith.constant 0 : i32
    %c0_i32_0 = arith.constant 0 : i32
    %c0_i32_1 = arith.constant 0 : i32
    return %c0_i32, %c0_i32_0 : i32, i32
  }
  func.func @transform_13(%arg0: i32) -> (i32, i32) {
    %c0_i32 = arith.constant 0 : i32
    %c0_i32_0 = arith.constant 0 : i32
    %c0_i32_1 = arith.constant 0 : i32
    return %c0_i32, %c0_i32_0 : i32, i32
  }
  func.func @transform_14(%arg0: i32) -> (i32, i32) {
    %c0_i32 = arith.constant 0 : i32
    %c0_i32_0 = arith.constant 0 : i32
    return %arg0, %c0_i32 : i32, i32
  }
}

</mosaic_0001>

<sc_bundles>
// kernel: kernel.10.cloned.1.call-start
scs
__scs_entry_jumppad:
0x0: {  	(pc) =	sbr.rel $0x88, $3  }
0x1: {  	(tag) =	ssettag $0x0;
	lr =	simm.s32 $0x1  }
0x2: {  	[smem:$0x3F83] =	sst lr;
	_ =	strace $0xD0000000  }
0x3: {  	_ = 	snop  }
0x4: {  	_ = 	snop  }
0x5: {  	_ = 	snop  }
0x6: {  	_ = 	snop  }
0x7: {  	_ = 	snop  }
__scs_overlays_trampoline_lowered:
0x8: {  	[smem:$0x3F92] =	sst s0  }
0x9: {  	[smem:$0x3F93] =	sst s1  }
0xa: {  	[smem:$0x3F94] =	sst s2  }
0xb: {  	[smem:$0x3F95] =	sst s3  }
0xc: {  	[smem:$0x3F96] =	sst s4  }
0xd: {  	[smem:$0x3F97] =	sst s5  }
0xe: {  	[smem:$0x3F98] =	sst s6  }
0xf: {  	[smem:$0x3F99] =	sst s7  }
0x10: {  	[smem:$0x3F9A] =	sst s8  }
0x11: {  	[smem:$0x3F9B] =	sst s9;
	s0 =	simm.s32 @!p0 $0x0  }
0x12: {  	s1 =	sld [smem:$0x3F81];
	s0 =	simm.s32 @p0 $0x1  }
0x13: {  	[smem:$0x3F9C] =	sst s0;
	s0 =	simm.s32 @!p1 $0x0  }
0x14: {  	s2 =	sld [smem:$0x3F80];
	s0 =	simm.s32 @p1 $0x1  }
0x15: {  	[smem:$0x3F9D] =	sst s0;
	s0 =	simm.s32 @!p2 $0x0  }
0x16: {  	s3 =	sld [smem:$0x3FDB];
	s0 =	simm.s32 @p2 $0x1  }
0x17: {  	s4 =	simm.s32 $0x1BF5;
	[smem:$0x3F9F] =	sst s0  }
0x18: {  	s0 =	sld [smem:$0x3F82];
	_ =	swait.ge [sflag:s4], $0x0  }
0x19: {  	s7 =	sld [smem:$0x3F83]  }
0x1a: {  	s8 =	sadd.s32 $0xFFFFE003, lr  }
0x1b: {  	s9 =	sadd.s32 $0xFFFFFEF7, lr;
	s5 =	simm.s32 $0xFFFFFFFF;
	p2 =	slt.u32 s8, $0xFFFFF086  }
0x1c: {  	p1 =	slt.u32 s9, $0xF7A;
	s5 =	simm.s32 @!p2 $0x0  }
0x1d: {  	s5 =	simm.s32 @p1 $0x1;
	p0 =	seq.s32 s7, s2  }
0x1e: {  	s7 =	smul.u32 @!p0 $0xF7A, s2;
	p2 =	seq.s32 @!p0 s5, $0x0  }
0x1f: {  	s9 =	smul.u32 $0xF7A, s1;
	s8 =	simm.s32 @!p0 $0x1BF5;
	p2 =	por !p2, p0  }
0x20: {  	[sflag:s8] =	ssyncset.s32 @!p0 $0xFFFFF086;
	s6 =	sadd.s32 @!p0 s3, s7;
	s7 =	simm.s32 @!p0 $0x108  }
0x21: {  	s3 =	sadd.s32 s3, s9;
	s6 =	sadd.s32 @!p0 $0x88, s6;
	s7 =	simm.s32 @p2 $0x1082  }
0x22: {  	[simem:s7], [sflag:s8] =	dma.local @!p0 [hbm:s6], $0xF7A  }
0x23: {  	s9 =	sor.u32 $0xD0000000, s2;
	s6 =	simm.s32 $0x108;
	_ =	swait.ge @!p0 [sflag:s8], $0x0  }
0x24: {  	s3 =	sadd.s32 $0x88, s3;
	s6 =	simm.s32 @!p1 $0x1082;
	[sflag:s4] =	ssyncset.s32 $0xFFFFF086  }
0x25: {  	[simem:s6], [sflag:s4] =	dma.local [hbm:s3], $0xF7A  }
0x26: {  	[smem:$0x3F83] =	sst s1;
	(tag) =	ssettag s2;
	_ =	strace s9  }
0x27: {  	s1 =	sld [smem:$0x3F93]  }
0x28: {  	s2 =	sld [smem:$0x3F94]  }
0x29: {  	s4 =	sld [smem:$0x3F96]  }
0x2a: {  	p0 =	seq.s32 s5, $0x0;
	s5 =	sld [smem:$0x3F97]  }
0x2b: {  	s6 =	sld [smem:$0x3F98]  }
0x2c: {  	s7 =	sld [smem:$0x3F99]  }
0x2d: {  	s3 =	simm.s32 $0x108;
	s8 =	sld [smem:$0x3F9A]  }
0x2e: {  	s3 =	simm.s32 @!p0 $0x1082;
	s9 =	sld [smem:$0x3F9B]  }
0x2f: {  	lr =	sadd.s32 s0, s3;
	s0 =	sld [smem:$0x3F92]  }
0x30: {  	s3 =	sld [smem:$0x3F95]  }
0x31: {  	[smem:$0x3F9E] =	sst s10  }
0x32: {  	s10 =	sld [smem:$0x3F9C];
	_ =	sdelay $0x3  }
0x33: {  	p0 =	seq.s32 s10, $0x1;
	s10 =	sld [smem:$0x3F9E];
	_ =	sdelay $0x3  }
0x34: {  	[smem:$0x3F9E] =	sst s10  }
0x35: {  	s10 =	sld [smem:$0x3F9D];
	_ =	sdelay $0x3  }
0x36: {  	p1 =	seq.s32 s10, $0x1;
	s10 =	sld [smem:$0x3F9E];
	_ =	sdelay $0x3  }
0x37: {  	[smem:$0x3F9E] =	sst s10  }
0x38: {  	s10 =	sld [smem:$0x3F9F]  }
0x39: {  	_ = 	snop;
	(pc) =	sbr.ind lr, $3  }
0x3a: {  	_ = 	snop  }
0x3b: {  	_ = 	snop  }
0x3c: {  	p2 =	seq.s32 s10, $0x1;
	s10 =	sld [smem:$0x3F9E]  }
0x3d: {  	_ =	shalt  }
0x3e: {  	_ =	shalt  }
0x3f: {  	_ =	shalt  }
0x40: {  	_ =	shalt  }
0x41: {  	_ =	shalt  }
0x42: {  	_ =	shalt  }
0x43: {  	_ =	shalt  }
0x44: {  	_ =	shalt  }
0x45: {  	_ =	shalt  }
0x46: {  	_ =	shalt  }
0x47: {  	_ =	shalt  }
0x48: {  	_ =	shalt  }
0x49: {  	_ =	shalt  }
0x4a: {  	_ =	shalt  }
0x4b: {  	_ =	shalt  }
0x4c: {  	_ =	shalt  }
0x4d: {  	_ =	shalt  }
0x4e: {  	_ =	shalt  }
0x4f: {  	_ =	shalt  }
0x50: {  	_ =	shalt  }
0x51: {  	_ =	shalt  }
0x52: {  	_ =	shalt  }
0x53: {  	_ =	shalt  }
0x54: {  	_ =	shalt  }
0x55: {  	_ =	shalt  }
0x56: {  	_ =	shalt  }
0x57: {  	_ =	shalt  }
0x58: {  	_ =	shalt  }
0x59: {  	_ =	shalt  }
0x5a: {  	_ =	shalt  }
0x5b: {  	_ =	shalt  }
0x5c: {  	_ =	shalt  }
0x5d: {  	_ =	shalt  }
0x5e: {  	_ =	shalt  }
0x5f: {  	_ =	shalt  }
0x60: {  	_ =	shalt  }
0x61: {  	_ =	shalt  }
0x62: {  	_ =	shalt  }
0x63: {  	_ =	shalt  }
0x64: {  	_ =	shalt  }
0x65: {  	_ =	shalt  }
0x66: {  	_ =	shalt  }
0x67: {  	_ =	shalt  }
0x68: {  	_ =	shalt  }
0x69: {  	_ =	shalt  }
0x6a: {  	_ =	shalt  }
0x6b: {  	_ =	shalt  }
0x6c: {  	_ =	shalt  }
0x6d: {  	_ =	shalt  }
0x6e: {  	_ =	shalt  }
0x6f: {  	_ =	shalt  }
0x70: {  	_ =	shalt  }
0x71: {  	_ =	shalt  }
0x72: {  	_ =	shalt  }
0x73: {  	_ =	shalt  }
0x74: {  	_ =	shalt  }
0x75: {  	_ =	shalt  }
0x76: {  	_ =	shalt  }
0x77: {  	_ =	shalt  }
0x78: {  	_ =	shalt  }
0x79: {  	_ =	shalt  }
0x7a: {  	_ =	shalt  }
0x7b: {  	_ =	shalt  }
0x7c: {  	_ =	shalt  }
0x7d: {  	_ =	shalt  }
0x7e: {  	_ =	shalt  }
0x7f: {  	_ =	shalt  }
0x80: {  	_ =	shalt  }
0x81: {  	_ =	shalt  }
0x82: {  	_ =	shalt  }
0x83: {  	_ =	shalt  }
0x84: {  	_ =	shalt  }
0x85: {  	_ =	shalt  }
0x86: {  	_ =	shalt  }
0x87: {  	_ =	shalt  }
.Lfunc_end0:
.L_simem_size_0:
called_computation.1_lowered:
.L_overlay_start_0:
0x88: {  	s2 =	sld [smem:$0x3FD9]  }
0x89: {  	s3 =	sld [smem:$0x3FFE];
	_ =	sdelay $0x1  }
0x8a: {  	s1 =	srdreg.scid  }
0x8b: {  	s0 =	sand.u32 $0x1, s1  }
0x8c: {  	s14 =	sshll.u32 s0, $0xA;
	s2 =	sadd.s32 s3, s2  }
0x8d: {  	s2 =	sadd.s32 s2, s14  }
0x8e: {  	[smem:$0x3FAA] =	sst s2  }
0x8f: {  	_ = 	snop  }
0x90: {  	s2 =	sld [smem:$0x3FD0];
	_ =	sdelay $0x2  }
0x91: {  	s15 =	simm.s32 $0xA;
	s4 =	simm.s32 $0x10  }
0x92: {  	[smem:s4], [sflag:s15] =	dma.local [hbm:s2], $0x1  }
0x93: {  	_ =	swait.eq [sflag:s15], $0x1  }
0x94: {  	[sflag:s15] =	ssyncset.done $0x0  }
0x95: {  	[sflag:s15] =	ssyncadd.s32 $0xFFFFFFFF  }
0x96: {  	s16 =	sld [smem:$0x11];
	(tm) =	ssettm $0x1  }
0x97: {  	s17 =	sld [smem:$0x3FFB];
	_ =	sdelay $0x3  }
0x98: {  	_ =	strace s17  }
0x99: {  	s3 =	sld [smem:$0x3FFC];
	_ =	sdelay $0x3  }
0x9a: {  	_ =	strace s3  }
0x9b: {  	s3 =	sld [smem:$0x3FFD];
	_ =	sdelay $0x3  }
0x9c: {  	_ =	strace s3  }
0x9d: {  	_ =	strace $0x8FFFFFFF  }
0x9e: {  	s18 =	sld [smem:$0x3FDB];
	_ =	sdelay $0x1  }
0x9f: {  	s19 =	simm.s32 $_scs_section_size  }
0xa0: {  	s5 =	simm.s32 $_size__tile_overlayer_lowered;
	s6 =	simm.s32 $_tile_overlayer_lowered  }
0xa1: {  	s22 =	simm.s32 $0x1BFF;
	s21 =	sshll.u32 s6, $0x1;
	s3 =	sadd.s32 s19, s18  }
0xa2: {  	s7 =	simm.s32 $0x0;
	s20 =	sshll.u32 s5, $0x1;
	s5 =	sadd.s32 s21, s3  }
0xa3: {  	[timem:s7], [sflag:s22] =	dma.local [hbm:s5], s20  }
0xa4: {  	_ =	swait.ge [sflag:s22], s20  }
0xa5: {  	s4 =	ssub.s32 $0x0, s20;
	[sflag:s22] =	ssyncset.done $0x0  }
0xa6: {  	[sflag:s22] =	ssyncadd.s32 s4;
	_ =	sdelay $0x1  }
0xa7: {  	s23 =	simm.s32 $0x1B8B  }
0xa8: {  	_ =	swait.ge [sflag:s23], $0x1  }
0xa9: {  	[sflag:s23] =	ssyncset.done $0x0  }
0xaa: {  	s25 =	simm.s32 $0x1B8E;
	s24 =	sld [smem:$0x3FFE];
	[sflag:s23] =	ssyncadd.s32 $0xFFFFFFFF  }
0xab: {  	s26 =	simm.s32 $execute0_lowered;
	[smem:$0x3FD2] =	sst s25  }
0xac: {  	s5 =	sshll.u32 s26, $0x1;
	_ =	strace $0x80000049;
	[dreg:$0x1] =	wrdreg $0xFFFFFFFF  }
0xad: {  	s28 =	simm.s32 $_size_execute0_lowered;
	s3 =	sadd.s32 s3, s5;
	[dreg:$0x0] =	wrdreg $0x0  }
0xae: {  	s5 =	sshll.u32 s28, $0x1;
	[dreg:$0x2] =	wrdreg s3  }
0xaf: {  	[dreg:$0x3] =	wrdreg s5  }
0xb0: {  	[dreg:$0x4] =	wrdreg $0xC0  }
0xb1: {  	_ =	task [dreg:s7], $0x5FFFF  }
0xb2: {  	[dreg:$0x1] =	wrdreg $0xFFFFFFFF  }
0xb3: {  	[dreg:$0x0] =	wrdreg $0x60  }
0xb4: {  	[dreg:$0x2] =	wrdreg s16  }
0xb5: {  	[dreg:$0x3] =	wrdreg s24  }
0xb6: {  	[dreg:$0x4] =	wrdreg $0x9  }
0xb7: {  	_ =	task.clear_ibuf [dreg:s7], $0x5FFFF;
	_ =	strace $0x90000049  }
0xb8: {  	s29 =	simm.s32 $0x9;
	_ =	strace $0x8000004B  }
0xb9: {  	_ =	swait.ge [sflag:s29], $0x1  }
0xba: {  	[sflag:s29] =	ssyncadd.s32 $0xFFFFFFFF  }
0xbb: {  	_ =	strace $0x9000004B  }
0xbc: {  	_ =	sfence  }
0xbd: {  	s30 =	sld [smem:$0x0];
	_ =	sdelay $0x2  }
0xbe: {  	s31 =	sshll.u32 s1, $0xD;
	s1 =	sshrl.u32 s1, $0x2  }
0xbf: {  	s3 =	sand.u32 $0x4000, s31;
	s1 =	sadd.s32 s1, s30  }
0xc0: {  	s0 =	sor.u32 s3, s0;
	s1 =	sshll.u32 s1, $0x11  }
0xc1: {  	s0 =	sor.u32 s1, s0  }
0xc2: {  	s0 =	sadd.s32 $0x8F2B, s0  }
0xc3: {  	[sflag:s0] =	ssyncadd.remote.s32 $0x1  }
0xc4: {  	_ =	sfence.sel $0xFFFF  }
0xc5: {  	[dreg:$0x0] =	wrdreg $0xFFFFFFFF;
	(pc) =	sbr.abs _section_cstart, $3  }
0xc6: {  	[dreg:$0x1] =	wrdreg $0xFFFFFFFF  }
0xc7: {  	_ =	task.clear_ibuf [dreg:s7], $0x2FFFF;
	_ =	strace $0x9FFFFFFF  }
0xc8: {  	(tm) =	ssettm $0x7FFFFFFF  }
0xc9: {  	_ =	shalt  }
tec
execute0_lowered:
.L_overlay_start_1:
0x0: {  	(tag) =	ssettag $0x1  }
0x1: {  	s2 =	rddreg [dreg:$0x0]  }
0x2: {  	s5 =	rddreg [dreg:$0x1]  }
0x3: {  	s0 =	stileid.u32;
	s4 =	srdreg.scid  }
0x4: {  	s1 =	rddreg [dreg:$0x2];
	s9 =	simm.s32 $0xB;
	s10 =	simm.s32 $0x80  }
0x5: {  	s12 =	simm.s32 $0x2800;
	s11 =	simm.s32 $0x1;
	s13 =	simm.s32 $0x6800  }
0x6: {  	s14 =	simm.s32 $0xA800;
	s15 =	simm.s32 $0xE800;
	s16 =	simm.s32 $0x6  }
0x7: {  	s17 =	simm.s32 $0x7;
	s18 =	simm.s32 $0x8;
	s19 =	simm.s32 $0x9  }
0x8: {  	s20 =	simm.s32 $0xA;
	s6 =	sand.u32 $0x1, s4;
	s4 =	simm.s32 $0x0  }
0x9: {  	s21 =	simm.s32 $0x0;
	s3 =	smul.u32 $0x2800, s0;
	[smem:$0x7FF] =	sst s4  }
0xa: {  	p0 =	seq.s32 s6, $0x0;
	_ =	strace $0x8000004A;
	[dreg:$0x3] =	wrdreg s10  }
0xb: {  	s6 =	ssub.s32 $0x2, s6;
	s7 =	sadd.s32 $0x28000, s3;
	[dreg:$0x4] =	wrdreg s12  }
0xc: {  	s8 =	sshrl.u32 s6, $0x1;
	s10 =	simm.s32 $0x12800;
	[dreg:$0x5] =	wrdreg s13  }
0xd: {  	s12 =	simm.s32 $0x2;
	s13 =	simm.s32 $0x3;
	[dreg:$0x6] =	wrdreg s14  }
0xe: {  	s14 =	simm.s32 $0x4;
	[dreg:$0x7] =	wrdreg s15;
	s3 =	smov.u32 @p0 s7  }
0xf: {  	s15 =	simm.s32 $0x5;
	s8 =	ssub.s32 s6, s8;
	s7 =	sshrl.u32 s3, $0x3  }
0x10: {  	s31 =	sshll.u32 s3, $0x4;
	s7 =	sadd.s32 s7, s5;
	s5 =	sadd.s32 $0x12400, s5  }
0x11: {  	s6 =	sadd.s32 $0x8400, s7;
	s7 =	smax.u32 s8, $0x1;
	s8 =	sadd.s32 s31, s5  }
.LBB2_1:
0x12: {  	[tilespmem:s4], [sflag:$0xB] =	stream.linear.gather [hbm4b:s6+s4], $0x2800, $0x38;
	[tilespmem:$0x16800] =	vst v63  }
0x13: {  	_ =	swait.ge [sflag:s9], $0x2800  }
0x14: {  	p0 =	por $0x0, $0x0;
	[sflag:s9] =	ssyncset.done $0x0  }
0x15: {  	s22 =	simm.s32 @p0 $0x6;
	[sflag:s9] =	ssyncadd.s32 $0xFFFFD800  }
0x16: {  	_ =	swait.ge @p0 [sflag:s22], $0x4000  }
0x17: {  	s23 =	simm.s32 @p0 $0x7;
	[sflag:s22] =	ssyncset.done @p0 $0x0  }
0x18: {  	s24 =	simm.s32 @p0 $0x2800;
	[sflag:s22] =	ssyncadd.s32 @p0 $0xFFFFC000;
	s22 =	simm.s32 @p0 $0x80  }
0x19: {  	[tilespmem:s24], [sflag:$0x1] =	stream.indirect.gather @p0 [hbm4b:s2+s22], $0x80, s4, s22, $0xb8;
	[tilespmem:$0x16800] =	vst v63  }
0x1a: {  	_ =	swait.ge @p0 [sflag:s23], $0x4000  }
0x1b: {  	s25 =	simm.s32 @p0 $0x6800;
	[sflag:s23] =	ssyncset.done @p0 $0x0  }
0x1c: {  	s24 =	simm.s32 @p0 $0x8;
	[sflag:s23] =	ssyncadd.s32 @p0 $0xFFFFC000;
	s23 =	simm.s32 @p0 $0x80  }
0x1d: {  	[tilespmem:s25], [sflag:$0x2] =	stream.indirect.gather @p0 [hbm4b:s2+s22], $0x80, s23, s22, $0xb8;
	[tilespmem:$0x16800] =	vst v63  }
0x1e: {  	_ =	swait.ge @p0 [sflag:s24], $0x4000  }
0x1f: {  	s23 =	simm.s32 @p0 $0x9;
	[sflag:s24] =	ssyncset.done @p0 $0x0  }
0x20: {  	s25 =	simm.s32 @p0 $0xA800;
	[sflag:s24] =	ssyncadd.s32 @p0 $0xFFFFC000;
	s24 =	simm.s32 @p0 $0x100  }
0x21: {  	[tilespmem:s25], [sflag:$0x3] =	stream.indirect.gather @p0 [hbm4b:s2+s22], $0x80, s24, s22, $0xb8;
	[tilespmem:$0x16800] =	vst v63  }
0x22: {  	_ =	swait.ge @p0 [sflag:s23], $0x4000  }
0x23: {  	s24 =	simm.s32 @p0 $0xA;
	[sflag:s23] =	ssyncset.done @p0 $0x0  }
0x24: {  	s25 =	simm.s32 @p0 $0xE800;
	[sflag:s23] =	ssyncadd.s32 @p0 $0xFFFFC000;
	s23 =	simm.s32 @p0 $0x180  }
0x25: {  	[tilespmem:s25], [sflag:$0x4] =	stream.indirect.gather @p0 [hbm4b:s2+s22], $0x80, s23, s22, $0xb8;
	[tilespmem:$0x16800] =	vst v63  }
0x26: {  	_ =	swait.ge @p0 [sflag:s24], $0x4000  }
0x27: {  	[sflag:s24] =	ssyncset.done @p0 $0x0  }
0x28: {  	s22 =	simm.s32 @!p0 $0x80;
	s23 =	simm.s32 @!p0 $0x2800;
	[sflag:s24] =	ssyncadd.s32 @p0 $0xFFFFC000  }
0x29: {  	[tilespmem:s23], [sflag:$0x1] =	stream.indirect.gather @!p0 [hbm4b:s2+s22], $0x80, s4, s22, $0xb8;
	[tilespmem:$0x16800] =	vst v63  }
0x2a: {  	s23 =	simm.s32 @!p0 $0x6800  }
0x2b: {  	[tilespmem:s23], [sflag:$0x2] =	stream.indirect.gather @!p0 [hbm4b:s2+s22], $0x80, s22, s22, $0xb8;
	[tilespmem:$0x16800] =	vst v63  }
0x2c: {  	s25 =	simm.s32 @!p0 $0xA800;
	s23 =	simm.s32 @!p0 $0x100  }
0x2d: {  	[tilespmem:s25], [sflag:$0x3] =	stream.indirect.gather @!p0 [hbm4b:s2+s22], $0x80, s23, s22, $0xb8;
	[tilespmem:$0x16800] =	vst v63  }
0x2e: {  	s24 =	simm.s32 $0x200;
	s23 =	simm.s32 @!p0 $0x180;
	s25 =	simm.s32 @!p0 $0xE800  }
0x2f: {  	[tilespmem:s25], [sflag:$0x4] =	stream.indirect.gather @!p0 [hbm4b:s2+s22], $0x80, s23, s22, $0xb8;
	[tilespmem:$0x16800] =	vst v63  }
0x30: {  	s26 =	rddreg [dreg:$0x3];
	s24 =	simm.s32 @!p0 $0x200;
	s23 =	simm.s32 @p0 $0x80  }
0x31: {  	[tilespmem:s10], [sflag:$0x5] =	stream.indirect.gather [hbm4b:s2+s26], $0x80, s24, s26, $0xb8;
	[tilespmem:$0x16800] =	vst v63  }
0x32: {  	s23 =	simm.s32 @!p0 $0x80;
	_ =	swait.ge [sflag:s11], $0x4000  }
0x33: {  	s25 =	sadd.s32 s3, s23;
	[sflag:s11] =	ssyncset.done $0x0  }
0x34: {  	s23 =	sadd.s32 $0x2800, s8;
	s31 =	rddreg [dreg:$0x4];
	[sflag:s11] =	ssyncadd.s32 $0xFFFFC000  }
0x35: {  	[hbm4b:s8+s4] =	stream.linear.scatter [tilespmem:s31], [sflag:$0x6], $0x4000, $0x38;
	[tilespmem:$0x16800] =	vst v63  }
0x36: {  	s22 =	sshll.u32 s25, $0x4;
	s25 =	simm.s32 @p0 $0x100;
	_ =	swait.ge [sflag:s12], $0x4000  }
0x37: {  	s22 =	sadd.s32 s5, s22;
	s25 =	simm.s32 @!p0 $0x100;
	[sflag:s12] =	ssyncset.done $0x0  }
0x38: {  	s29 =	sadd.s32 s3, s25;
	s26 =	rddreg [dreg:$0x5];
	[sflag:s12] =	ssyncadd.s32 $0xFFFFC000  }
0x39: {  	[hbm4b:s22+s4] =	stream.linear.scatter [tilespmem:s26], [sflag:$0x7], $0x4000, $0x38;
	[tilespmem:$0x16800] =	vst v63  }
0x3a: {  	s24 =	sadd.s32 s3, s24;
	s22 =	sshll.u32 s29, $0x4;
	_ =	swait.ge [sflag:s13], $0x4000  }
0x3b: {  	s26 =	simm.s32 @p0 $0x180;
	s22 =	sadd.s32 s5, s22;
	[sflag:s13] =	ssyncset.done $0x0  }
0x3c: {  	s26 =	simm.s32 @!p0 $0x180;
	s30 =	rddreg [dreg:$0x6];
	[sflag:s13] =	ssyncadd.s32 $0xFFFFC000  }
0x3d: {  	[hbm4b:s22+s4] =	stream.linear.scatter [tilespmem:s30], [sflag:$0x8], $0x4000, $0x38;
	[tilespmem:$0x16800] =	vst v63  }
0x3e: {  	s25 =	simm.s32 $0x700;
	s26 =	sadd.s32 s3, s26;
	_ =	swait.ge [sflag:s14], $0x4000  }
0x3f: {  	s31 =	sshll.u32 s24, $0x4;
	s26 =	sshll.u32 s26, $0x4;
	[sflag:s14] =	ssyncset.done $0x0  }
0x40: {  	s26 =	sadd.s32 s5, s26;
	s28 =	rddreg [dreg:$0x7];
	[sflag:s14] =	ssyncadd.s32 $0xFFFFC000  }
0x41: {  	[hbm4b:s26+s4] =	stream.linear.scatter [tilespmem:s28], [sflag:$0x9], $0x4000, $0x38;
	[tilespmem:$0x16800] =	vst v63  }
0x42: {  	s24 =	simm.s32 $0x280;
	p0 =	por $0x1, $0x1;
	_ =	swait.ge [sflag:s15], $0x4000  }
0x43: {  	s22 =	simm.s32 $0x480;
	s28 =	sadd.s32 s5, s31;
	[sflag:s15] =	ssyncset.done $0x0  }
.LBB2_2:
0x44: {  	s29 =	simm.s32 @p0 $0x6;
	[sflag:s15] =	ssyncadd.s32 $0xFFFFC000  }
0x45: {  	[hbm4b:s28+s4] =	stream.linear.scatter [tilespmem:s10], [sflag:$0xA], $0x4000, $0x38;
	[tilespmem:$0x16800] =	vst v63  }
0x46: {  	_ =	swait.ge @p0 [sflag:s29], $0x4000  }
0x47: {  	s30 =	simm.s32 @p0 $0x2800;
	[sflag:s29] =	ssyncset.done @p0 $0x0  }
0x48: {  	s28 =	simm.s32 @p0 $0x7;
	[sflag:s29] =	ssyncadd.s32 @p0 $0xFFFFC000;
	s29 =	simm.s32 @p0 $0x80  }
0x49: {  	[tilespmem:s30], [sflag:$0x1] =	stream.indirect.gather @p0 [hbm4b:s2+s29], $0x80, s24, s29, $0xb8;
	[tilespmem:$0x16800] =	vst v63  }
0x4a: {  	_ =	swait.ge @p0 [sflag:s28], $0x4000  }
0x4b: {  	s31 =	simm.s32 @p0 $0x6800;
	[sflag:s28] =	ssyncset.done @p0 $0x0  }
0x4c: {  	s30 =	simm.s32 @p0 $0x8;
	[sflag:s28] =	ssyncadd.s32 @p0 $0xFFFFC000;
	s28 =	sadd.s32 @p0 $0x80, s24  }
0x4d: {  	[tilespmem:s31], [sflag:$0x2] =	stream.indirect.gather @p0 [hbm4b:s2+s29], $0x80, s28, s29, $0xb8;
	[tilespmem:$0x16800] =	vst v63  }
0x4e: {  	_ =	swait.ge @p0 [sflag:s30], $0x4000  }
0x4f: {  	s28 =	simm.s32 @p0 $0x9;
	[sflag:s30] =	ssyncset.done @p0 $0x0  }
0x50: {  	s31 =	simm.s32 @p0 $0xA800;
	[sflag:s30] =	ssyncadd.s32 @p0 $0xFFFFC000;
	s30 =	sadd.s32 @p0 $0x100, s24  }
0x51: {  	[tilespmem:s31], [sflag:$0x3] =	stream.indirect.gather @p0 [hbm4b:s2+s29], $0x80, s30, s29, $0xb8;
	[tilespmem:$0x16800] =	vst v63  }
0x52: {  	_ =	swait.ge @p0 [sflag:s28], $0x4000  }
0x53: {  	s30 =	simm.s32 @p0 $0xA;
	[sflag:s28] =	ssyncset.done @p0 $0x0  }
0x54: {  	s31 =	simm.s32 @p0 $0xE800;
	[sflag:s28] =	ssyncadd.s32 @p0 $0xFFFFC000;
	s28 =	sadd.s32 @p0 $0x180, s24  }
0x55: {  	[tilespmem:s31], [sflag:$0x4] =	stream.indirect.gather @p0 [hbm4b:s2+s29], $0x80, s28, s29, $0xb8;
	[tilespmem:$0x16800] =	vst v63  }
0x56: {  	_ =	swait.ge @p0 [sflag:s30], $0x4000  }
0x57: {  	[sflag:s30] =	ssyncset.done @p0 $0x0  }
0x58: {  	s28 =	simm.s32 @!p0 $0x80;
	s29 =	simm.s32 @!p0 $0x2800;
	[sflag:s30] =	ssyncadd.s32 @p0 $0xFFFFC000  }
0x59: {  	[tilespmem:s29], [sflag:$0x1] =	stream.indirect.gather @!p0 [hbm4b:s2+s28], $0x80, s24, s28, $0xb8;
	[tilespmem:$0x16800] =	vst v63  }
0x5a: {  	s29 =	simm.s32 @!p0 $0x6800  }
0x5b: {  	[tilespmem:s29], [sflag:$0x2] =	stream.indirect.gather @!p0 [hbm4b:s2+s28], $0x80, s28, s28, $0xb8;
	[tilespmem:$0x16800] =	vst v63  }
0x5c: {  	s30 =	simm.s32 @!p0 $0xA800;
	s29 =	simm.s32 @!p0 $0x100  }
0x5d: {  	[tilespmem:s30], [sflag:$0x3] =	stream.indirect.gather @!p0 [hbm4b:s2+s28], $0x80, s29, s28, $0xb8;
	[tilespmem:$0x16800] =	vst v63  }
0x5e: {  	s29 =	simm.s32 @!p0 $0x180;
	s30 =	simm.s32 @!p0 $0xE800  }
0x5f: {  	[tilespmem:s30], [sflag:$0x4] =	stream.indirect.gather @!p0 [hbm4b:s2+s28], $0x80, s29, s28, $0xb8;
	[tilespmem:$0x16800] =	vst v63  }
0x60: {  	s28 =	smov.u32 s22  }
0x61: {  	s31 =	rddreg [dreg:$0x3];
	s28 =	simm.s32 @!p0 $0x200  }
0x62: {  	[tilespmem:s10], [sflag:$0x5] =	stream.indirect.gather [hbm4b:s2+s31], $0x80, s28, s31, $0xb8;
	[tilespmem:$0x16800] =	vst v63  }
0x63: {  	s26 =	smov.u32 s25;
	_ =	swait.ge [sflag:s11], $0x4000  }
0x64: {  	s25 =	sadd.s32 $0x280, s25;
	s30 =	sadd.s32 @p0 $0xFFFFFE80, s22;
	[sflag:s11] =	ssyncset.done $0x0  }
0x65: {  	s30 =	simm.s32 @!p0 $0x80;
	s31 =	rddreg [dreg:$0x4];
	[sflag:s11] =	ssyncadd.s32 $0xFFFFC000  }
0x66: {  	[hbm4b:s23+s4] =	stream.linear.scatter [tilespmem:s31], [sflag:$0x6], $0x4000, $0x38;
	[tilespmem:$0x16800] =	vst v63  }
0x67: {  	p1 =	sne.s32 s25, $0x2A00;
	s24 =	sadd.s32 $0x280, s24;
	s31 =	sadd.s32 s3, s30  }
0x68: {  	_ =	swait.ge [sflag:s12], $0x4000;
	s29 =	sshll.u32 s31, $0x4;
	s31 =	sadd.s32 @p0 $0xFFFFFF00, s22  }
0x69: {  	s30 =	rddreg [dreg:$0x5];
	[sflag:s12] =	ssyncset.done $0x0;
	s31 =	simm.s32 @!p0 $0x100  }
0x6a: {  	s29 =	sadd.s32 s5, s29;
	[sflag:s12] =	ssyncadd.s32 $0xFFFFC000;
	s31 =	sadd.s32 s3, s31  }
0x6b: {  	[hbm4b:s29+s4] =	stream.linear.scatter [tilespmem:s30], [sflag:$0x7], $0x4000, $0x38;
	[tilespmem:$0x16800] =	vst v63  }
0x6c: {  	s28 =	sadd.s32 s3, s28;
	s29 =	sshll.u32 s31, $0x4;
	_ =	swait.ge [sflag:s13], $0x4000  }
0x6d: {  	s31 =	sadd.s32 @p0 $0xFFFFFF80, s22;
	s29 =	sadd.s32 s5, s29;
	[sflag:s13] =	ssyncset.done $0x0  }
0x6e: {  	s31 =	simm.s32 @!p0 $0x180;
	s30 =	rddreg [dreg:$0x6];
	[sflag:s13] =	ssyncadd.s32 $0xFFFFC000  }
0x6f: {  	[hbm4b:s29+s4] =	stream.linear.scatter [tilespmem:s30], [sflag:$0x8], $0x4000, $0x38;
	[tilespmem:$0x16800] =	vst v63  }
0x70: {  	s22 =	smov.u32 s26;
	s31 =	sadd.s32 s3, s31;
	_ =	swait.ge [sflag:s14], $0x4000  }
.Ltmp0:
0x71: {  	s26 =	sshll.u32 s31, $0x4;
	[sflag:s14] =	ssyncset.done $0x0;
	(pc) =	sbr.rel @p1 .LBB2_2-.Ltmp0, $4  }
0x72: {  	s26 =	sadd.s32 s5, s26;
	s30 =	rddreg [dreg:$0x7];
	[sflag:s14] =	ssyncadd.s32 $0xFFFFC000  }
0x73: {  	[hbm4b:s26+s4] =	stream.linear.scatter [tilespmem:s30], [sflag:$0x9], $0x4000, $0x38;
	[tilespmem:$0x16800] =	vst v63  }
0x74: {  	s23 =	sadd.s32 $0x2800, s23;
	s31 =	sshll.u32 s28, $0x4;
	_ =	swait.ge [sflag:s15], $0x4000  }
0x75: {  	p0 =	sne.s32 s22, $0x200;
	s28 =	sadd.s32 s5, s31;
	[sflag:s15] =	ssyncset.done $0x0  }
0x76: {  	s25 =	simm.s32 @p0 $0x6;
	[sflag:s15] =	ssyncadd.s32 $0xFFFFC000  }
0x77: {  	[hbm4b:s28+s4] =	stream.linear.scatter [tilespmem:s10], [sflag:$0xA], $0x4000, $0x38;
	[tilespmem:$0x16800] =	vst v63  }
0x78: {  	_ =	swait.ge @p0 [sflag:s25], $0x4000  }
0x79: {  	s26 =	simm.s32 @p0 $0x7;
	[sflag:s25] =	ssyncset.done @p0 $0x0  }
0x7a: {  	s28 =	simm.s32 @p0 $0x2800;
	[sflag:s25] =	ssyncadd.s32 @p0 $0xFFFFC000;
	s25 =	simm.s32 @p0 $0x80  }
0x7b: {  	[tilespmem:s28], [sflag:$0x1] =	stream.indirect.gather @p0 [hbm4b:s2+s25], $0x80, s24, s25, $0xb8;
	[tilespmem:$0x16800] =	vst v63  }
0x7c: {  	_ =	swait.ge @p0 [sflag:s26], $0x4000  }
0x7d: {  	s29 =	simm.s32 @p0 $0x6800;
	[sflag:s26] =	ssyncset.done @p0 $0x0  }
0x7e: {  	s28 =	simm.s32 @p0 $0x8;
	[sflag:s26] =	ssyncadd.s32 @p0 $0xFFFFC000;
	s26 =	sadd.s32 @p0 $0x80, s24  }
0x7f: {  	[tilespmem:s29], [sflag:$0x2] =	stream.indirect.gather @p0 [hbm4b:s2+s25], $0x80, s26, s25, $0xb8;
	[tilespmem:$0x16800] =	vst v63  }
0x80: {  	_ =	swait.ge @p0 [sflag:s28], $0x4000  }
0x81: {  	s26 =	simm.s32 @p0 $0x9;
	[sflag:s28] =	ssyncset.done @p0 $0x0  }
0x82: {  	s29 =	simm.s32 @p0 $0xA800;
	[sflag:s28] =	ssyncadd.s32 @p0 $0xFFFFC000;
	s28 =	sadd.s32 @p0 $0x100, s24  }
0x83: {  	[tilespmem:s29], [sflag:$0x3] =	stream.indirect.gather @p0 [hbm4b:s2+s25], $0x80, s28, s25, $0xb8;
	[tilespmem:$0x16800] =	vst v63  }
0x84: {  	_ =	swait.ge @p0 [sflag:s26], $0x4000  }
0x85: {  	s28 =	simm.s32 @p0 $0xA;
	[sflag:s26] =	ssyncset.done @p0 $0x0  }
0x86: {  	s29 =	simm.s32 @p0 $0xE800;
	[sflag:s26] =	ssyncadd.s32 @p0 $0xFFFFC000;
	s26 =	sadd.s32 @p0 $0x180, s24  }
0x87: {  	[tilespmem:s29], [sflag:$0x4] =	stream.indirect.gather @p0 [hbm4b:s2+s25], $0x80, s26, s25, $0xb8;
	[tilespmem:$0x16800] =	vst v63  }
0x88: {  	_ =	swait.ge @p0 [sflag:s28], $0x4000  }
0x89: {  	[sflag:s28] =	ssyncset.done @p0 $0x0  }
0x8a: {  	s25 =	simm.s32 @!p0 $0x80;
	s26 =	simm.s32 @!p0 $0x2800;
	[sflag:s28] =	ssyncadd.s32 @p0 $0xFFFFC000  }
0x8b: {  	[tilespmem:s26], [sflag:$0x1] =	stream.indirect.gather @!p0 [hbm4b:s2+s25], $0x80, s24, s25, $0xb8;
	[tilespmem:$0x16800] =	vst v63  }
0x8c: {  	s24 =	simm.s32 @!p0 $0x6800  }
0x8d: {  	[tilespmem:s24], [sflag:$0x2] =	stream.indirect.gather @!p0 [hbm4b:s2+s25], $0x80, s25, s25, $0xb8;
	[tilespmem:$0x16800] =	vst v63  }
0x8e: {  	s26 =	simm.s32 @!p0 $0xA800;
	s24 =	simm.s32 @!p0 $0x100  }
0x8f: {  	[tilespmem:s26], [sflag:$0x3] =	stream.indirect.gather @!p0 [hbm4b:s2+s25], $0x80, s24, s25, $0xb8;
	[tilespmem:$0x16800] =	vst v63  }
0x90: {  	s24 =	simm.s32 @!p0 $0x180;
	s26 =	simm.s32 @!p0 $0xE800  }
0x91: {  	[tilespmem:s26], [sflag:$0x4] =	stream.indirect.gather @!p0 [hbm4b:s2+s25], $0x80, s24, s25, $0xb8;
	[tilespmem:$0x16800] =	vst v63  }
0x92: {  	s24 =	smov.u32 s22  }
0x93: {  	s31 =	rddreg [dreg:$0x3];
	s24 =	simm.s32 @!p0 $0x200  }
0x94: {  	[tilespmem:s10], [sflag:$0x5] =	stream.indirect.gather [hbm4b:s2+s31], $0x80, s24, s31, $0xb8;
	[tilespmem:$0x16800] =	vst v63  }
0x95: {  	_ =	swait.ge [sflag:s11], $0x4000  }
0x96: {  	s26 =	sadd.s32 @p0 $0xFFFFFE80, s22;
	[sflag:s11] =	ssyncset.done $0x0  }
0x97: {  	s26 =	simm.s32 @!p0 $0x80;
	s29 =	rddreg [dreg:$0x4];
	[sflag:s11] =	ssyncadd.s32 $0xFFFFC000  }
0x98: {  	[hbm4b:s23+s4] =	stream.linear.scatter [tilespmem:s29], [sflag:$0x6], $0x4000, $0x38;
	[tilespmem:$0x16800] =	vst v63  }
0x99: {  	s30 =	sadd.s32 s3, s26;
	s26 =	sadd.s32 @p0 $0xFFFFFF00, s22;
	_ =	swait.ge [sflag:s12], $0x4000  }
0x9a: {  	s26 =	simm.s32 @!p0 $0x100;
	s23 =	sshll.u32 s30, $0x4;
	[sflag:s12] =	ssyncset.done $0x0  }
0x9b: {  	s23 =	sadd.s32 s5, s23;
	s31 =	rddreg [dreg:$0x5];
	[sflag:s12] =	ssyncadd.s32 $0xFFFFC000  }
0x9c: {  	[hbm4b:s23+s4] =	stream.linear.scatter [tilespmem:s31], [sflag:$0x7], $0x4000, $0x38;
	[tilespmem:$0x16800] =	vst v63  }
0x9d: {  	s22 =	sadd.s32 @p0 $0xFFFFFF80, s22;
	s28 =	sadd.s32 s3, s26;
	_ =	swait.ge [sflag:s13], $0x4000  }
0x9e: {  	s22 =	simm.s32 @!p0 $0x180;
	s23 =	sshll.u32 s28, $0x4;
	[sflag:s13] =	ssyncset.done $0x0  }
0x9f: {  	s23 =	sadd.s32 s5, s23;
	s29 =	rddreg [dreg:$0x6];
	[sflag:s13] =	ssyncadd.s32 $0xFFFFC000  }
0xa0: {  	[hbm4b:s23+s4] =	stream.linear.scatter [tilespmem:s29], [sflag:$0x8], $0x4000, $0x38;
	[tilespmem:$0x16800] =	vst v63  }
0xa1: {  	s22 =	sadd.s32 s3, s22;
	_ =	swait.ge [sflag:s14], $0x4000  }
0xa2: {  	s22 =	sshll.u32 s22, $0x4;
	[sflag:s14] =	ssyncset.done $0x0  }
0xa3: {  	s22 =	sadd.s32 s5, s22;
	s30 =	rddreg [dreg:$0x7];
	[sflag:s14] =	ssyncadd.s32 $0xFFFFC000  }
0xa4: {  	[hbm4b:s22+s4] =	stream.linear.scatter [tilespmem:s30], [sflag:$0x9], $0x4000, $0x38;
	[tilespmem:$0x16800] =	vst v63  }
0xa5: {  	s31 =	sadd.s32 s3, s24;
	_ =	swait.ge [sflag:s15], $0x4000  }
0xa6: {  	s22 =	sshll.u32 s31, $0x4;
	[sflag:s15] =	ssyncset.done $0x0  }
0xa7: {  	s22 =	sadd.s32 s5, s22;
	[sflag:s15] =	ssyncadd.s32 $0xFFFFC000  }
0xa8: {  	[hbm4b:s22+s4] =	stream.linear.scatter [tilespmem:s10], [sflag:$0xA], $0x4000, $0x38;
	[tilespmem:$0x16800] =	vst v63  }
0xa9: {  	_ =	swait.ge [sflag:s16], $0x4000  }
0xaa: {  	[sflag:s16] =	ssyncset.done $0x0  }
0xab: {  	[sflag:s16] =	ssyncadd.s32 $0xFFFFC000  }
0xac: {  	_ =	swait.ge [sflag:s17], $0x4000  }
0xad: {  	[sflag:s17] =	ssyncset.done $0x0  }
0xae: {  	[sflag:s17] =	ssyncadd.s32 $0xFFFFC000  }
0xaf: {  	_ =	swait.ge [sflag:s18], $0x4000  }
0xb0: {  	[sflag:s18] =	ssyncset.done $0x0  }
0xb1: {  	s21 =	sadd.s32 $0x1, s21;
	[sflag:s18] =	ssyncadd.s32 $0xFFFFC000  }
0xb2: {  	p0 =	sne.s32 s21, s7;
	_ =	swait.ge [sflag:s19], $0x4000  }
.Ltmp1:
0xb3: {  	[sflag:s19] =	ssyncset.done $0x0;
	(pc) =	sbr.rel @p0 .LBB2_1-.Ltmp1, $4  }
0xb4: {  	[sflag:s19] =	ssyncadd.s32 $0xFFFFC000  }
0xb5: {  	_ =	swait.ge [sflag:s20], $0x4000  }
0xb6: {  	[sflag:s20] =	ssyncset.done $0x0  }
0xb7: {  	[sflag:s20] =	ssyncadd.s32 $0xFFFFC000  }
0xb8: {  	_ =	sfence.sel $0x180000  }
0xb9: {  	[bflag:$0x0] =	sbarrier.arrive $0xFFFF  }
0xba: {  	p0 =	sne.s32 s0, $0x0;
	_ =	strace $0x9000004A  }
0xbb: {  	s0 =	sadd.s32 @!p0 $0x100000, s1;
	[bflag:$0x2] =	sbarrier.arrive $0xFFFF  }
0xbc: {  	[sflag:s0] =	ssyncadd.tile.s32 @!p0 $0x1;
	_ =	shalt  }
.Lfunc_end2:
_tile_overlayer_lowered:
.L_overlay_start_2:
0xbd: {  	(tag) =	ssettag $0x2  }
0xbe: {  	s0 =	rddreg [dreg:$0x0];
	s2 =	stileid.u32  }
0xbf: {  	s1 =	rddreg [dreg:$0x1];
	p0 =	sne.s32 s2, $0x0  }
0xc0: {  	s3 =	rddreg [dreg:$0x2];
	[bflag:$0x3] =	sbarrier.arrive $0xFFFF;
	s2 =	simm.s32 @!p0 $0x1C0B  }
0xc1: {  	[timem:s3], [sflag:s2] =	dma.local @!p0 [hbm:s0], s1  }
0xc2: {  	s0 =	simm.s32 @!p0 $0xB  }
0xc3: {  	_ =	swait.ge @!p0 [sflag:s0], s1  }
0xc4: {  	s1 =	ssub.s32 @!p0 $0x0, s1;
	[sflag:s0] =	ssyncset.done @!p0 $0x0  }
0xc5: {  	[sflag:s0] =	ssyncadd.s32 @!p0 s1  }
0xc6: {  	[bflag:$0x3] =	sbarrier.arrive $0xFFFF  }
0xc7: {  	_ =	shalt  }

// kernel: kernel.7.cloned.1.call-start
scs
__scs_entry_jumppad:
0x0: {  	(pc) =	sbr.rel $0x88, $3  }
0x1: {  	(tag) =	ssettag $0x0;
	lr =	simm.s32 $0x1  }
0x2: {  	[smem:$0x3F83] =	sst lr;
	_ =	strace $0xD0000000  }
0x3: {  	_ = 	snop  }
0x4: {  	_ = 	snop  }
0x5: {  	_ = 	snop  }
0x6: {  	_ = 	snop  }
0x7: {  	_ = 	snop  }
__scs_overlays_trampoline_lowered:
0x8: {  	[smem:$0x3F92] =	sst s0  }
0x9: {  	[smem:$0x3F93] =	sst s1  }
0xa: {  	[smem:$0x3F94] =	sst s2  }
0xb: {  	[smem:$0x3F95] =	sst s3  }
0xc: {  	[smem:$0x3F96] =	sst s4  }
0xd: {  	[smem:$0x3F97] =	sst s5  }
0xe: {  	[smem:$0x3F98] =	sst s6  }
0xf: {  	[smem:$0x3F99] =	sst s7  }
0x10: {  	[smem:$0x3F9A] =	sst s8  }
0x11: {  	[smem:$0x3F9B] =	sst s9;
	s0 =	simm.s32 @!p0 $0x0  }
0x12: {  	s1 =	sld [smem:$0x3F81];
	s0 =	simm.s32 @p0 $0x1  }
0x13: {  	[smem:$0x3F9C] =	sst s0;
	s0 =	simm.s32 @!p1 $0x0  }
0x14: {  	s2 =	sld [smem:$0x3F80];
	s0 =	simm.s32 @p1 $0x1  }
0x15: {  	[smem:$0x3F9D] =	sst s0;
	s0 =	simm.s32 @!p2 $0x0  }
0x16: {  	s3 =	sld [smem:$0x3FDB];
	s0 =	simm.s32 @p2 $0x1  }
0x17: {  	s4 =	simm.s32 $0x1BF5;
	[smem:$0x3F9F] =	sst s0  }
0x18: {  	s0 =	sld [smem:$0x3F82];
	_ =	swait.ge [sflag:s4], $0x0  }
0x19: {  	s7 =	sld [smem:$0x3F83]  }
0x1a: {  	s8 =	sadd.s32 $0xFFFFE003, lr  }
0x1b: {  	s9 =	sadd.s32 $0xFFFFFEF7, lr;
	s5 =	simm.s32 $0xFFFFFFFF;
	p2 =	slt.u32 s8, $0xFFFFF086  }
0x1c: {  	p1 =	slt.u32 s9, $0xF7A;
	s5 =	simm.s32 @!p2 $0x0  }
0x1d: {  	s5 =	simm.s32 @p1 $0x1;
	p0 =	seq.s32 s7, s2  }
0x1e: {  	s7 =	smul.u32 @!p0 $0xF7A, s2;
	p2 =	seq.s32 @!p0 s5, $0x0  }
0x1f: {  	s9 =	smul.u32 $0xF7A, s1;
	s8 =	simm.s32 @!p0 $0x1BF5;
	p2 =	por !p2, p0  }
0x20: {  	[sflag:s8] =	ssyncset.s32 @!p0 $0xFFFFF086;
	s6 =	sadd.s32 @!p0 s3, s7;
	s7 =	simm.s32 @!p0 $0x108  }
0x21: {  	s3 =	sadd.s32 s3, s9;
	s6 =	sadd.s32 @!p0 $0x88, s6;
	s7 =	simm.s32 @p2 $0x1082  }
0x22: {  	[simem:s7], [sflag:s8] =	dma.local @!p0 [hbm:s6], $0xF7A  }
0x23: {  	s9 =	sor.u32 $0xD0000000, s2;
	s6 =	simm.s32 $0x108;
	_ =	swait.ge @!p0 [sflag:s8], $0x0  }
0x24: {  	s3 =	sadd.s32 $0x88, s3;
	s6 =	simm.s32 @!p1 $0x1082;
	[sflag:s4] =	ssyncset.s32 $0xFFFFF086  }
0x25: {  	[simem:s6], [sflag:s4] =	dma.local [hbm:s3], $0xF7A  }
0x26: {  	[smem:$0x3F83] =	sst s1;
	(tag) =	ssettag s2;
	_ =	strace s9  }
0x27: {  	s1 =	sld [smem:$0x3F93]  }
0x28: {  	s2 =	sld [smem:$0x3F94]  }
0x29: {  	s4 =	sld [smem:$0x3F96]  }
0x2a: {  	p0 =	seq.s32 s5, $0x0;
	s5 =	sld [smem:$0x3F97]  }
0x2b: {  	s6 =	sld [smem:$0x3F98]  }
0x2c: {  	s7 =	sld [smem:$0x3F99]  }
0x2d: {  	s3 =	simm.s32 $0x108;
	s8 =	sld [smem:$0x3F9A]  }
0x2e: {  	s3 =	simm.s32 @!p0 $0x1082;
	s9 =	sld [smem:$0x3F9B]  }
0x2f: {  	lr =	sadd.s32 s0, s3;
	s0 =	sld [smem:$0x3F92]  }
0x30: {  	s3 =	sld [smem:$0x3F95]  }
0x31: {  	[smem:$0x3F9E] =	sst s10  }
0x32: {  	s10 =	sld [smem:$0x3F9C];
	_ =	sdelay $0x3  }
0x33: {  	p0 =	seq.s32 s10, $0x1;
	s10 =	sld [smem:$0x3F9E];
	_ =	sdelay $0x3  }
0x34: {  	[smem:$0x3F9E] =	sst s10  }
0x35: {  	s10 =	sld [smem:$0x3F9D];
	_ =	sdelay $0x3  }
0x36: {  	p1 =	seq.s32 s10, $0x1;
	s10 =	sld [smem:$0x3F9E];
	_ =	sdelay $0x3  }
0x37: {  	[smem:$0x3F9E] =	sst s10  }
0x38: {  	s10 =	sld [smem:$0x3F9F]  }
0x39: {  	_ = 	snop;
	(pc) =	sbr.ind lr, $3  }
0x3a: {  	_ = 	snop  }
0x3b: {  	_ = 	snop  }
0x3c: {  	p2 =	seq.s32 s10, $0x1;
	s10 =	sld [smem:$0x3F9E]  }
0x3d: {  	_ =	shalt  }
0x3e: {  	_ =	shalt  }
0x3f: {  	_ =	shalt  }
0x40: {  	_ =	shalt  }
0x41: {  	_ =	shalt  }
0x42: {  	_ =	shalt  }
0x43: {  	_ =	shalt  }
0x44: {  	_ =	shalt  }
0x45: {  	_ =	shalt  }
0x46: {  	_ =	shalt  }
0x47: {  	_ =	shalt  }
0x48: {  	_ =	shalt  }
0x49: {  	_ =	shalt  }
0x4a: {  	_ =	shalt  }
0x4b: {  	_ =	shalt  }
0x4c: {  	_ =	shalt  }
0x4d: {  	_ =	shalt  }
0x4e: {  	_ =	shalt  }
0x4f: {  	_ =	shalt  }
0x50: {  	_ =	shalt  }
0x51: {  	_ =	shalt  }
0x52: {  	_ =	shalt  }
0x53: {  	_ =	shalt  }
0x54: {  	_ =	shalt  }
0x55: {  	_ =	shalt  }
0x56: {  	_ =	shalt  }
0x57: {  	_ =	shalt  }
0x58: {  	_ =	shalt  }
0x59: {  	_ =	shalt  }
0x5a: {  	_ =	shalt  }
0x5b: {  	_ =	shalt  }
0x5c: {  	_ =	shalt  }
0x5d: {  	_ =	shalt  }
0x5e: {  	_ =	shalt  }
0x5f: {  	_ =	shalt  }
0x60: {  	_ =	shalt  }
0x61: {  	_ =	shalt  }
0x62: {  	_ =	shalt  }
0x63: {  	_ =	shalt  }
0x64: {  	_ =	shalt  }
0x65: {  	_ =	shalt  }
0x66: {  	_ =	shalt  }
0x67: {  	_ =	shalt  }
0x68: {  	_ =	shalt  }
0x69: {  	_ =	shalt  }
0x6a: {  	_ =	shalt  }
0x6b: {  	_ =	shalt  }
0x6c: {  	_ =	shalt  }
0x6d: {  	_ =	shalt  }
0x6e: {  	_ =	shalt  }
0x6f: {  	_ =	shalt  }
0x70: {  	_ =	shalt  }
0x71: {  	_ =	shalt  }
0x72: {  	_ =	shalt  }
0x73: {  	_ =	shalt  }
0x74: {  	_ =	shalt  }
0x75: {  	_ =	shalt  }
0x76: {  	_ =	shalt  }
0x77: {  	_ =	shalt  }
0x78: {  	_ =	shalt  }
0x79: {  	_ =	shalt  }
0x7a: {  	_ =	shalt  }
0x7b: {  	_ =	shalt  }
0x7c: {  	_ =	shalt  }
0x7d: {  	_ =	shalt  }
0x7e: {  	_ =	shalt  }
0x7f: {  	_ =	shalt  }
0x80: {  	_ =	shalt  }
0x81: {  	_ =	shalt  }
0x82: {  	_ =	shalt  }
0x83: {  	_ =	shalt  }
0x84: {  	_ =	shalt  }
0x85: {  	_ =	shalt  }
0x86: {  	_ =	shalt  }
0x87: {  	_ =	shalt  }
.Lfunc_end0:
.L_simem_size_0:
called_computation_lowered:
.L_overlay_start_0:
0x88: {  	s2 =	sld [smem:$0x3FD9]  }
0x89: {  	s3 =	sld [smem:$0x3FFE];
	_ =	sdelay $0x1  }
0x8a: {  	s1 =	srdreg.scid  }
0x8b: {  	s0 =	sand.u32 $0x1, s1  }
0x8c: {  	s14 =	sshll.u32 s0, $0xA;
	s2 =	sadd.s32 s3, s2  }
0x8d: {  	s2 =	sadd.s32 s2, s14  }
0x8e: {  	[smem:$0x3FAA] =	sst s2  }
0x8f: {  	_ = 	snop  }
0x90: {  	s2 =	sld [smem:$0x3FD0];
	_ =	sdelay $0x2  }
0x91: {  	s15 =	simm.s32 $0xA;
	s4 =	simm.s32 $0x10  }
0x92: {  	[smem:s4], [sflag:s15] =	dma.local [hbm:s2], $0x1  }
0x93: {  	_ =	swait.eq [sflag:s15], $0x1  }
0x94: {  	[sflag:s15] =	ssyncset.done $0x0  }
0x95: {  	[sflag:s15] =	ssyncadd.s32 $0xFFFFFFFF  }
0x96: {  	s16 =	sld [smem:$0x10];
	(tm) =	ssettm $0x1  }
0x97: {  	s17 =	sld [smem:$0x3FFB];
	_ =	sdelay $0x3  }
0x98: {  	_ =	strace s17  }
0x99: {  	s3 =	sld [smem:$0x3FFC];
	_ =	sdelay $0x3  }
0x9a: {  	_ =	strace s3  }
0x9b: {  	s3 =	sld [smem:$0x3FFD];
	_ =	sdelay $0x3  }
0x9c: {  	_ =	strace s3  }
0x9d: {  	_ =	strace $0x8FFFFFFF  }
0x9e: {  	s18 =	sld [smem:$0x3FDB];
	_ =	sdelay $0x1  }
0x9f: {  	s19 =	simm.s32 $_scs_section_size  }
0xa0: {  	s5 =	simm.s32 $_size__tile_overlayer_lowered;
	s6 =	simm.s32 $_tile_overlayer_lowered  }
0xa1: {  	s22 =	simm.s32 $0x1BFF;
	s21 =	sshll.u32 s6, $0x1;
	s3 =	sadd.s32 s19, s18  }
0xa2: {  	s7 =	simm.s32 $0x0;
	s20 =	sshll.u32 s5, $0x1;
	s5 =	sadd.s32 s21, s3  }
0xa3: {  	[timem:s7], [sflag:s22] =	dma.local [hbm:s5], s20  }
0xa4: {  	_ =	swait.ge [sflag:s22], s20  }
0xa5: {  	s4 =	ssub.s32 $0x0, s20;
	[sflag:s22] =	ssyncset.done $0x0  }
0xa6: {  	[sflag:s22] =	ssyncadd.s32 s4;
	_ =	sdelay $0x1  }
0xa7: {  	s23 =	simm.s32 $0x1B8B  }
0xa8: {  	_ =	swait.ge [sflag:s23], $0x1  }
0xa9: {  	[sflag:s23] =	ssyncset.done $0x0  }
0xaa: {  	s25 =	simm.s32 $0x1B8E;
	s24 =	sld [smem:$0x3FFE];
	[sflag:s23] =	ssyncadd.s32 $0xFFFFFFFF  }
0xab: {  	s26 =	simm.s32 $execute0_lowered;
	[smem:$0x3FD2] =	sst s25  }
0xac: {  	s5 =	sshll.u32 s26, $0x1;
	_ =	strace $0x80000046;
	[dreg:$0x1] =	wrdreg $0xFFFFFFFF  }
0xad: {  	s28 =	simm.s32 $_size_execute0_lowered;
	s3 =	sadd.s32 s3, s5;
	[dreg:$0x0] =	wrdreg $0x0  }
0xae: {  	s5 =	sshll.u32 s28, $0x1;
	[dreg:$0x2] =	wrdreg s3  }
0xaf: {  	[dreg:$0x3] =	wrdreg s5  }
0xb0: {  	[dreg:$0x4] =	wrdreg $0xC0  }
0xb1: {  	_ =	task [dreg:s7], $0x5FFFF  }
0xb2: {  	[dreg:$0x1] =	wrdreg $0xFFFFFFFF  }
0xb3: {  	[dreg:$0x0] =	wrdreg $0x60  }
0xb4: {  	[dreg:$0x2] =	wrdreg s16  }
0xb5: {  	[dreg:$0x3] =	wrdreg s24  }
0xb6: {  	[dreg:$0x4] =	wrdreg $0x9  }
0xb7: {  	_ =	task.clear_ibuf [dreg:s7], $0x5FFFF;
	_ =	strace $0x90000046  }
0xb8: {  	s29 =	simm.s32 $0x9;
	_ =	strace $0x80000048  }
0xb9: {  	_ =	swait.ge [sflag:s29], $0x1  }
0xba: {  	[sflag:s29] =	ssyncadd.s32 $0xFFFFFFFF  }
0xbb: {  	_ =	strace $0x90000048  }
0xbc: {  	_ =	sfence  }
0xbd: {  	s30 =	sld [smem:$0x0];
	_ =	sdelay $0x2  }
0xbe: {  	s31 =	sshll.u32 s1, $0xD;
	s1 =	sshrl.u32 s1, $0x2  }
0xbf: {  	s3 =	sand.u32 $0x4000, s31;
	s1 =	sadd.s32 s1, s30  }
0xc0: {  	s0 =	sor.u32 s3, s0;
	s1 =	sshll.u32 s1, $0x11  }
0xc1: {  	s0 =	sor.u32 s1, s0  }
0xc2: {  	s0 =	sadd.s32 $0x8F2B, s0  }
0xc3: {  	[sflag:s0] =	ssyncadd.remote.s32 $0x1  }
0xc4: {  	_ =	sfence.sel $0xFFFF  }
0xc5: {  	[dreg:$0x0] =	wrdreg $0xFFFFFFFF;
	(pc) =	sbr.abs _section_cstart, $3  }
0xc6: {  	[dreg:$0x1] =	wrdreg $0xFFFFFFFF  }
0xc7: {  	_ =	task.clear_ibuf [dreg:s7], $0x2FFFF;
	_ =	strace $0x9FFFFFFF  }
0xc8: {  	(tm) =	ssettm $0x7FFFFFFF  }
0xc9: {  	_ =	shalt  }
tec
execute0_lowered:
.L_overlay_start_1:
0x0: {  	(tag) =	ssettag $0x1  }
0x1: {  	s2 =	rddreg [dreg:$0x0]  }
0x2: {  	s5 =	rddreg [dreg:$0x1]  }
0x3: {  	s0 =	stileid.u32;
	s4 =	srdreg.scid  }
0x4: {  	s1 =	rddreg [dreg:$0x2];
	s9 =	simm.s32 $0xB;
	s10 =	simm.s32 $0x80  }
0x5: {  	s12 =	simm.s32 $0x2800;
	s11 =	simm.s32 $0x1;
	s13 =	simm.s32 $0x6800  }
0x6: {  	s14 =	simm.s32 $0xA800;
	s15 =	simm.s32 $0xE800;
	s16 =	simm.s32 $0x6  }
0x7: {  	s17 =	simm.s32 $0x7;
	s18 =	simm.s32 $0x8;
	s19 =	simm.s32 $0x9  }
0x8: {  	s20 =	simm.s32 $0xA;
	s6 =	sand.u32 $0x1, s4;
	s4 =	simm.s32 $0x0  }
0x9: {  	s21 =	simm.s32 $0x0;
	s3 =	smul.u32 $0x2800, s0;
	[smem:$0x7FF] =	sst s4  }
0xa: {  	p0 =	seq.s32 s6, $0x0;
	_ =	strace $0x80000047;
	[dreg:$0x3] =	wrdreg s10  }
0xb: {  	s6 =	ssub.s32 $0x2, s6;
	s7 =	sadd.s32 $0x28000, s3;
	[dreg:$0x4] =	wrdreg s12  }
0xc: {  	s8 =	sshrl.u32 s6, $0x1;
	s10 =	simm.s32 $0x12800;
	[dreg:$0x5] =	wrdreg s13  }
0xd: {  	s12 =	simm.s32 $0x2;
	s13 =	simm.s32 $0x3;
	[dreg:$0x6] =	wrdreg s14  }
0xe: {  	s14 =	simm.s32 $0x4;
	[dreg:$0x7] =	wrdreg s15;
	s3 =	smov.u32 @p0 s7  }
0xf: {  	s15 =	simm.s32 $0x5;
	s8 =	ssub.s32 s6, s8;
	s7 =	sshrl.u32 s3, $0x3  }
0x10: {  	s31 =	sshll.u32 s3, $0x4;
	s7 =	sadd.s32 s7, s5;
	s5 =	sadd.s32 $0x12400, s5  }
0x11: {  	s6 =	sadd.s32 $0x8400, s7;
	s7 =	smax.u32 s8, $0x1;
	s8 =	sadd.s32 s31, s5  }
.LBB2_1:
0x12: {  	[tilespmem:s4], [sflag:$0xB] =	stream.linear.gather [hbm4b:s6+s4], $0x2800, $0x38;
	[tilespmem:$0x16800] =	vst v63  }
0x13: {  	_ =	swait.ge [sflag:s9], $0x2800  }
0x14: {  	p0 =	por $0x0, $0x0;
	[sflag:s9] =	ssyncset.done $0x0  }
0x15: {  	s22 =	simm.s32 @p0 $0x6;
	[sflag:s9] =	ssyncadd.s32 $0xFFFFD800  }
0x16: {  	_ =	swait.ge @p0 [sflag:s22], $0x4000  }
0x17: {  	s23 =	simm.s32 @p0 $0x7;
	[sflag:s22] =	ssyncset.done @p0 $0x0  }
0x18: {  	s24 =	simm.s32 @p0 $0x2800;
	[sflag:s22] =	ssyncadd.s32 @p0 $0xFFFFC000;
	s22 =	simm.s32 @p0 $0x80  }
0x19: {  	[tilespmem:s24], [sflag:$0x1] =	stream.indirect.gather @p0 [hbm4b:s2+s22], $0x80, s4, s22, $0xb8;
	[tilespmem:$0x16800] =	vst v63  }
0x1a: {  	_ =	swait.ge @p0 [sflag:s23], $0x4000  }
0x1b: {  	s25 =	simm.s32 @p0 $0x6800;
	[sflag:s23] =	ssyncset.done @p0 $0x0  }
0x1c: {  	s24 =	simm.s32 @p0 $0x8;
	[sflag:s23] =	ssyncadd.s32 @p0 $0xFFFFC000;
	s23 =	simm.s32 @p0 $0x80  }
0x1d: {  	[tilespmem:s25], [sflag:$0x2] =	stream.indirect.gather @p0 [hbm4b:s2+s22], $0x80, s23, s22, $0xb8;
	[tilespmem:$0x16800] =	vst v63  }
0x1e: {  	_ =	swait.ge @p0 [sflag:s24], $0x4000  }
0x1f: {  	s23 =	simm.s32 @p0 $0x9;
	[sflag:s24] =	ssyncset.done @p0 $0x0  }
0x20: {  	s25 =	simm.s32 @p0 $0xA800;
	[sflag:s24] =	ssyncadd.s32 @p0 $0xFFFFC000;
	s24 =	simm.s32 @p0 $0x100  }
0x21: {  	[tilespmem:s25], [sflag:$0x3] =	stream.indirect.gather @p0 [hbm4b:s2+s22], $0x80, s24, s22, $0xb8;
	[tilespmem:$0x16800] =	vst v63  }
0x22: {  	_ =	swait.ge @p0 [sflag:s23], $0x4000  }
0x23: {  	s24 =	simm.s32 @p0 $0xA;
	[sflag:s23] =	ssyncset.done @p0 $0x0  }
0x24: {  	s25 =	simm.s32 @p0 $0xE800;
	[sflag:s23] =	ssyncadd.s32 @p0 $0xFFFFC000;
	s23 =	simm.s32 @p0 $0x180  }
0x25: {  	[tilespmem:s25], [sflag:$0x4] =	stream.indirect.gather @p0 [hbm4b:s2+s22], $0x80, s23, s22, $0xb8;
	[tilespmem:$0x16800] =	vst v63  }
0x26: {  	_ =	swait.ge @p0 [sflag:s24], $0x4000  }
0x27: {  	[sflag:s24] =	ssyncset.done @p0 $0x0  }
0x28: {  	s22 =	simm.s32 @!p0 $0x80;
	s23 =	simm.s32 @!p0 $0x2800;
	[sflag:s24] =	ssyncadd.s32 @p0 $0xFFFFC000  }
0x29: {  	[tilespmem:s23], [sflag:$0x1] =	stream.indirect.gather @!p0 [hbm4b:s2+s22], $0x80, s4, s22, $0xb8;
	[tilespmem:$0x16800] =	vst v63  }
0x2a: {  	s23 =	simm.s32 @!p0 $0x6800  }
0x2b: {  	[tilespmem:s23], [sflag:$0x2] =	stream.indirect.gather @!p0 [hbm4b:s2+s22], $0x80, s22, s22, $0xb8;
	[tilespmem:$0x16800] =	vst v63  }
0x2c: {  	s25 =	simm.s32 @!p0 $0xA800;
	s23 =	simm.s32 @!p0 $0x100  }
0x2d: {  	[tilespmem:s25], [sflag:$0x3] =	stream.indirect.gather @!p0 [hbm4b:s2+s22], $0x80, s23, s22, $0xb8;
	[tilespmem:$0x16800] =	vst v63  }
0x2e: {  	s24 =	simm.s32 $0x200;
	s23 =	simm.s32 @!p0 $0x180;
	s25 =	simm.s32 @!p0 $0xE800  }
0x2f: {  	[tilespmem:s25], [sflag:$0x4] =	stream.indirect.gather @!p0 [hbm4b:s2+s22], $0x80, s23, s22, $0xb8;
	[tilespmem:$0x16800] =	vst v63  }
0x30: {  	s26 =	rddreg [dreg:$0x3];
	s24 =	simm.s32 @!p0 $0x200;
	s23 =	simm.s32 @p0 $0x80  }
0x31: {  	[tilespmem:s10], [sflag:$0x5] =	stream.indirect.gather [hbm4b:s2+s26], $0x80, s24, s26, $0xb8;
	[tilespmem:$0x16800] =	vst v63  }
0x32: {  	s23 =	simm.s32 @!p0 $0x80;
	_ =	swait.ge [sflag:s11], $0x4000  }
0x33: {  	s25 =	sadd.s32 s3, s23;
	[sflag:s11] =	ssyncset.done $0x0  }
0x34: {  	s23 =	sadd.s32 $0x2800, s8;
	s31 =	rddreg [dreg:$0x4];
	[sflag:s11] =	ssyncadd.s32 $0xFFFFC000  }
0x35: {  	[hbm4b:s8+s4] =	stream.linear.scatter [tilespmem:s31], [sflag:$0x6], $0x4000, $0x38;
	[tilespmem:$0x16800] =	vst v63  }
0x36: {  	s22 =	sshll.u32 s25, $0x4;
	s25 =	simm.s32 @p0 $0x100;
	_ =	swait.ge [sflag:s12], $0x4000  }
0x37: {  	s22 =	sadd.s32 s5, s22;
	s25 =	simm.s32 @!p0 $0x100;
	[sflag:s12] =	ssyncset.done $0x0  }
0x38: {  	s29 =	sadd.s32 s3, s25;
	s26 =	rddreg [dreg:$0x5];
	[sflag:s12] =	ssyncadd.s32 $0xFFFFC000  }
0x39: {  	[hbm4b:s22+s4] =	stream.linear.scatter [tilespmem:s26], [sflag:$0x7], $0x4000, $0x38;
	[tilespmem:$0x16800] =	vst v63  }
0x3a: {  	s24 =	sadd.s32 s3, s24;
	s22 =	sshll.u32 s29, $0x4;
	_ =	swait.ge [sflag:s13], $0x4000  }
0x3b: {  	s26 =	simm.s32 @p0 $0x180;
	s22 =	sadd.s32 s5, s22;
	[sflag:s13] =	ssyncset.done $0x0  }
0x3c: {  	s26 =	simm.s32 @!p0 $0x180;
	s30 =	rddreg [dreg:$0x6];
	[sflag:s13] =	ssyncadd.s32 $0xFFFFC000  }
0x3d: {  	[hbm4b:s22+s4] =	stream.linear.scatter [tilespmem:s30], [sflag:$0x8], $0x4000, $0x38;
	[tilespmem:$0x16800] =	vst v63  }
0x3e: {  	s25 =	simm.s32 $0x700;
	s26 =	sadd.s32 s3, s26;
	_ =	swait.ge [sflag:s14], $0x4000  }
0x3f: {  	s31 =	sshll.u32 s24, $0x4;
	s26 =	sshll.u32 s26, $0x4;
	[sflag:s14] =	ssyncset.done $0x0  }
0x40: {  	s26 =	sadd.s32 s5, s26;
	s28 =	rddreg [dreg:$0x7];
	[sflag:s14] =	ssyncadd.s32 $0xFFFFC000  }
0x41: {  	[hbm4b:s26+s4] =	stream.linear.scatter [tilespmem:s28], [sflag:$0x9], $0x4000, $0x38;
	[tilespmem:$0x16800] =	vst v63  }
0x42: {  	s24 =	simm.s32 $0x280;
	p0 =	por $0x1, $0x1;
	_ =	swait.ge [sflag:s15], $0x4000  }
0x43: {  	s22 =	simm.s32 $0x480;
	s28 =	sadd.s32 s5, s31;
	[sflag:s15] =	ssyncset.done $0x0  }
.LBB2_2:
0x44: {  	s29 =	simm.s32 @p0 $0x6;
	[sflag:s15] =	ssyncadd.s32 $0xFFFFC000  }
0x45: {  	[hbm4b:s28+s4] =	stream.linear.scatter [tilespmem:s10], [sflag:$0xA], $0x4000, $0x38;
	[tilespmem:$0x16800] =	vst v63  }
0x46: {  	_ =	swait.ge @p0 [sflag:s29], $0x4000  }
0x47: {  	s30 =	simm.s32 @p0 $0x2800;
	[sflag:s29] =	ssyncset.done @p0 $0x0  }
0x48: {  	s28 =	simm.s32 @p0 $0x7;
	[sflag:s29] =	ssyncadd.s32 @p0 $0xFFFFC000;
	s29 =	simm.s32 @p0 $0x80  }
0x49: {  	[tilespmem:s30], [sflag:$0x1] =	stream.indirect.gather @p0 [hbm4b:s2+s29], $0x80, s24, s29, $0xb8;
	[tilespmem:$0x16800] =	vst v63  }
0x4a: {  	_ =	swait.ge @p0 [sflag:s28], $0x4000  }
0x4b: {  	s31 =	simm.s32 @p0 $0x6800;
	[sflag:s28] =	ssyncset.done @p0 $0x0  }
0x4c: {  	s30 =	simm.s32 @p0 $0x8;
	[sflag:s28] =	ssyncadd.s32 @p0 $0xFFFFC000;
	s28 =	sadd.s32 @p0 $0x80, s24  }
0x4d: {  	[tilespmem:s31], [sflag:$0x2] =	stream.indirect.gather @p0 [hbm4b:s2+s29], $0x80, s28, s29, $0xb8;
	[tilespmem:$0x16800] =	vst v63  }
0x4e: {  	_ =	swait.ge @p0 [sflag:s30], $0x4000  }
0x4f: {  	s28 =	simm.s32 @p0 $0x9;
	[sflag:s30] =	ssyncset.done @p0 $0x0  }
0x50: {  	s31 =	simm.s32 @p0 $0xA800;
	[sflag:s30] =	ssyncadd.s32 @p0 $0xFFFFC000;
	s30 =	sadd.s32 @p0 $0x100, s24  }
0x51: {  	[tilespmem:s31], [sflag:$0x3] =	stream.indirect.gather @p0 [hbm4b:s2+s29], $0x80, s30, s29, $0xb8;
	[tilespmem:$0x16800] =	vst v63  }
0x52: {  	_ =	swait.ge @p0 [sflag:s28], $0x4000  }
0x53: {  	s30 =	simm.s32 @p0 $0xA;
	[sflag:s28] =	ssyncset.done @p0 $0x0  }
0x54: {  	s31 =	simm.s32 @p0 $0xE800;
	[sflag:s28] =	ssyncadd.s32 @p0 $0xFFFFC000;
	s28 =	sadd.s32 @p0 $0x180, s24  }
0x55: {  	[tilespmem:s31], [sflag:$0x4] =	stream.indirect.gather @p0 [hbm4b:s2+s29], $0x80, s28, s29, $0xb8;
	[tilespmem:$0x16800] =	vst v63  }
0x56: {  	_ =	swait.ge @p0 [sflag:s30], $0x4000  }
0x57: {  	[sflag:s30] =	ssyncset.done @p0 $0x0  }
0x58: {  	s28 =	simm.s32 @!p0 $0x80;
	s29 =	simm.s32 @!p0 $0x2800;
	[sflag:s30] =	ssyncadd.s32 @p0 $0xFFFFC000  }
0x59: {  	[tilespmem:s29], [sflag:$0x1] =	stream.indirect.gather @!p0 [hbm4b:s2+s28], $0x80, s24, s28, $0xb8;
	[tilespmem:$0x16800] =	vst v63  }
0x5a: {  	s29 =	simm.s32 @!p0 $0x6800  }
0x5b: {  	[tilespmem:s29], [sflag:$0x2] =	stream.indirect.gather @!p0 [hbm4b:s2+s28], $0x80, s28, s28, $0xb8;
	[tilespmem:$0x16800] =	vst v63  }
0x5c: {  	s30 =	simm.s32 @!p0 $0xA800;
	s29 =	simm.s32 @!p0 $0x100  }
0x5d: {  	[tilespmem:s30], [sflag:$0x3] =	stream.indirect.gather @!p0 [hbm4b:s2+s28], $0x80, s29, s28, $0xb8;
	[tilespmem:$0x16800] =	vst v63  }
0x5e: {  	s29 =	simm.s32 @!p0 $0x180;
	s30 =	simm.s32 @!p0 $0xE800  }
0x5f: {  	[tilespmem:s30], [sflag:$0x4] =	stream.indirect.gather @!p0 [hbm4b:s2+s28], $0x80, s29, s28, $0xb8;
	[tilespmem:$0x16800] =	vst v63  }
0x60: {  	s28 =	smov.u32 s22  }
0x61: {  	s31 =	rddreg [dreg:$0x3];
	s28 =	simm.s32 @!p0 $0x200  }
0x62: {  	[tilespmem:s10], [sflag:$0x5] =	stream.indirect.gather [hbm4b:s2+s31], $0x80, s28, s31, $0xb8;
	[tilespmem:$0x16800] =	vst v63  }
0x63: {  	s26 =	smov.u32 s25;
	_ =	swait.ge [sflag:s11], $0x4000  }
0x64: {  	s25 =	sadd.s32 $0x280, s25;
	s30 =	sadd.s32 @p0 $0xFFFFFE80, s22;
	[sflag:s11] =	ssyncset.done $0x0  }
0x65: {  	s30 =	simm.s32 @!p0 $0x80;
	s31 =	rddreg [dreg:$0x4];
	[sflag:s11] =	ssyncadd.s32 $0xFFFFC000  }
0x66: {  	[hbm4b:s23+s4] =	stream.linear.scatter [tilespmem:s31], [sflag:$0x6], $0x4000, $0x38;
	[tilespmem:$0x16800] =	vst v63  }
0x67: {  	p1 =	sne.s32 s25, $0x2A00;
	s24 =	sadd.s32 $0x280, s24;
	s31 =	sadd.s32 s3, s30  }
0x68: {  	_ =	swait.ge [sflag:s12], $0x4000;
	s29 =	sshll.u32 s31, $0x4;
	s31 =	sadd.s32 @p0 $0xFFFFFF00, s22  }
0x69: {  	s30 =	rddreg [dreg:$0x5];
	[sflag:s12] =	ssyncset.done $0x0;
	s31 =	simm.s32 @!p0 $0x100  }
0x6a: {  	s29 =	sadd.s32 s5, s29;
	[sflag:s12] =	ssyncadd.s32 $0xFFFFC000;
	s31 =	sadd.s32 s3, s31  }
0x6b: {  	[hbm4b:s29+s4] =	stream.linear.scatter [tilespmem:s30], [sflag:$0x7], $0x4000, $0x38;
	[tilespmem:$0x16800] =	vst v63  }
0x6c: {  	s28 =	sadd.s32 s3, s28;
	s29 =	sshll.u32 s31, $0x4;
	_ =	swait.ge [sflag:s13], $0x4000  }
0x6d: {  	s31 =	sadd.s32 @p0 $0xFFFFFF80, s22;
	s29 =	sadd.s32 s5, s29;
	[sflag:s13] =	ssyncset.done $0x0  }
0x6e: {  	s31 =	simm.s32 @!p0 $0x180;
	s30 =	rddreg [dreg:$0x6];
	[sflag:s13] =	ssyncadd.s32 $0xFFFFC000  }
0x6f: {  	[hbm4b:s29+s4] =	stream.linear.scatter [tilespmem:s30], [sflag:$0x8], $0x4000, $0x38;
	[tilespmem:$0x16800] =	vst v63  }
0x70: {  	s22 =	smov.u32 s26;
	s31 =	sadd.s32 s3, s31;
	_ =	swait.ge [sflag:s14], $0x4000  }
.Ltmp0:
0x71: {  	s26 =	sshll.u32 s31, $0x4;
	[sflag:s14] =	ssyncset.done $0x0;
	(pc) =	sbr.rel @p1 .LBB2_2-.Ltmp0, $4  }
0x72: {  	s26 =	sadd.s32 s5, s26;
	s30 =	rddreg [dreg:$0x7];
	[sflag:s14] =	ssyncadd.s32 $0xFFFFC000  }
0x73: {  	[hbm4b:s26+s4] =	stream.linear.scatter [tilespmem:s30], [sflag:$0x9], $0x4000, $0x38;
	[tilespmem:$0x16800] =	vst v63  }
0x74: {  	s23 =	sadd.s32 $0x2800, s23;
	s31 =	sshll.u32 s28, $0x4;
	_ =	swait.ge [sflag:s15], $0x4000  }
0x75: {  	p0 =	sne.s32 s22, $0x200;
	s28 =	sadd.s32 s5, s31;
	[sflag:s15] =	ssyncset.done $0x0  }
0x76: {  	s25 =	simm.s32 @p0 $0x6;
	[sflag:s15] =	ssyncadd.s32 $0xFFFFC000  }
0x77: {  	[hbm4b:s28+s4] =	stream.linear.scatter [tilespmem:s10], [sflag:$0xA], $0x4000, $0x38;
	[tilespmem:$0x16800] =	vst v63  }
0x78: {  	_ =	swait.ge @p0 [sflag:s25], $0x4000  }
0x79: {  	s26 =	simm.s32 @p0 $0x7;
	[sflag:s25] =	ssyncset.done @p0 $0x0  }
0x7a: {  	s28 =	simm.s32 @p0 $0x2800;
	[sflag:s25] =	ssyncadd.s32 @p0 $0xFFFFC000;
	s25 =	simm.s32 @p0 $0x80  }
0x7b: {  	[tilespmem:s28], [sflag:$0x1] =	stream.indirect.gather @p0 [hbm4b:s2+s25], $0x80, s24, s25, $0xb8;
	[tilespmem:$0x16800] =	vst v63  }
0x7c: {  	_ =	swait.ge @p0 [sflag:s26], $0x4000  }
0x7d: {  	s29 =	simm.s32 @p0 $0x6800;
	[sflag:s26] =	ssyncset.done @p0 $0x0  }
0x7e: {  	s28 =	simm.s32 @p0 $0x8;
	[sflag:s26] =	ssyncadd.s32 @p0 $0xFFFFC000;
	s26 =	sadd.s32 @p0 $0x80, s24  }
0x7f: {  	[tilespmem:s29], [sflag:$0x2] =	stream.indirect.gather @p0 [hbm4b:s2+s25], $0x80, s26, s25, $0xb8;
	[tilespmem:$0x16800] =	vst v63  }
0x80: {  	_ =	swait.ge @p0 [sflag:s28], $0x4000  }
0x81: {  	s26 =	simm.s32 @p0 $0x9;
	[sflag:s28] =	ssyncset.done @p0 $0x0  }
0x82: {  	s29 =	simm.s32 @p0 $0xA800;
	[sflag:s28] =	ssyncadd.s32 @p0 $0xFFFFC000;
	s28 =	sadd.s32 @p0 $0x100, s24  }
0x83: {  	[tilespmem:s29], [sflag:$0x3] =	stream.indirect.gather @p0 [hbm4b:s2+s25], $0x80, s28, s25, $0xb8;
	[tilespmem:$0x16800] =	vst v63  }
0x84: {  	_ =	swait.ge @p0 [sflag:s26], $0x4000  }
0x85: {  	s28 =	simm.s32 @p0 $0xA;
	[sflag:s26] =	ssyncset.done @p0 $0x0  }
0x86: {  	s29 =	simm.s32 @p0 $0xE800;
	[sflag:s26] =	ssyncadd.s32 @p0 $0xFFFFC000;
	s26 =	sadd.s32 @p0 $0x180, s24  }
0x87: {  	[tilespmem:s29], [sflag:$0x4] =	stream.indirect.gather @p0 [hbm4b:s2+s25], $0x80, s26, s25, $0xb8;
	[tilespmem:$0x16800] =	vst v63  }
0x88: {  	_ =	swait.ge @p0 [sflag:s28], $0x4000  }
0x89: {  	[sflag:s28] =	ssyncset.done @p0 $0x0  }
0x8a: {  	s25 =	simm.s32 @!p0 $0x80;
	s26 =	simm.s32 @!p0 $0x2800;
	[sflag:s28] =	ssyncadd.s32 @p0 $0xFFFFC000  }
0x8b: {  	[tilespmem:s26], [sflag:$0x1] =	stream.indirect.gather @!p0 [hbm4b:s2+s25], $0x80, s24, s25, $0xb8;
	[tilespmem:$0x16800] =	vst v63  }
0x8c: {  	s24 =	simm.s32 @!p0 $0x6800  }
0x8d: {  	[tilespmem:s24], [sflag:$0x2] =	stream.indirect.gather @!p0 [hbm4b:s2+s25], $0x80, s25, s25, $0xb8;
	[tilespmem:$0x16800] =	vst v63  }
0x8e: {  	s26 =	simm.s32 @!p0 $0xA800;
	s24 =	simm.s32 @!p0 $0x100  }
0x8f: {  	[tilespmem:s26], [sflag:$0x3] =	stream.indirect.gather @!p0 [hbm4b:s2+s25], $0x80, s24, s25, $0xb8;
	[tilespmem:$0x16800] =	vst v63  }
0x90: {  	s24 =	simm.s32 @!p0 $0x180;
	s26 =	simm.s32 @!p0 $0xE800  }
0x91: {  	[tilespmem:s26], [sflag:$0x4] =	stream.indirect.gather @!p0 [hbm4b:s2+s25], $0x80, s24, s25, $0xb8;
	[tilespmem:$0x16800] =	vst v63  }
0x92: {  	s24 =	smov.u32 s22  }
0x93: {  	s31 =	rddreg [dreg:$0x3];
	s24 =	simm.s32 @!p0 $0x200  }
0x94: {  	[tilespmem:s10], [sflag:$0x5] =	stream.indirect.gather [hbm4b:s2+s31], $0x80, s24, s31, $0xb8;
	[tilespmem:$0x16800] =	vst v63  }
0x95: {  	_ =	swait.ge [sflag:s11], $0x4000  }
0x96: {  	s26 =	sadd.s32 @p0 $0xFFFFFE80, s22;
	[sflag:s11] =	ssyncset.done $0x0  }
0x97: {  	s26 =	simm.s32 @!p0 $0x80;
	s29 =	rddreg [dreg:$0x4];
	[sflag:s11] =	ssyncadd.s32 $0xFFFFC000  }
0x98: {  	[hbm4b:s23+s4] =	stream.linear.scatter [tilespmem:s29], [sflag:$0x6], $0x4000, $0x38;
	[tilespmem:$0x16800] =	vst v63  }
0x99: {  	s30 =	sadd.s32 s3, s26;
	s26 =	sadd.s32 @p0 $0xFFFFFF00, s22;
	_ =	swait.ge [sflag:s12], $0x4000  }
0x9a: {  	s26 =	simm.s32 @!p0 $0x100;
	s23 =	sshll.u32 s30, $0x4;
	[sflag:s12] =	ssyncset.done $0x0  }
0x9b: {  	s23 =	sadd.s32 s5, s23;
	s31 =	rddreg [dreg:$0x5];
	[sflag:s12] =	ssyncadd.s32 $0xFFFFC000  }
0x9c: {  	[hbm4b:s23+s4] =	stream.linear.scatter [tilespmem:s31], [sflag:$0x7], $0x4000, $0x38;
	[tilespmem:$0x16800] =	vst v63  }
0x9d: {  	s22 =	sadd.s32 @p0 $0xFFFFFF80, s22;
	s28 =	sadd.s32 s3, s26;
	_ =	swait.ge [sflag:s13], $0x4000  }
0x9e: {  	s22 =	simm.s32 @!p0 $0x180;
	s23 =	sshll.u32 s28, $0x4;
	[sflag:s13] =	ssyncset.done $0x0  }
0x9f: {  	s23 =	sadd.s32 s5, s23;
	s29 =	rddreg [dreg:$0x6];
	[sflag:s13] =	ssyncadd.s32 $0xFFFFC000  }
0xa0: {  	[hbm4b:s23+s4] =	stream.linear.scatter [tilespmem:s29], [sflag:$0x8], $0x4000, $0x38;
	[tilespmem:$0x16800] =	vst v63  }
0xa1: {  	s22 =	sadd.s32 s3, s22;
	_ =	swait.ge [sflag:s14], $0x4000  }
0xa2: {  	s22 =	sshll.u32 s22, $0x4;
	[sflag:s14] =	ssyncset.done $0x0  }
0xa3: {  	s22 =	sadd.s32 s5, s22;
	s30 =	rddreg [dreg:$0x7];
	[sflag:s14] =	ssyncadd.s32 $0xFFFFC000  }
0xa4: {  	[hbm4b:s22+s4] =	stream.linear.scatter [tilespmem:s30], [sflag:$0x9], $0x4000, $0x38;
	[tilespmem:$0x16800] =	vst v63  }
0xa5: {  	s31 =	sadd.s32 s3, s24;
	_ =	swait.ge [sflag:s15], $0x4000  }
0xa6: {  	s22 =	sshll.u32 s31, $0x4;
	[sflag:s15] =	ssyncset.done $0x0  }
0xa7: {  	s22 =	sadd.s32 s5, s22;
	[sflag:s15] =	ssyncadd.s32 $0xFFFFC000  }
0xa8: {  	[hbm4b:s22+s4] =	stream.linear.scatter [tilespmem:s10], [sflag:$0xA], $0x4000, $0x38;
	[tilespmem:$0x16800] =	vst v63  }
0xa9: {  	_ =	swait.ge [sflag:s16], $0x4000  }
0xaa: {  	[sflag:s16] =	ssyncset.done $0x0  }
0xab: {  	[sflag:s16] =	ssyncadd.s32 $0xFFFFC000  }
0xac: {  	_ =	swait.ge [sflag:s17], $0x4000  }
0xad: {  	[sflag:s17] =	ssyncset.done $0x0  }
0xae: {  	[sflag:s17] =	ssyncadd.s32 $0xFFFFC000  }
0xaf: {  	_ =	swait.ge [sflag:s18], $0x4000  }
0xb0: {  	[sflag:s18] =	ssyncset.done $0x0  }
0xb1: {  	s21 =	sadd.s32 $0x1, s21;
	[sflag:s18] =	ssyncadd.s32 $0xFFFFC000  }
0xb2: {  	p0 =	sne.s32 s21, s7;
	_ =	swait.ge [sflag:s19], $0x4000  }
.Ltmp1:
0xb3: {  	[sflag:s19] =	ssyncset.done $0x0;
	(pc) =	sbr.rel @p0 .LBB2_1-.Ltmp1, $4  }
0xb4: {  	[sflag:s19] =	ssyncadd.s32 $0xFFFFC000  }
0xb5: {  	_ =	swait.ge [sflag:s20], $0x4000  }
0xb6: {  	[sflag:s20] =	ssyncset.done $0x0  }
0xb7: {  	[sflag:s20] =	ssyncadd.s32 $0xFFFFC000  }
0xb8: {  	_ =	sfence.sel $0x180000  }
0xb9: {  	[bflag:$0x0] =	sbarrier.arrive $0xFFFF  }
0xba: {  	p0 =	sne.s32 s0, $0x0;
	_ =	strace $0x90000047  }
0xbb: {  	s0 =	sadd.s32 @!p0 $0x100000, s1;
	[bflag:$0x2] =	sbarrier.arrive $0xFFFF  }
0xbc: {  	[sflag:s0] =	ssyncadd.tile.s32 @!p0 $0x1;
	_ =	shalt  }
.Lfunc_end2:
_tile_overlayer_lowered:
.L_overlay_start_2:
0xbd: {  	(tag) =	ssettag $0x2  }
0xbe: {  	s0 =	rddreg [dreg:$0x0];
	s2 =	stileid.u32  }
0xbf: {  	s1 =	rddreg [dreg:$0x1];
	p0 =	sne.s32 s2, $0x0  }
0xc0: {  	s3 =	rddreg [dreg:$0x2];
	[bflag:$0x3] =	sbarrier.arrive $0xFFFF;
	s2 =	simm.s32 @!p0 $0x1C0B  }
0xc1: {  	[timem:s3], [sflag:s2] =	dma.local @!p0 [hbm:s0], s1  }
0xc2: {  	s0 =	simm.s32 @!p0 $0xB  }
0xc3: {  	_ =	swait.ge @!p0 [sflag:s0], s1  }
0xc4: {  	s1 =	ssub.s32 @!p0 $0x0, s1;
	[sflag:s0] =	ssyncset.done @!p0 $0x0  }
0xc5: {  	[sflag:s0] =	ssyncadd.s32 @!p0 s1  }
0xc6: {  	[bflag:$0x3] =	sbarrier.arrive $0xFFFF  }
0xc7: {  	_ =	shalt  }

</sc_bundles>
